<compile_context>
chip_gen: v7x
topology: tpu7x:2x2x1
jax: 0.10.2.dev20260603
libtpu: 0.0.44.dev20260713+nightly
codegen_flags: <defaults>
</compile_context>

<pallas_src>
import functools

import jax
import jax.numpy as jnp
from jax import lax
from jax.experimental import pallas as pl
from jax.experimental.pallas import tpu as pltpu
from jax.experimental.pallas import tpu_sc as plsc

M = 1024
DH = 2048
E = 8
T = 4096
K = 2

BLK = 256
NB = (K * T) // BLK + E
P_PAD = NB * BLK

NW = 32

_SQRT_HALF = 0.7071067811865476


def _gating_body(x_ref, wg_ref, wgb_ref, wn_ref, wnb_ref, noise_ref,
                 idx_ref, gv_ref, imp_ref, load_ref, xbf_ref):
    t = pl.program_id(0)
    x = x_ref[...]
    xbf = x.astype(jnp.bfloat16)
    lo = lax.bitcast_convert_type(xbf[:, :M // 2], jnp.uint16)
    hi = lax.bitcast_convert_type(xbf[:, M // 2:], jnp.uint16)
    packed = lo.astype(jnp.uint32) | (hi.astype(jnp.uint32) << 16)
    xbf_ref[...] = lax.bitcast_convert_type(packed, jnp.int32)
    logits = lax.dot_general(
        x, wg_ref[...], (((1,), (1,)), ((), ())),
        preferred_element_type=jnp.float32) + wgb_ref[...]
    pre = lax.dot_general(
        x, wn_ref[...], (((1,), (1,)), ((), ())),
        preferred_element_type=jnp.float32) + wnb_ref[...]
    noise_scale = jax.nn.softplus(pre)
    h = logits + noise_ref[...] * noise_scale

    tm = h.shape[0]
    iota = lax.broadcasted_iota(jnp.int32, (tm, E), 1)
    neg_inf = jnp.float32(-jnp.inf)

    m1 = jnp.max(h, axis=1, keepdims=True)
    i1 = jnp.min(jnp.where(h == m1, iota, E), axis=1, keepdims=True)
    mask1 = iota == i1
    h2 = jnp.where(mask1, neg_inf, h)
    m2 = jnp.max(h2, axis=1, keepdims=True)
    i2 = jnp.min(jnp.where(h2 == m2, iota, E), axis=1, keepdims=True)
    mask2 = iota == i2
    h3 = jnp.where(mask2, neg_inf, h2)
    m3 = jnp.max(h3, axis=1, keepdims=True)

    e2 = jnp.exp(m2 - m1)
    denom = 1.0 + e2
    g1 = 1.0 / denom
    g2 = e2 / denom
    gates = jnp.where(mask1, g1, 0.0) + jnp.where(mask2, g2, 0.0)
    idx_ref[...] = jnp.concatenate([i1, i2], axis=1)
    gv_ref[...] = jnp.concatenate([g1, g2], axis=1)

    psi = jnp.where(h > m2, m2, jnp.where(h <= m3, m3, h))
    z = (logits - psi) / noise_scale
    p = 0.5 * (1.0 + lax.erf(z * _SQRT_HALF))

    imp_part = jnp.sum(gates, axis=0, keepdims=True)
    load_part = jnp.sum(p, axis=0, keepdims=True)

    @pl.when(t == 0)
    def _():
        imp_ref[...] = imp_part
        load_ref[...] = load_part

    @pl.when(t != 0)
    def _():
        imp_ref[...] += imp_part
        load_ref[...] += load_part


def _gating(flat, wg_w, wg_b, wn_w, wn_b, noise, tm=1024):
    nt = T // tm
    return pl.pallas_call(
        _gating_body,
        grid=(nt,),
        in_specs=[
            pl.BlockSpec((tm, M), lambda t: (t, 0)),
            pl.BlockSpec((E, M), lambda t: (0, 0)),
            pl.BlockSpec((1, E), lambda t: (0, 0)),
            pl.BlockSpec((E, M), lambda t: (0, 0)),
            pl.BlockSpec((1, E), lambda t: (0, 0)),
            pl.BlockSpec((tm, E), lambda t: (t, 0)),
        ],
        out_specs=[
            pl.BlockSpec((tm, 2), lambda t: (t, 0)),
            pl.BlockSpec((tm, 2), lambda t: (t, 0)),
            pl.BlockSpec((1, E), lambda t: (0, 0)),
            pl.BlockSpec((1, E), lambda t: (0, 0)),
            pl.BlockSpec((tm, M // 2), lambda t: (t, 0)),
        ],
        out_shape=[
            jax.ShapeDtypeStruct((T, 2), jnp.int32),
            jax.ShapeDtypeStruct((T, 2), jnp.float32),
            jax.ShapeDtypeStruct((1, E), jnp.float32),
            jax.ShapeDtypeStruct((1, E), jnp.float32),
            jax.ShapeDtypeStruct((T, M // 2), jnp.int32),
        ],
    )(flat, wg_w, wg_b, wn_w, wn_b, noise)


def _route(idx, gv):
    a = jnp.concatenate([idx[:, 0], idx[:, 1]])
    g = jnp.concatenate([gv[:, 0], gv[:, 1]])
    ar = jnp.arange(T, dtype=jnp.int32)
    tok = jnp.concatenate([ar, ar])
    onehot = (a[:, None] == jnp.arange(E, dtype=jnp.int32)[None, :])
    onehot = onehot.astype(jnp.int32)
    csum = jnp.cumsum(onehot, axis=0)
    counts = csum[-1]
    rank = jnp.sum(csum * onehot, axis=1) - 1
    cnt_pad = ((counts + BLK - 1) // BLK) * BLK
    ends = jnp.cumsum(cnt_pad)
    offs = ends - cnt_pad
    pos = jnp.sum(offs[None, :] * onehot, axis=1) + rank
    tok_of_slot = jnp.zeros((P_PAD,), jnp.int32).at[pos].set(tok)
    gate_of_slot = jnp.zeros((P_PAD,), jnp.float32).at[pos].set(g)
    bstart = jnp.arange(NB, dtype=jnp.int32) * BLK
    block_expert = jnp.minimum(
        jnp.sum((bstart[:, None] >= ends[None, :]).astype(jnp.int32), axis=1),
        E - 1).astype(jnp.int32)
    return tok_of_slot, gate_of_slot, block_expert, pos[:T], pos[T:]


def _sc_gather(flat_pk, tok_of_slot):
    m2 = M // 2
    n_slots = tok_of_slot.shape[0]
    rows_per_w = n_slots // NW
    c = rows_per_w // 2
    nch = rows_per_w // c
    assert rows_per_w % c == 0 and c % 8 == 0
    mesh = plsc.VectorSubcoreMesh(core_axis_name="c", subcore_axis_name="s")

    @functools.partial(
        pl.kernel, mesh=mesh,
        out_type=jax.ShapeDtypeStruct((n_slots, m2), jnp.int32),
        scratch_types=[
            pltpu.VMEM((rows_per_w,), jnp.int32),
            pltpu.VMEM((c, m2), jnp.int32),
            pltpu.VMEM((c, m2), jnp.int32),
            pltpu.SemaphoreType.DMA,
            pltpu.SemaphoreType.DMA,
        ],
    )
    def k(flat_hbm, idx_hbm, out_hbm, idx_v, buf_a, buf_b, sem_a, sem_b):
        wid = lax.axis_index("s") * 2 + lax.axis_index("c")
        base = wid * rows_per_w
        pltpu.sync_copy(idx_hbm.at[pl.ds(base, rows_per_w)], idx_v)
        bufs = (buf_a, buf_b)
        sems = (sem_a, sem_b)
        cps = [None, None]
        for ch in range(nch):
            p = ch % 2
            cps[p] = pltpu.async_copy(
                flat_hbm.at[idx_v.at[pl.ds(ch * c, c)]], bufs[p], sems[p])
            if ch >= 1:
                q = (ch - 1) % 2
                cps[q].wait()
                pltpu.sync_copy(bufs[q],
                                out_hbm.at[pl.ds(base + (ch - 1) * c, c)])
        cps[(nch - 1) % 2].wait()
        pltpu.sync_copy(bufs[(nch - 1) % 2],
                        out_hbm.at[pl.ds(base + (nch - 1) * c, c)])

    return k(flat_pk, tok_of_slot)


def _expert_body(be_ref, x_ref, g_ref, ww_ref, wb_ref, vw_ref, vb_ref,
                 w2w_ref, w2b_ref, *rest):
    out_ref = rest[-1]
    u = lax.bitcast_convert_type(x_ref[...], jnp.uint32)
    lo = lax.bitcast_convert_type((u & 0xFFFF).astype(jnp.uint16),
                                  jnp.bfloat16)
    hi = lax.bitcast_convert_type((u >> 16).astype(jnp.uint16),
                                  jnp.bfloat16)
    x = jnp.concatenate([lo, hi], axis=1)
    xv = lax.dot_general(
        x, vw_ref[...], (((1,), (1,)), ((), ())),
        preferred_element_type=jnp.float32) + vb_ref[...]
    xw = lax.dot_general(
        x, ww_ref[0], (((1,), (1,)), ((), ())),
        preferred_element_type=jnp.float32) + wb_ref[0]
    act = xw * jax.nn.sigmoid(xw) * xv
    contrib = lax.dot_general(
        act.astype(jnp.bfloat16), w2w_ref[...], (((1,), (1,)), ((), ())),
        preferred_element_type=jnp.float32) + w2b_ref[...]
    g = g_ref[0, 0, :].reshape(-1, 1)
    out_ref[...] = g * contrib


def _experts_half(be, x_half, g_half, ww, wb, vw, vb, w2w, w2b,
                  prev=None, blk_off=0):
    nb2 = be.shape[0]
    in_specs = [
        pl.BlockSpec((BLK, M // 2), lambda b, e: (b, 0)),
        pl.BlockSpec((1, 1, BLK), lambda b, e: (b, 0, 0)),
        pl.BlockSpec((1, DH, M), lambda b, e: (e[b], 0, 0)),
        pl.BlockSpec((1, 1, DH), lambda b, e: (e[b], 0, 0)),
        pl.BlockSpec((DH, M), lambda b, e: (0, 0)),
        pl.BlockSpec((1, DH), lambda b, e: (0, 0)),
        pl.BlockSpec((M, DH), lambda b, e: (0, 0)),
        pl.BlockSpec((1, M), lambda b, e: (0, 0)),
    ]
    args = [be, x_half, g_half.reshape(nb2, 1, BLK), ww, wb, vw, vb,
            w2w, w2b]
    aliases = {}
    if prev is not None:
        in_specs.append(pl.BlockSpec(memory_space=pl.ANY))
        args.append(prev)
        aliases = {9: 0}
    grid_spec = pltpu.PrefetchScalarGridSpec(
        num_scalar_prefetch=1,
        grid=(nb2,),
        in_specs=in_specs,
        out_specs=pl.BlockSpec((BLK, M), lambda b, e: (b + blk_off, 0)),
    )
    return pl.pallas_call(
        _expert_body,
        grid_spec=grid_spec,
        out_shape=jax.ShapeDtypeStruct((P_PAD, M), jnp.float32),
        input_output_aliases=aliases,
    )(*args)


def _sc_combine(rows, slot1, slot2):
    rows_per_w = T // NW
    c = 32
    nch = rows_per_w // c
    nsl = M // 16
    mesh = plsc.VectorSubcoreMesh(core_axis_name="c", subcore_axis_name="s")

    @functools.partial(
        pl.kernel, mesh=mesh,
        out_type=jax.ShapeDtypeStruct((T, M), jnp.float32),
        scratch_types=[
            pltpu.VMEM((c,), jnp.int32),
            pltpu.VMEM((c,), jnp.int32),
            pltpu.VMEM((c, M), jnp.float32),
            pltpu.VMEM((c, M), jnp.float32),
            pltpu.SemaphoreType.DMA,
            pltpu.SemaphoreType.DMA,
        ],
    )
    def k(rows_hbm, s1_hbm, s2_hbm, out_hbm, i1_v, i2_v, a_v, b_v, sa, sb):
        wid = lax.axis_index("s") * 2 + lax.axis_index("c")
        base = wid * rows_per_w

        def body(i, carry):
            b = base + i * c
            pltpu.sync_copy(s1_hbm.at[pl.ds(b, c)], i1_v)
            pltpu.sync_copy(s2_hbm.at[pl.ds(b, c)], i2_v)
            cp1 = pltpu.async_copy(rows_hbm.at[i1_v], a_v, sa)
            cp2 = pltpu.async_copy(rows_hbm.at[i2_v], b_v, sb)
            cp1.wait()
            cp2.wait()

            def add_row(j, carry2):
                for s in range(nsl):
                    sl = pl.ds(s * 16, 16)
                    a_v[j, sl] = a_v[j, sl] + b_v[j, sl]
                return carry2

            lax.fori_loop(0, c, add_row, 0)
            pltpu.sync_copy(a_v, out_hbm.at[pl.ds(b, c)])
            return carry

        lax.fori_loop(0, nch, body, 0)

    return k(rows, slot1, slot2)


def _cv_loss(v):
    return 0.01 * jnp.std(v) / (jnp.mean(v) + 1e-6)


def kernel(x, Wg_w, Wg_b, Wn_w, Wn_b, W_w, W_b, V_w, V_b, W2_w, W2_b):
    B, N, m = x.shape
    flat = x.reshape(B * N, m)
    noise = jax.random.normal(jax.random.key(1234), (T, E),
                              dtype=jnp.float32)

    idx, gv, imp, load, flat_pk = _gating(
        flat, Wg_w, Wg_b.reshape(1, E), Wn_w, Wn_b.reshape(1, E), noise)
    l_moe = _cv_loss(imp[0]) + _cv_loss(load[0])

    tok_of_slot, gate_of_slot, block_expert, slot1, slot2 = _route(idx, gv)

    half = P_PAD // 2
    nb2 = NB // 2
    x_a = _sc_gather(flat_pk, tok_of_slot[:half])
    x_b = _sc_gather(flat_pk, tok_of_slot[half:])

    wts = (W_w.astype(jnp.bfloat16), W_b.reshape(E, 1, DH),
           V_w.astype(jnp.bfloat16), V_b.reshape(1, DH),
           W2_w.astype(jnp.bfloat16), W2_b.reshape(1, M))
    rows_a = _experts_half(block_expert[:nb2], x_a, gate_of_slot[:half],
                           *wts)
    rows = _experts_half(block_expert[nb2:], x_b, gate_of_slot[half:],
                         *wts, prev=rows_a, blk_off=nb2)

    flat_out = _sc_combine(rows, slot1, slot2)
    return (flat_out.reshape(B, N, m), l_moe)

# --- scband reference (transcript-rebuilt; emitter-appended) ---
"""Pipeline reference for scband-mo-elayer-52750788329545 (READ-ONLY COPY).

The authoritative reference and input builder live on the scoring server;
editing this copy changes nothing except your own understanding.
"""

import jax, jax.numpy as jnp
import numpy as np

M = 1024
DH = 2048
E = 8
K = 2


def setup_inputs(seed: int = 0) -> dict:
    key = jax.random.key(seed)
    ks = jax.random.split(key, 8)
    x = jax.random.normal(ks[0], (2, 2048, M), dtype=jnp.float32)
    Wg_w = jax.random.normal(ks[1], (E, M), dtype=jnp.float32) * 0.02
    Wg_b = jnp.zeros((E,), dtype=jnp.float32)
    Wn_w = jax.random.normal(ks[2], (E, M), dtype=jnp.float32) * 0.02
    Wn_b = jnp.zeros((E,), dtype=jnp.float32)
    W_w = jax.random.normal(ks[3], (E, DH, M), dtype=jnp.float32) * 0.02
    W_b = jnp.zeros((E, DH), dtype=jnp.float32)
    V_w = jax.random.normal(ks[4], (DH, M), dtype=jnp.float32) * 0.02
    V_b = jnp.zeros((DH,), dtype=jnp.float32)
    W2_w = jax.random.normal(ks[5], (M, DH), dtype=jnp.float32) * 0.02
    W2_b = jnp.zeros((M,), dtype=jnp.float32)
    return {"x": x, "Wg_w": Wg_w, "Wg_b": Wg_b, "Wn_w": Wn_w, "Wn_b": Wn_b,
            "W_w": W_w, "W_b": W_b, "V_w": V_w, "V_b": V_b, "W2_w": W2_w, "W2_b": W2_b}


def _cv(v):
    return jnp.std(v) / (jnp.mean(v) + 1e-6)


def reference(x, Wg_w, Wg_b, Wn_w, Wn_b, W_w, W_b, V_w, V_b, W2_w, W2_b):
    B, N, m = x.shape
    flat = x.reshape(B * N, m)
    # NoisyTopKGate
    logits = flat @ Wg_w.T + Wg_b
    noise_scale = jax.nn.softplus(flat @ Wn_w.T + Wn_b)
    noise = jax.random.normal(jax.random.key(1234), logits.shape, dtype=logits.dtype)
    H = logits + noise * noise_scale
    topk_vals, topk_idx = jax.lax.top_k(H, K)
    topk_sm = jax.nn.softmax(topk_vals, axis=-1)
    T = H.shape[0]
    gates = jnp.zeros_like(H).at[jnp.arange(T)[:, None], topk_idx].set(topk_sm)
    # importance loss
    importance = gates.sum(axis=0)
    L_importance = 0.01 * _cv(importance)
    # load loss
    tk1, _ = jax.lax.top_k(H, K + 1)
    l_k = tk1[:, K - 1:K]
    l_k1 = tk1[:, K:K + 1]
    psi_H = jnp.where(H > l_k, l_k, jnp.where(H <= l_k1, l_k1, H))
    z = (logits - psi_H) / noise_scale
    P_x = 0.5 * (1.0 + jax.scipy.special.erf(z / jnp.sqrt(2.0)))
    load = P_x.sum(axis=0)
    L_load = 0.01 * _cv(load)
    L_moe = L_importance + L_load
    # experts (dense form: zero gates contribute zero, identical math to masked index_add)
    xV = flat @ V_w.T + V_b  # shared V
    flat_out = jnp.zeros_like(flat)
    for e in range(E):
        xW = flat @ W_w[e].T + W_b[e]
        act = jax.nn.silu(xW) * xV
        out = act @ W2_w.T + W2_b  # shared W2
        flat_out = flat_out + out * gates[:, e:e + 1]
    y = flat_out.reshape(B, N, m)
    return (y, L_moe)

if __name__ == "__main__":
    import jax
    _d = setup_inputs()
    print(jax.jit(kernel)(*tuple(_d.values())))

</pallas_src>

<mosaic_0001>
#map = affine_map<(d0, d1) -> (0, 0)>
#map1 = affine_map<(d0, d1) -> (0)>
module attributes {stable_mosaic.version = 14 : i64} {
  func.func @k(%arg0: i32, %arg1: i32, %arg2: memref<4096x512xi32, #tpu.memory_space<hbm>>, %arg3: memref<5120xi32, #tpu.memory_space<hbm>>, %arg4: memref<5120x512xi32, #tpu.memory_space<hbm>>, %arg5: memref<160xi32, #tpu.memory_space<vmem>>, %arg6: memref<80x512xi32, #tpu.memory_space<vmem>>, %arg7: memref<80x512xi32, #tpu.memory_space<vmem>>, %arg8: memref<!tpu.dma_semaphore, #tpu.memory_space<semaphore_mem>>, %arg9: memref<!tpu.dma_semaphore, #tpu.memory_space<semaphore_mem>>) attributes {dimension_semantics = [#tpu.dimension_semantics<core_parallel>, #tpu.dimension_semantics<subcore_parallel>], iteration_bounds = array<i64: 2, 16>, scalar_prefetch = 0 : i64, scratch_operands = 5 : i64, tpu.core_type = #tpu.core_type<sc_vector_subcore>, window_params = [{transform_indices = #map}, {transform_indices = #map1}, {transform_indices = #map}]} {
    %mul3A = arith.constant 2 : i32
    %mul3A_0 = arith.muli %arg1, %mul3A : i32
    %add3A = arith.addi %mul3A_0, %arg0 : i32
    %mul3A_1 = arith.constant 160 : i32
    %mul3A_2 = arith.muli %add3A, %mul3A_1 : i32
    "tpu.region"() ({
      %run_scoped3A = tpu.sem_alloc : memref<!tpu.dma_semaphore, #tpu.memory_space<semaphore_mem>>
      %dma_start3A_25 = tpu.memref_slice %arg3[%mul3A_2] : memref<5120xi32, #tpu.memory_space<hbm>> -> memref<160xi32, #tpu.memory_space<hbm>>
      %dma_start3A_26 = tpu.memref_slice %arg3[%mul3A_2] : memref<5120xi32, #tpu.memory_space<hbm>> -> memref<160xi32, #tpu.memory_space<hbm>>
      tpu.enqueue_dma source(%dma_start3A_26 : memref<160xi32, #tpu.memory_space<hbm>>) target(%arg5 : memref<160xi32, #tpu.memory_space<vmem>>) target_semaphore(%run_scoped3A : memref<!tpu.dma_semaphore, #tpu.memory_space<semaphore_mem>>)
      %dma_wait3A_27 = tpu.memref_slice %arg3[%mul3A_2] : memref<5120xi32, #tpu.memory_space<hbm>> -> memref<160xi32, #tpu.memory_space<hbm>>
      %dma_wait3A_28 = tpu.memref_slice %arg3[%mul3A_2] : memref<5120xi32, #tpu.memory_space<hbm>> -> memref<160xi32, #tpu.memory_space<hbm>>
      tpu.wait_dma2 semaphore(%run_scoped3A : memref<!tpu.dma_semaphore, #tpu.memory_space<semaphore_mem>>) src(%dma_wait3A_28 : memref<160xi32, #tpu.memory_space<hbm>>) dst(%arg5 : memref<160xi32, #tpu.memory_space<vmem>>)
      tpu.yield
    }) : () -> ()
    %dma_start3A = arith.constant 0 : i32
    %dma_start3A_3 = tpu.memref_slice %arg5[%dma_start3A] : memref<160xi32, #tpu.memory_space<vmem>> -> memref<80xi32, #tpu.memory_space<vmem>>
    %dma_start3A_4 = arith.constant 0 : i32
    %dma_start3A_5 = arith.constant 0 : i32
    %dma_start3A_6 = tpu.memref_slice %arg2[%dma_start3A_4, %dma_start3A_5] : memref<4096x512xi32, #tpu.memory_space<hbm>> -> memref<4096x512xi32, #tpu.memory_space<hbm>>
    tpu.enqueue_indirect_dma source(%dma_start3A_6 : memref<4096x512xi32, #tpu.memory_space<hbm>>) target(%arg6 : memref<80x512xi32, #tpu.memory_space<vmem>>) offsets(%dma_start3A_3 : memref<80xi32, #tpu.memory_space<vmem>>) semaphore(%arg8 : memref<!tpu.dma_semaphore, #tpu.memory_space<semaphore_mem>>)
    %dma_start3A_7 = arith.constant 80 : i32
    %dma_start3A_8 = tpu.memref_slice %arg5[%dma_start3A_7] : memref<160xi32, #tpu.memory_space<vmem>> -> memref<80xi32, #tpu.memory_space<vmem>>
    %dma_start3A_9 = arith.constant 0 : i32
    %dma_start3A_10 = arith.constant 0 : i32
    %dma_start3A_11 = tpu.memref_slice %arg2[%dma_start3A_9, %dma_start3A_10] : memref<4096x512xi32, #tpu.memory_space<hbm>> -> memref<4096x512xi32, #tpu.memory_space<hbm>>
    tpu.enqueue_indirect_dma source(%dma_start3A_11 : memref<4096x512xi32, #tpu.memory_space<hbm>>) target(%arg7 : memref<80x512xi32, #tpu.memory_space<vmem>>) offsets(%dma_start3A_8 : memref<80xi32, #tpu.memory_space<vmem>>) semaphore(%arg9 : memref<!tpu.dma_semaphore, #tpu.memory_space<semaphore_mem>>)
    %dma_wait3A = arith.constant 0 : i32
    %dma_wait3A_12 = tpu.memref_slice %arg5[%dma_wait3A] : memref<160xi32, #tpu.memory_space<vmem>> -> memref<80xi32, #tpu.memory_space<vmem>>
    %dma_wait3A_13 = arith.constant 0 : i32
    %dma_wait3A_14 = arith.constant 0 : i32
    %dma_wait3A_15 = tpu.memref_slice %arg2[%dma_wait3A_13, %dma_wait3A_14] : memref<4096x512xi32, #tpu.memory_space<hbm>> -> memref<4096x512xi32, #tpu.memory_space<hbm>>
    tpu.wait_indirect_dma semaphore(%arg8 : memref<!tpu.dma_semaphore, #tpu.memory_space<semaphore_mem>>) src(%dma_wait3A_15 : memref<4096x512xi32, #tpu.memory_space<hbm>>) dst(%arg6 : memref<80x512xi32, #tpu.memory_space<vmem>>)
    %add3A_16 = arith.constant 0 : i32
    %add3A_17 = arith.addi %mul3A_2, %add3A_16 : i32
    "tpu.region"() ({
      %run_scoped3A = tpu.sem_alloc : memref<!tpu.dma_semaphore, #tpu.memory_space<semaphore_mem>>
      %dma_start3A_25 = arith.constant 0 : i32
      %dma_start3A_26 = tpu.memref_slice %arg4[%add3A_17, %dma_start3A_25] : memref<5120x512xi32, #tpu.memory_space<hbm>> -> memref<80x512xi32, #tpu.memory_space<hbm>>
      %dma_start3A_27 = arith.constant 0 : i32
      %dma_start3A_28 = tpu.memref_slice %arg4[%add3A_17, %dma_start3A_27] : memref<5120x512xi32, #tpu.memory_space<hbm>> -> memref<80x512xi32, #tpu.memory_space<hbm>>
      tpu.enqueue_dma source(%arg6 : memref<80x512xi32, #tpu.memory_space<vmem>>) target(%dma_start3A_28 : memref<80x512xi32, #tpu.memory_space<hbm>>) target_semaphore(%run_scoped3A : memref<!tpu.dma_semaphore, #tpu.memory_space<semaphore_mem>>)
      %dma_wait3A_29 = arith.constant 0 : i32
      %dma_wait3A_30 = tpu.memref_slice %arg4[%add3A_17, %dma_wait3A_29] : memref<5120x512xi32, #tpu.memory_space<hbm>> -> memref<80x512xi32, #tpu.memory_space<hbm>>
      %dma_wait3A_31 = arith.constant 0 : i32
      %dma_wait3A_32 = tpu.memref_slice %arg4[%add3A_17, %dma_wait3A_31] : memref<5120x512xi32, #tpu.memory_space<hbm>> -> memref<80x512xi32, #tpu.memory_space<hbm>>
      tpu.wait_dma2 semaphore(%run_scoped3A : memref<!tpu.dma_semaphore, #tpu.memory_space<semaphore_mem>>) src(%arg6 : memref<80x512xi32, #tpu.memory_space<vmem>>) dst(%dma_wait3A_32 : memref<80x512xi32, #tpu.memory_space<hbm>>)
      tpu.yield
    }) : () -> ()
    %dma_wait3A_18 = arith.constant 80 : i32
    %dma_wait3A_19 = tpu.memref_slice %arg5[%dma_wait3A_18] : memref<160xi32, #tpu.memory_space<vmem>> -> memref<80xi32, #tpu.memory_space<vmem>>
    %dma_wait3A_20 = arith.constant 0 : i32
    %dma_wait3A_21 = arith.constant 0 : i32
    %dma_wait3A_22 = tpu.memref_slice %arg2[%dma_wait3A_20, %dma_wait3A_21] : memref<4096x512xi32, #tpu.memory_space<hbm>> -> memref<4096x512xi32, #tpu.memory_space<hbm>>
    tpu.wait_indirect_dma semaphore(%arg9 : memref<!tpu.dma_semaphore, #tpu.memory_space<semaphore_mem>>) src(%dma_wait3A_22 : memref<4096x512xi32, #tpu.memory_space<hbm>>) dst(%arg7 : memref<80x512xi32, #tpu.memory_space<vmem>>)
    %add3A_23 = arith.constant 80 : i32
    %add3A_24 = arith.addi %mul3A_2, %add3A_23 : i32
    "tpu.region"() ({
      %run_scoped3A = tpu.sem_alloc : memref<!tpu.dma_semaphore, #tpu.memory_space<semaphore_mem>>
      %dma_start3A_25 = arith.constant 0 : i32
      %dma_start3A_26 = tpu.memref_slice %arg4[%add3A_24, %dma_start3A_25] : memref<5120x512xi32, #tpu.memory_space<hbm>> -> memref<80x512xi32, #tpu.memory_space<hbm>>
      %dma_start3A_27 = arith.constant 0 : i32
      %dma_start3A_28 = tpu.memref_slice %arg4[%add3A_24, %dma_start3A_27] : memref<5120x512xi32, #tpu.memory_space<hbm>> -> memref<80x512xi32, #tpu.memory_space<hbm>>
      tpu.enqueue_dma source(%arg7 : memref<80x512xi32, #tpu.memory_space<vmem>>) target(%dma_start3A_28 : memref<80x512xi32, #tpu.memory_space<hbm>>) target_semaphore(%run_scoped3A : memref<!tpu.dma_semaphore, #tpu.memory_space<semaphore_mem>>)
      %dma_wait3A_29 = arith.constant 0 : i32
      %dma_wait3A_30 = tpu.memref_slice %arg4[%add3A_24, %dma_wait3A_29] : memref<5120x512xi32, #tpu.memory_space<hbm>> -> memref<80x512xi32, #tpu.memory_space<hbm>>
      %dma_wait3A_31 = arith.constant 0 : i32
      %dma_wait3A_32 = tpu.memref_slice %arg4[%add3A_24, %dma_wait3A_31] : memref<5120x512xi32, #tpu.memory_space<hbm>> -> memref<80x512xi32, #tpu.memory_space<hbm>>
      tpu.wait_dma2 semaphore(%run_scoped3A : memref<!tpu.dma_semaphore, #tpu.memory_space<semaphore_mem>>) src(%arg7 : memref<80x512xi32, #tpu.memory_space<vmem>>) dst(%dma_wait3A_32 : memref<80x512xi32, #tpu.memory_space<hbm>>)
      tpu.yield
    }) : () -> ()
    return
  }
}

#map = affine_map<(d0, d1) -> (0, 0)>
#map1 = affine_map<(d0, d1) -> (0)>
module attributes {stable_mosaic.version = 14 : i64} {
  func.func @k(%arg0: i32, %arg1: i32, %arg2: memref<4096x512xi32, #tpu.memory_space<hbm>>, %arg3: memref<5120xi32, #tpu.memory_space<hbm>>, %arg4: memref<5120x512xi32, #tpu.memory_space<hbm>>, %arg5: memref<160xi32, #tpu.memory_space<vmem>>, %arg6: memref<80x512xi32, #tpu.memory_space<vmem>>, %arg7: memref<80x512xi32, #tpu.memory_space<vmem>>, %arg8: memref<!tpu.dma_semaphore, #tpu.memory_space<semaphore_mem>>, %arg9: memref<!tpu.dma_semaphore, #tpu.memory_space<semaphore_mem>>) attributes {dimension_semantics = [#tpu.dimension_semantics<core_parallel>, #tpu.dimension_semantics<subcore_parallel>], iteration_bounds = array<i64: 2, 16>, scalar_prefetch = 0 : i64, scratch_operands = 5 : i64, tpu.core_type = #tpu.core_type<sc_vector_subcore>, window_params = [{transform_indices = #map}, {transform_indices = #map1}, {transform_indices = #map}]} {
    %mul3A = arith.constant 2 : i32
    %mul3A_0 = arith.muli %arg1, %mul3A : i32
    %add3A = arith.addi %mul3A_0, %arg0 : i32
    %mul3A_1 = arith.constant 160 : i32
    %mul3A_2 = arith.muli %add3A, %mul3A_1 : i32
    "tpu.region"() ({
      %run_scoped3A = tpu.sem_alloc : memref<!tpu.dma_semaphore, #tpu.memory_space<semaphore_mem>>
      %dma_start3A_25 = tpu.memref_slice %arg3[%mul3A_2] : memref<5120xi32, #tpu.memory_space<hbm>> -> memref<160xi32, #tpu.memory_space<hbm>>
      %dma_start3A_26 = tpu.memref_slice %arg3[%mul3A_2] : memref<5120xi32, #tpu.memory_space<hbm>> -> memref<160xi32, #tpu.memory_space<hbm>>
      tpu.enqueue_dma source(%dma_start3A_26 : memref<160xi32, #tpu.memory_space<hbm>>) target(%arg5 : memref<160xi32, #tpu.memory_space<vmem>>) target_semaphore(%run_scoped3A : memref<!tpu.dma_semaphore, #tpu.memory_space<semaphore_mem>>)
      %dma_wait3A_27 = tpu.memref_slice %arg3[%mul3A_2] : memref<5120xi32, #tpu.memory_space<hbm>> -> memref<160xi32, #tpu.memory_space<hbm>>
      %dma_wait3A_28 = tpu.memref_slice %arg3[%mul3A_2] : memref<5120xi32, #tpu.memory_space<hbm>> -> memref<160xi32, #tpu.memory_space<hbm>>
      tpu.wait_dma2 semaphore(%run_scoped3A : memref<!tpu.dma_semaphore, #tpu.memory_space<semaphore_mem>>) src(%dma_wait3A_28 : memref<160xi32, #tpu.memory_space<hbm>>) dst(%arg5 : memref<160xi32, #tpu.memory_space<vmem>>)
      tpu.yield
    }) : () -> ()
    %dma_start3A = arith.constant 0 : i32
    %dma_start3A_3 = tpu.memref_slice %arg5[%dma_start3A] : memref<160xi32, #tpu.memory_space<vmem>> -> memref<80xi32, #tpu.memory_space<vmem>>
    %dma_start3A_4 = arith.constant 0 : i32
    %dma_start3A_5 = arith.constant 0 : i32
    %dma_start3A_6 = tpu.memref_slice %arg2[%dma_start3A_4, %dma_start3A_5] : memref<4096x512xi32, #tpu.memory_space<hbm>> -> memref<4096x512xi32, #tpu.memory_space<hbm>>
    tpu.enqueue_indirect_dma source(%dma_start3A_6 : memref<4096x512xi32, #tpu.memory_space<hbm>>) target(%arg6 : memref<80x512xi32, #tpu.memory_space<vmem>>) offsets(%dma_start3A_3 : memref<80xi32, #tpu.memory_space<vmem>>) semaphore(%arg8 : memref<!tpu.dma_semaphore, #tpu.memory_space<semaphore_mem>>)
    %dma_start3A_7 = arith.constant 80 : i32
    %dma_start3A_8 = tpu.memref_slice %arg5[%dma_start3A_7] : memref<160xi32, #tpu.memory_space<vmem>> -> memref<80xi32, #tpu.memory_space<vmem>>
    %dma_start3A_9 = arith.constant 0 : i32
    %dma_start3A_10 = arith.constant 0 : i32
    %dma_start3A_11 = tpu.memref_slice %arg2[%dma_start3A_9, %dma_start3A_10] : memref<4096x512xi32, #tpu.memory_space<hbm>> -> memref<4096x512xi32, #tpu.memory_space<hbm>>
    tpu.enqueue_indirect_dma source(%dma_start3A_11 : memref<4096x512xi32, #tpu.memory_space<hbm>>) target(%arg7 : memref<80x512xi32, #tpu.memory_space<vmem>>) offsets(%dma_start3A_8 : memref<80xi32, #tpu.memory_space<vmem>>) semaphore(%arg9 : memref<!tpu.dma_semaphore, #tpu.memory_space<semaphore_mem>>)
    %dma_wait3A = arith.constant 0 : i32
    %dma_wait3A_12 = tpu.memref_slice %arg5[%dma_wait3A] : memref<160xi32, #tpu.memory_space<vmem>> -> memref<80xi32, #tpu.memory_space<vmem>>
    %dma_wait3A_13 = arith.constant 0 : i32
    %dma_wait3A_14 = arith.constant 0 : i32
    %dma_wait3A_15 = tpu.memref_slice %arg2[%dma_wait3A_13, %dma_wait3A_14] : memref<4096x512xi32, #tpu.memory_space<hbm>> -> memref<4096x512xi32, #tpu.memory_space<hbm>>
    tpu.wait_indirect_dma semaphore(%arg8 : memref<!tpu.dma_semaphore, #tpu.memory_space<semaphore_mem>>) src(%dma_wait3A_15 : memref<4096x512xi32, #tpu.memory_space<hbm>>) dst(%arg6 : memref<80x512xi32, #tpu.memory_space<vmem>>)
    %add3A_16 = arith.constant 0 : i32
    %add3A_17 = arith.addi %mul3A_2, %add3A_16 : i32
    "tpu.region"() ({
      %run_scoped3A = tpu.sem_alloc : memref<!tpu.dma_semaphore, #tpu.memory_space<semaphore_mem>>
      %dma_start3A_25 = arith.constant 0 : i32
      %dma_start3A_26 = tpu.memref_slice %arg4[%add3A_17, %dma_start3A_25] : memref<5120x512xi32, #tpu.memory_space<hbm>> -> memref<80x512xi32, #tpu.memory_space<hbm>>
      %dma_start3A_27 = arith.constant 0 : i32
      %dma_start3A_28 = tpu.memref_slice %arg4[%add3A_17, %dma_start3A_27] : memref<5120x512xi32, #tpu.memory_space<hbm>> -> memref<80x512xi32, #tpu.memory_space<hbm>>
      tpu.enqueue_dma source(%arg6 : memref<80x512xi32, #tpu.memory_space<vmem>>) target(%dma_start3A_28 : memref<80x512xi32, #tpu.memory_space<hbm>>) target_semaphore(%run_scoped3A : memref<!tpu.dma_semaphore, #tpu.memory_space<semaphore_mem>>)
      %dma_wait3A_29 = arith.constant 0 : i32
      %dma_wait3A_30 = tpu.memref_slice %arg4[%add3A_17, %dma_wait3A_29] : memref<5120x512xi32, #tpu.memory_space<hbm>> -> memref<80x512xi32, #tpu.memory_space<hbm>>
      %dma_wait3A_31 = arith.constant 0 : i32
      %dma_wait3A_32 = tpu.memref_slice %arg4[%add3A_17, %dma_wait3A_31] : memref<5120x512xi32, #tpu.memory_space<hbm>> -> memref<80x512xi32, #tpu.memory_space<hbm>>
      tpu.wait_dma2 semaphore(%run_scoped3A : memref<!tpu.dma_semaphore, #tpu.memory_space<semaphore_mem>>) src(%arg6 : memref<80x512xi32, #tpu.memory_space<vmem>>) dst(%dma_wait3A_32 : memref<80x512xi32, #tpu.memory_space<hbm>>)
      tpu.yield
    }) : () -> ()
    %dma_wait3A_18 = arith.constant 80 : i32
    %dma_wait3A_19 = tpu.memref_slice %arg5[%dma_wait3A_18] : memref<160xi32, #tpu.memory_space<vmem>> -> memref<80xi32, #tpu.memory_space<vmem>>
    %dma_wait3A_20 = arith.constant 0 : i32
    %dma_wait3A_21 = arith.constant 0 : i32
    %dma_wait3A_22 = tpu.memref_slice %arg2[%dma_wait3A_20, %dma_wait3A_21] : memref<4096x512xi32, #tpu.memory_space<hbm>> -> memref<4096x512xi32, #tpu.memory_space<hbm>>
    tpu.wait_indirect_dma semaphore(%arg9 : memref<!tpu.dma_semaphore, #tpu.memory_space<semaphore_mem>>) src(%dma_wait3A_22 : memref<4096x512xi32, #tpu.memory_space<hbm>>) dst(%arg7 : memref<80x512xi32, #tpu.memory_space<vmem>>)
    %add3A_23 = arith.constant 80 : i32
    %add3A_24 = arith.addi %mul3A_2, %add3A_23 : i32
    "tpu.region"() ({
      %run_scoped3A = tpu.sem_alloc : memref<!tpu.dma_semaphore, #tpu.memory_space<semaphore_mem>>
      %dma_start3A_25 = arith.constant 0 : i32
      %dma_start3A_26 = tpu.memref_slice %arg4[%add3A_24, %dma_start3A_25] : memref<5120x512xi32, #tpu.memory_space<hbm>> -> memref<80x512xi32, #tpu.memory_space<hbm>>
      %dma_start3A_27 = arith.constant 0 : i32
      %dma_start3A_28 = tpu.memref_slice %arg4[%add3A_24, %dma_start3A_27] : memref<5120x512xi32, #tpu.memory_space<hbm>> -> memref<80x512xi32, #tpu.memory_space<hbm>>
      tpu.enqueue_dma source(%arg7 : memref<80x512xi32, #tpu.memory_space<vmem>>) target(%dma_start3A_28 : memref<80x512xi32, #tpu.memory_space<hbm>>) target_semaphore(%run_scoped3A : memref<!tpu.dma_semaphore, #tpu.memory_space<semaphore_mem>>)
      %dma_wait3A_29 = arith.constant 0 : i32
      %dma_wait3A_30 = tpu.memref_slice %arg4[%add3A_24, %dma_wait3A_29] : memref<5120x512xi32, #tpu.memory_space<hbm>> -> memref<80x512xi32, #tpu.memory_space<hbm>>
      %dma_wait3A_31 = arith.constant 0 : i32
      %dma_wait3A_32 = tpu.memref_slice %arg4[%add3A_24, %dma_wait3A_31] : memref<5120x512xi32, #tpu.memory_space<hbm>> -> memref<80x512xi32, #tpu.memory_space<hbm>>
      tpu.wait_dma2 semaphore(%run_scoped3A : memref<!tpu.dma_semaphore, #tpu.memory_space<semaphore_mem>>) src(%arg7 : memref<80x512xi32, #tpu.memory_space<vmem>>) dst(%dma_wait3A_32 : memref<80x512xi32, #tpu.memory_space<hbm>>)
      tpu.yield
    }) : () -> ()
    return
  }
}

#map = affine_map<(d0, d1) -> (0, 0)>
#map1 = affine_map<(d0, d1) -> (0)>
module attributes {stable_mosaic.version = 14 : i64} {
  func.func @k(%arg0: i32, %arg1: i32, %arg2: memref<10240x1024xf32, #tpu.memory_space<hbm>>, %arg3: memref<4096xi32, #tpu.memory_space<hbm>>, %arg4: memref<4096xi32, #tpu.memory_space<hbm>>, %arg5: memref<4096x1024xf32, #tpu.memory_space<hbm>>, %arg6: memref<32xi32, #tpu.memory_space<vmem>>, %arg7: memref<32xi32, #tpu.memory_space<vmem>>, %arg8: memref<32x1024xf32, #tpu.memory_space<vmem>>, %arg9: memref<32x1024xf32, #tpu.memory_space<vmem>>, %arg10: memref<!tpu.dma_semaphore, #tpu.memory_space<semaphore_mem>>, %arg11: memref<!tpu.dma_semaphore, #tpu.memory_space<semaphore_mem>>) attributes {dimension_semantics = [#tpu.dimension_semantics<core_parallel>, #tpu.dimension_semantics<subcore_parallel>], iteration_bounds = array<i64: 2, 16>, scalar_prefetch = 0 : i64, scratch_operands = 6 : i64, tpu.core_type = #tpu.core_type<sc_vector_subcore>, window_params = [{transform_indices = #map}, {transform_indices = #map1}, {transform_indices = #map1}, {transform_indices = #map}]} {
    %mul3A = arith.constant 2 : i32
    %mul3A_0 = arith.muli %arg1, %mul3A : i32
    %add3A = arith.addi %mul3A_0, %arg0 : i32
    %mul3A_1 = arith.constant 128 : i32
    %mul3A_2 = arith.muli %add3A, %mul3A_1 : i32
    %scan3A = arith.constant 0 : i32
    %scan3A_3 = arith.constant 0 : i32
    %scan3A_4 = arith.constant 4 : i32
    %scan3A_5 = arith.addi %scan3A_3, %scan3A_4 : i32
    %scan3A_6 = arith.constant 1 : i32
    scf.for %scan3A_8 = %scan3A_3 to %scan3A_5 step %scan3A_6  : i32 {
      %mul3A_9 = arith.constant 32 : i32
      %mul3A_10 = arith.muli %scan3A_8, %mul3A_9 : i32
      %add3A_11 = arith.addi %mul3A_2, %mul3A_10 : i32
      "tpu.region"() ({
        %run_scoped3A = tpu.sem_alloc : memref<!tpu.dma_semaphore, #tpu.memory_space<semaphore_mem>>
        %dma_start3A_28 = tpu.memref_slice %arg3[%add3A_11] : memref<4096xi32, #tpu.memory_space<hbm>> -> memref<32xi32, #tpu.memory_space<hbm>>
        %dma_start3A_29 = tpu.memref_slice %arg3[%add3A_11] : memref<4096xi32, #tpu.memory_space<hbm>> -> memref<32xi32, #tpu.memory_space<hbm>>
        tpu.enqueue_dma source(%dma_start3A_29 : memref<32xi32, #tpu.memory_space<hbm>>) target(%arg6 : memref<32xi32, #tpu.memory_space<vmem>>) target_semaphore(%run_scoped3A : memref<!tpu.dma_semaphore, #tpu.memory_space<semaphore_mem>>)
        %dma_wait3A_30 = tpu.memref_slice %arg3[%add3A_11] : memref<4096xi32, #tpu.memory_space<hbm>> -> memref<32xi32, #tpu.memory_space<hbm>>
        %dma_wait3A_31 = tpu.memref_slice %arg3[%add3A_11] : memref<4096xi32, #tpu.memory_space<hbm>> -> memref<32xi32, #tpu.memory_space<hbm>>
        tpu.wait_dma2 semaphore(%run_scoped3A : memref<!tpu.dma_semaphore, #tpu.memory_space<semaphore_mem>>) src(%dma_wait3A_31 : memref<32xi32, #tpu.memory_space<hbm>>) dst(%arg6 : memref<32xi32, #tpu.memory_space<vmem>>)
        tpu.yield
      }) : () -> ()
      "tpu.region"() ({
        %run_scoped3A = tpu.sem_alloc : memref<!tpu.dma_semaphore, #tpu.memory_space<semaphore_mem>>
        %dma_start3A_28 = tpu.memref_slice %arg4[%add3A_11] : memref<4096xi32, #tpu.memory_space<hbm>> -> memref<32xi32, #tpu.memory_space<hbm>>
        %dma_start3A_29 = tpu.memref_slice %arg4[%add3A_11] : memref<4096xi32, #tpu.memory_space<hbm>> -> memref<32xi32, #tpu.memory_space<hbm>>
        tpu.enqueue_dma source(%dma_start3A_29 : memref<32xi32, #tpu.memory_space<hbm>>) target(%arg7 : memref<32xi32, #tpu.memory_space<vmem>>) target_semaphore(%run_scoped3A : memref<!tpu.dma_semaphore, #tpu.memory_space<semaphore_mem>>)
        %dma_wait3A_30 = tpu.memref_slice %arg4[%add3A_11] : memref<4096xi32, #tpu.memory_space<hbm>> -> memref<32xi32, #tpu.memory_space<hbm>>
        %dma_wait3A_31 = tpu.memref_slice %arg4[%add3A_11] : memref<4096xi32, #tpu.memory_space<hbm>> -> memref<32xi32, #tpu.memory_space<hbm>>
        tpu.wait_dma2 semaphore(%run_scoped3A : memref<!tpu.dma_semaphore, #tpu.memory_space<semaphore_mem>>) src(%dma_wait3A_31 : memref<32xi32, #tpu.memory_space<hbm>>) dst(%arg7 : memref<32xi32, #tpu.memory_space<vmem>>)
        tpu.yield
      }) : () -> ()
      %dma_start3A = arith.constant 0 : i32
      %dma_start3A_12 = arith.constant 0 : i32
      %dma_start3A_13 = tpu.memref_slice %arg2[%dma_start3A, %dma_start3A_12] : memref<10240x1024xf32, #tpu.memory_space<hbm>> -> memref<10240x1024xf32, #tpu.memory_space<hbm>>
      tpu.enqueue_indirect_dma source(%dma_start3A_13 : memref<10240x1024xf32, #tpu.memory_space<hbm>>) target(%arg8 : memref<32x1024xf32, #tpu.memory_space<vmem>>) offsets(%arg6 : memref<32xi32, #tpu.memory_space<vmem>>) semaphore(%arg10 : memref<!tpu.dma_semaphore, #tpu.memory_space<semaphore_mem>>)
      %dma_start3A_14 = arith.constant 0 : i32
      %dma_start3A_15 = arith.constant 0 : i32
      %dma_start3A_16 = tpu.memref_slice %arg2[%dma_start3A_14, %dma_start3A_15] : memref<10240x1024xf32, #tpu.memory_space<hbm>> -> memref<10240x1024xf32, #tpu.memory_space<hbm>>
      tpu.enqueue_indirect_dma source(%dma_start3A_16 : memref<10240x1024xf32, #tpu.memory_space<hbm>>) target(%arg9 : memref<32x1024xf32, #tpu.memory_space<vmem>>) offsets(%arg7 : memref<32xi32, #tpu.memory_space<vmem>>) semaphore(%arg11 : memref<!tpu.dma_semaphore, #tpu.memory_space<semaphore_mem>>)
      %dma_wait3A = arith.constant 0 : i32
      %dma_wait3A_17 = arith.constant 0 : i32
      %dma_wait3A_18 = tpu.memref_slice %arg2[%dma_wait3A, %dma_wait3A_17] : memref<10240x1024xf32, #tpu.memory_space<hbm>> -> memref<10240x1024xf32, #tpu.memory_space<hbm>>
      tpu.wait_indirect_dma semaphore(%arg10 : memref<!tpu.dma_semaphore, #tpu.memory_space<semaphore_mem>>) src(%dma_wait3A_18 : memref<10240x1024xf32, #tpu.memory_space<hbm>>) dst(%arg8 : memref<32x1024xf32, #tpu.memory_space<vmem>>)
      %dma_wait3A_19 = arith.constant 0 : i32
      %dma_wait3A_20 = arith.constant 0 : i32
      %dma_wait3A_21 = tpu.memref_slice %arg2[%dma_wait3A_19, %dma_wait3A_20] : memref<10240x1024xf32, #tpu.memory_space<hbm>> -> memref<10240x1024xf32, #tpu.memory_space<hbm>>
      tpu.wait_indirect_dma semaphore(%arg11 : memref<!tpu.dma_semaphore, #tpu.memory_space<semaphore_mem>>) src(%dma_wait3A_21 : memref<10240x1024xf32, #tpu.memory_space<hbm>>) dst(%arg9 : memref<32x1024xf32, #tpu.memory_space<vmem>>)
      %scan3A_22 = arith.constant 0 : i32
      %scan3A_23 = arith.constant 0 : i32
      %scan3A_24 = arith.constant 32 : i32
      %scan3A_25 = arith.addi %scan3A_23, %scan3A_24 : i32
      %scan3A_26 = arith.constant 1 : i32
      scf.for %scan3A_28 = %scan3A_23 to %scan3A_25 step %scan3A_26  : i32 {
        %get3A = arith.index_cast %scan3A_28 : i32 to index
        %get3A_29 = arith.constant 0 : index
        %get3A_30 = tpu.vector_load %arg8[%get3A, %get3A_29] {strides = array<i32>} : memref<32x1024xf32, #tpu.memory_space<vmem>>, vector<1x16xf32>,
        %get3A_31 = vector.shape_cast %get3A_30 : vector<1x16xf32> to vector<16xf32>
        %get3A_32 = arith.index_cast %scan3A_28 : i32 to index
        %get3A_33 = arith.constant 0 : index
        %get3A_34 = tpu.vector_load %arg9[%get3A_32, %get3A_33] {strides = array<i32>} : memref<32x1024xf32, #tpu.memory_space<vmem>>, vector<1x16xf32>,
        %get3A_35 = vector.shape_cast %get3A_34 : vector<1x16xf32> to vector<16xf32>
        %add3A_36 = arith.addf %get3A_31, %get3A_35 : vector<16xf32>
        %swap3A = arith.index_cast %scan3A_28 : i32 to index
        %swap3A_37 = arith.constant 0 : index
        %swap3A_38 = tpu.vector_load %arg8[%swap3A, %swap3A_37] {strides = array<i32>} : memref<32x1024xf32, #tpu.memory_space<vmem>>, vector<1x16xf32>,
        %swap3A_39 = vector.shape_cast %swap3A_38 : vector<1x16xf32> to vector<16xf32>
        %swap3A_40 = vector.shape_cast %add3A_36 : vector<16xf32> to vector<1x16xf32>
        tpu.vector_store %arg8[%swap3A, %swap3A_37], %swap3A_40 {strides = array<i32>} : memref<32x1024xf32, #tpu.memory_space<vmem>>, vector<1x16xf32>,
        %get3A_41 = arith.index_cast %scan3A_28 : i32 to index
        %get3A_42 = arith.constant 16 : index
        %get3A_43 = tpu.vector_load %arg8[%get3A_41, %get3A_42] {strides = array<i32>} : memref<32x1024xf32, #tpu.memory_space<vmem>>, vector<1x16xf32>,
        %get3A_44 = vector.shape_cast %get3A_43 : vector<1x16xf32> to vector<16xf32>
        %get3A_45 = arith.index_cast %scan3A_28 : i32 to index
        %get3A_46 = arith.constant 16 : index
        %get3A_47 = tpu.vector_load %arg9[%get3A_45, %get3A_46] {strides = array<i32>} : memref<32x1024xf32, #tpu.memory_space<vmem>>, vector<1x16xf32>,
        %get3A_48 = vector.shape_cast %get3A_47 : vector<1x16xf32> to vector<16xf32>
        %add3A_49 = arith.addf %get3A_44, %get3A_48 : vector<16xf32>
        %swap3A_50 = arith.index_cast %scan3A_28 : i32 to index
        %swap3A_51 = arith.constant 16 : index
        %swap3A_52 = tpu.vector_load %arg8[%swap3A_50, %swap3A_51] {strides = array<i32>} : memref<32x1024xf32, #tpu.memory_space<vmem>>, vector<1x16xf32>,
        %swap3A_53 = vector.shape_cast %swap3A_52 : vector<1x16xf32> to vector<16xf32>
        %swap3A_54 = vector.shape_cast %add3A_49 : vector<16xf32> to vector<1x16xf32>
        tpu.vector_store %arg8[%swap3A_50, %swap3A_51], %swap3A_54 {strides = array<i32>} : memref<32x1024xf32, #tpu.memory_space<vmem>>, vector<1x16xf32>,
        %get3A_55 = arith.index_cast %scan3A_28 : i32 to index
        %get3A_56 = arith.constant 32 : index
        %get3A_57 = tpu.vector_load %arg8[%get3A_55, %get3A_56] {strides = array<i32>} : memref<32x1024xf32, #tpu.memory_space<vmem>>, vector<1x16xf32>,
        %get3A_58 = vector.shape_cast %get3A_57 : vector<1x16xf32> to vector<16xf32>
        %get3A_59 = arith.index_cast %scan3A_28 : i32 to index
        %get3A_60 = arith.constant 32 : index
        %get3A_61 = tpu.vector_load %arg9[%get3A_59, %get3A_60] {strides = array<i32>} : memref<32x1024xf32, #tpu.memory_space<vmem>>, vector<1x16xf32>,
        %get3A_62 = vector.shape_cast %get3A_61 : vector<1x16xf32> to vector<16xf32>
        %add3A_63 = arith.addf %get3A_58, %get3A_62 : vector<16xf32>
        %swap3A_64 = arith.index_cast %scan3A_28 : i32 to index
        %swap3A_65 = arith.constant 32 : index
        %swap3A_66 = tpu.vector_load %arg8[%swap3A_64, %swap3A_65] {strides = array<i32>} : memref<32x1024xf32, #tpu.memory_space<vmem>>, vector<1x16xf32>,
        %swap3A_67 = vector.shape_cast %swap3A_66 : vector<1x16xf32> to vector<16xf32>
        %swap3A_68 = vector.shape_cast %add3A_63 : vector<16xf32> to vector<1x16xf32>
        tpu.vector_store %arg8[%swap3A_64, %swap3A_65], %swap3A_68 {strides = array<i32>} : memref<32x1024xf32, #tpu.memory_space<vmem>>, vector<1x16xf32>,
        %get3A_69 = arith.index_cast %scan3A_28 : i32 to index
        %get3A_70 = arith.constant 48 : index
        %get3A_71 = tpu.vector_load %arg8[%get3A_69, %get3A_70] {strides = array<i32>} : memref<32x1024xf32, #tpu.memory_space<vmem>>, vector<1x16xf32>,
        %get3A_72 = vector.shape_cast %get3A_71 : vector<1x16xf32> to vector<16xf32>
        %get3A_73 = arith.index_cast %scan3A_28 : i32 to index
        %get3A_74 = arith.constant 48 : index
        %get3A_75 = tpu.vector_load %arg9[%get3A_73, %get3A_74] {strides = array<i32>} : memref<32x1024xf32, #tpu.memory_space<vmem>>, vector<1x16xf32>,
        %get3A_76 = vector.shape_cast %get3A_75 : vector<1x16xf32> to vector<16xf32>
        %add3A_77 = arith.addf %get3A_72, %get3A_76 : vector<16xf32>
        %swap3A_78 = arith.index_cast %scan3A_28 : i32 to index
        %swap3A_79 = arith.constant 48 : index
        %swap3A_80 = tpu.vector_load %arg8[%swap3A_78, %swap3A_79] {strides = array<i32>} : memref<32x1024xf32, #tpu.memory_space<vmem>>, vector<1x16xf32>,
        %swap3A_81 = vector.shape_cast %swap3A_80 : vector<1x16xf32> to vector<16xf32>
        %swap3A_82 = vector.shape_cast %add3A_77 : vector<16xf32> to vector<1x16xf32>
        tpu.vector_store %arg8[%swap3A_78, %swap3A_79], %swap3A_82 {strides = array<i32>} : memref<32x1024xf32, #tpu.memory_space<vmem>>, vector<1x16xf32>,
        %get3A_83 = arith.index_cast %scan3A_28 : i32 to index
        %get3A_84 = arith.constant 64 : index
        %get3A_85 = tpu.vector_load %arg8[%get3A_83, %get3A_84] {strides = array<i32>} : memref<32x1024xf32, #tpu.memory_space<vmem>>, vector<1x16xf32>,
        %get3A_86 = vector.shape_cast %get3A_85 : vector<1x16xf32> to vector<16xf32>
        %get3A_87 = arith.index_cast %scan3A_28 : i32 to index
        %get3A_88 = arith.constant 64 : index
        %get3A_89 = tpu.vector_load %arg9[%get3A_87, %get3A_88] {strides = array<i32>} : memref<32x1024xf32, #tpu.memory_space<vmem>>, vector<1x16xf32>,
        %get3A_90 = vector.shape_cast %get3A_89 : vector<1x16xf32> to vector<16xf32>
        %add3A_91 = arith.addf %get3A_86, %get3A_90 : vector<16xf32>
        %swap3A_92 = arith.index_cast %scan3A_28 : i32 to index
        %swap3A_93 = arith.constant 64 : index
        %swap3A_94 = tpu.vector_load %arg8[%swap3A_92, %swap3A_93] {strides = array<i32>} : memref<32x1024xf32, #tpu.memory_space<vmem>>, vector<1x16xf32>,
        %swap3A_95 = vector.shape_cast %swap3A_94 : vector<1x16xf32> to vector<16xf32>
        %swap3A_96 = vector.shape_cast %add3A_91 : vector<16xf32> to vector<1x16xf32>
        tpu.vector_store %arg8[%swap3A_92, %swap3A_93], %swap3A_96 {strides = array<i32>} : memref<32x1024xf32, #tpu.memory_space<vmem>>, vector<1x16xf32>,
        %get3A_97 = arith.index_cast %scan3A_28 : i32 to index
        %get3A_98 = arith.constant 80 : index
        %get3A_99 = tpu.vector_load %arg8[%get3A_97, %get3A_98] {strides = array<i32>} : memref<32x1024xf32, #tpu.memory_space<vmem>>, vector<1x16xf32>,
        %get3A_100 = vector.shape_cast %get3A_99 : vector<1x16xf32> to vector<16xf32>
        %get3A_101 = arith.index_cast %scan3A_28 : i32 to index
        %get3A_102 = arith.constant 80 : index
        %get3A_103 = tpu.vector_load %arg9[%get3A_101, %get3A_102] {strides = array<i32>} : memref<32x1024xf32, #tpu.memory_space<vmem>>, vector<1x16xf32>,
        %get3A_104 = vector.shape_cast %get3A_103 : vector<1x16xf32> to vector<16xf32>
        %add3A_105 = arith.addf %get3A_100, %get3A_104 : vector<16xf32>
        %swap3A_106 = arith.index_cast %scan3A_28 : i32 to index
        %swap3A_107 = arith.constant 80 : index
        %swap3A_108 = tpu.vector_load %arg8[%swap3A_106, %swap3A_107] {strides = array<i32>} : memref<32x1024xf32, #tpu.memory_space<vmem>>, vector<1x16xf32>,
        %swap3A_109 = vector.shape_cast %swap3A_108 : vector<1x16xf32> to vector<16xf32>
        %swap3A_110 = vector.shape_cast %add3A_105 : vector<16xf32> to vector<1x16xf32>
        tpu.vector_store %arg8[%swap3A_106, %swap3A_107], %swap3A_110 {strides = array<i32>} : memref<32x1024xf32, #tpu.memory_space<vmem>>, vector<1x16xf32>,
        %get3A_111 = arith.index_cast %scan3A_28 : i32 to index
        %get3A_112 = arith.constant 96 : index
        %get3A_113 = tpu.vector_load %arg8[%get3A_111, %get3A_112] {strides = array<i32>} : memref<32x1024xf32, #tpu.memory_space<vmem>>, vector<1x16xf32>,
        %get3A_114 = vector.shape_cast %get3A_113 : vector<1x16xf32> to vector<16xf32>
        %get3A_115 = arith.index_cast %scan3A_28 : i32 to index
        %get3A_116 = arith.constant 96 : index
        %get3A_117 = tpu.vector_load %arg9[%get3A_115, %get3A_116] {strides = array<i32>} : memref<32x1024xf32, #tpu.memory_space<vmem>>, vector<1x16xf32>,
        %get3A_118 = vector.shape_cast %get3A_117 : vector<1x16xf32> to vector<16xf32>
        %add3A_119 = arith.addf %get3A_114, %get3A_118 : vector<16xf32>
        %swap3A_120 = arith.index_cast %scan3A_28 : i32 to index
        %swap3A_121 = arith.constant 96 : index
        %swap3A_122 = tpu.vector_load %arg8[%swap3A_120, %swap3A_121] {strides = array<i32>} : memref<32x1024xf32, #tpu.memory_space<vmem>>, vector<1x16xf32>,
        %swap3A_123 = vector.shape_cast %swap3A_122 : vector<1x16xf32> to vector<16xf32>
        %swap3A_124 = vector.shape_cast %add3A_119 : vector<16xf32> to vector<1x16xf32>
        tpu.vector_store %arg8[%swap3A_120, %swap3A_121], %swap3A_124 {strides = array<i32>} : memref<32x1024xf32, #tpu.memory_space<vmem>>, vector<1x16xf32>,
        %get3A_125 = arith.index_cast %scan3A_28 : i32 to index
        %get3A_126 = arith.constant 112 : index
        %get3A_127 = tpu.vector_load %arg8[%get3A_125, %get3A_126] {strides = array<i32>} : memref<32x1024xf32, #tpu.memory_space<vmem>>, vector<1x16xf32>,
        %get3A_128 = vector.shape_cast %get3A_127 : vector<1x16xf32> to vector<16xf32>
        %get3A_129 = arith.index_cast %scan3A_28 : i32 to index
        %get3A_130 = arith.constant 112 : index
        %get3A_131 = tpu.vector_load %arg9[%get3A_129, %get3A_130] {strides = array<i32>} : memref<32x1024xf32, #tpu.memory_space<vmem>>, vector<1x16xf32>,
        %get3A_132 = vector.shape_cast %get3A_131 : vector<1x16xf32> to vector<16xf32>
        %add3A_133 = arith.addf %get3A_128, %get3A_132 : vector<16xf32>
        %swap3A_134 = arith.index_cast %scan3A_28 : i32 to index
        %swap3A_135 = arith.constant 112 : index
        %swap3A_136 = tpu.vector_load %arg8[%swap3A_134, %swap3A_135] {strides = array<i32>} : memref<32x1024xf32, #tpu.memory_space<vmem>>, vector<1x16xf32>,
        %swap3A_137 = vector.shape_cast %swap3A_136 : vector<1x16xf32> to vector<16xf32>
        %swap3A_138 = vector.shape_cast %add3A_133 : vector<16xf32> to vector<1x16xf32>
        tpu.vector_store %arg8[%swap3A_134, %swap3A_135], %swap3A_138 {strides = array<i32>} : memref<32x1024xf32, #tpu.memory_space<vmem>>, vector<1x16xf32>,
        %get3A_139 = arith.index_cast %scan3A_28 : i32 to index
        %get3A_140 = arith.constant 128 : index
        %get3A_141 = tpu.vector_load %arg8[%get3A_139, %get3A_140] {strides = array<i32>} : memref<32x1024xf32, #tpu.memory_space<vmem>>, vector<1x16xf32>,
        %get3A_142 = vector.shape_cast %get3A_141 : vector<1x16xf32> to vector<16xf32>
        %get3A_143 = arith.index_cast %scan3A_28 : i32 to index
        %get3A_144 = arith.constant 128 : index
        %get3A_145 = tpu.vector_load %arg9[%get3A_143, %get3A_144] {strides = array<i32>} : memref<32x1024xf32, #tpu.memory_space<vmem>>, vector<1x16xf32>,
        %get3A_146 = vector.shape_cast %get3A_145 : vector<1x16xf32> to vector<16xf32>
        %add3A_147 = arith.addf %get3A_142, %get3A_146 : vector<16xf32>
        %swap3A_148 = arith.index_cast %scan3A_28 : i32 to index
        %swap3A_149 = arith.constant 128 : index
        %swap3A_150 = tpu.vector_load %arg8[%swap3A_148, %swap3A_149] {strides = array<i32>} : memref<32x1024xf32, #tpu.memory_space<vmem>>, vector<1x16xf32>,
        %swap3A_151 = vector.shape_cast %swap3A_150 : vector<1x16xf32> to vector<16xf32>
        %swap3A_152 = vector.shape_cast %add3A_147 : vector<16xf32> to vector<1x16xf32>
        tpu.vector_store %arg8[%swap3A_148, %swap3A_149], %swap3A_152 {strides = array<i32>} : memref<32x1024xf32, #tpu.memory_space<vmem>>, vector<1x16xf32>,
        %get3A_153 = arith.index_cast %scan3A_28 : i32 to index
        %get3A_154 = arith.constant 144 : index
        %get3A_155 = tpu.vector_load %arg8[%get3A_153, %get3A_154] {strides = array<i32>} : memref<32x1024xf32, #tpu.memory_space<vmem>>, vector<1x16xf32>,
        %get3A_156 = vector.shape_cast %get3A_155 : vector<1x16xf32> to vector<16xf32>
        %get3A_157 = arith.index_cast %scan3A_28 : i32 to index
        %get3A_158 = arith.constant 144 : index
        %get3A_159 = tpu.vector_load %arg9[%get3A_157, %get3A_158] {strides = array<i32>} : memref<32x1024xf32, #tpu.memory_space<vmem>>, vector<1x16xf32>,
        %get3A_160 = vector.shape_cast %get3A_159 : vector<1x16xf32> to vector<16xf32>
        %add3A_161 = arith.addf %get3A_156, %get3A_160 : vector<16xf32>
        %swap3A_162 = arith.index_cast %scan3A_28 : i32 to index
        %swap3A_163 = arith.constant 144 : index
        %swap3A_164 = tpu.vector_load %arg8[%swap3A_162, %swap3A_163] {strides = array<i32>} : memref<32x1024xf32, #tpu.memory_space<vmem>>, vector<1x16xf32>,
        %swap3A_165 = vector.shape_cast %swap3A_164 : vector<1x16xf32> to vector<16xf32>
        %swap3A_166 = vector.shape_cast %add3A_161 : vector<16xf32> to vector<1x16xf32>
        tpu.vector_store %arg8[%swap3A_162, %swap3A_163], %swap3A_166 {strides = array<i32>} : memref<32x1024xf32, #tpu.memory_space<vmem>>, vector<1x16xf32>,
        %get3A_167 = arith.index_cast %scan3A_28 : i32 to index
        %get3A_168 = arith.constant 160 : index
        %get3A_169 = tpu.vector_load %arg8[%get3A_167, %get3A_168] {strides = array<i32>} : memref<32x1024xf32, #tpu.memory_space<vmem>>, vector<1x16xf32>,
        %get3A_170 = vector.shape_cast %get3A_169 : vector<1x16xf32> to vector<16xf32>
        %get3A_171 = arith.index_cast %scan3A_28 : i32 to index
        %get3A_172 = arith.constant 160 : index
        %get3A_173 = tpu.vector_load %arg9[%get3A_171, %get3A_172] {strides = array<i32>} : memref<32x1024xf32, #tpu.memory_space<vmem>>, vector<1x16xf32>,
        %get3A_174 = vector.shape_cast %get3A_173 : vector<1x16xf32> to vector<16xf32>
        %add3A_175 = arith.addf %get3A_170, %get3A_174 : vector<16xf32>
        %swap3A_176 = arith.index_cast %scan3A_28 : i32 to index
        %swap3A_177 = arith.constant 160 : index
        %swap3A_178 = tpu.vector_load %arg8[%swap3A_176, %swap3A_177] {strides = array<i32>} : memref<32x1024xf32, #tpu.memory_space<vmem>>, vector<1x16xf32>,
        %swap3A_179 = vector.shape_cast %swap3A_178 : vector<1x16xf32> to vector<16xf32>
        %swap3A_180 = vector.shape_cast %add3A_175 : vector<16xf32> to vector<1x16xf32>
        tpu.vector_store %arg8[%swap3A_176, %swap3A_177], %swap3A_180 {strides = array<i32>} : memref<32x1024xf32, #tpu.memory_space<vmem>>, vector<1x16xf32>,
        %get3A_181 = arith.index_cast %scan3A_28 : i32 to index
        %get3A_182 = arith.constant 176 : index
        %get3A_183 = tpu.vector_load %arg8[%get3A_181, %get3A_182] {strides = array<i32>} : memref<32x1024xf32, #tpu.memory_space<vmem>>, vector<1x16xf32>,
        %get3A_184 = vector.shape_cast %get3A_183 : vector<1x16xf32> to vector<16xf32>
        %get3A_185 = arith.index_cast %scan3A_28 : i32 to index
        %get3A_186 = arith.constant 176 : index
        %get3A_187 = tpu.vector_load %arg9[%get3A_185, %get3A_186] {strides = array<i32>} : memref<32x1024xf32, #tpu.memory_space<vmem>>, vector<1x16xf32>,
        %get3A_188 = vector.shape_cast %get3A_187 : vector<1x16xf32> to vector<16xf32>
        %add3A_189 = arith.addf %get3A_184, %get3A_188 : vector<16xf32>
        %swap3A_190 = arith.index_cast %scan3A_28 : i32 to index
        %swap3A_191 = arith.constant 176 : index
        %swap3A_192 = tpu.vector_load %arg8[%swap3A_190, %swap3A_191] {strides = array<i32>} : memref<32x1024xf32, #tpu.memory_space<vmem>>, vector<1x16xf32>,
        %swap3A_193 = vector.shape_cast %swap3A_192 : vector<1x16xf32> to vector<16xf32>
        %swap3A_194 = vector.shape_cast %add3A_189 : vector<16xf32> to vector<1x16xf32>
        tpu.vector_store %arg8[%swap3A_190, %swap3A_191], %swap3A_194 {strides = array<i32>} : memref<32x1024xf32, #tpu.memory_space<vmem>>, vector<1x16xf32>,
        %get3A_195 = arith.index_cast %scan3A_28 : i32 to index
        %get3A_196 = arith.constant 192 : index
        %get3A_197 = tpu.vector_load %arg8[%get3A_195, %get3A_196] {strides = array<i32>} : memref<32x1024xf32, #tpu.memory_space<vmem>>, vector<1x16xf32>,
        %get3A_198 = vector.shape_cast %get3A_197 : vector<1x16xf32> to vector<16xf32>
        %get3A_199 = arith.index_cast %scan3A_28 : i32 to index
        %get3A_200 = arith.constant 192 : index
        %get3A_201 = tpu.vector_load %arg9[%get3A_199, %get3A_200] {strides = array<i32>} : memref<32x1024xf32, #tpu.memory_space<vmem>>, vector<1x16xf32>,
        %get3A_202 = vector.shape_cast %get3A_201 : vector<1x16xf32> to vector<16xf32>
        %add3A_203 = arith.addf %get3A_198, %get3A_202 : vector<16xf32>
        %swap3A_204 = arith.index_cast %scan3A_28 : i32 to index
        %swap3A_205 = arith.constant 192 : index
        %swap3A_206 = tpu.vector_load %arg8[%swap3A_204, %swap3A_205] {strides = array<i32>} : memref<32x1024xf32, #tpu.memory_space<vmem>>, vector<1x16xf32>,
        %swap3A_207 = vector.shape_cast %swap3A_206 : vector<1x16xf32> to vector<16xf32>
        %swap3A_208 = vector.shape_cast %add3A_203 : vector<16xf32> to vector<1x16xf32>
        tpu.vector_store %arg8[%swap3A_204, %swap3A_205], %swap3A_208 {strides = array<i32>} : memref<32x1024xf32, #tpu.memory_space<vmem>>, vector<1x16xf32>,
        %get3A_209 = arith.index_cast %scan3A_28 : i32 to index
        %get3A_210 = arith.constant 208 : index
        %get3A_211 = tpu.vector_load %arg8[%get3A_209, %get3A_210] {strides = array<i32>} : memref<32x1024xf32, #tpu.memory_space<vmem>>, vector<1x16xf32>,
        %get3A_212 = vector.shape_cast %get3A_211 : vector<1x16xf32> to vector<16xf32>
        %get3A_213 = arith.index_cast %scan3A_28 : i32 to index
        %get3A_214 = arith.constant 208 : index
        %get3A_215 = tpu.vector_load %arg9[%get3A_213, %get3A_214] {strides = array<i32>} : memref<32x1024xf32, #tpu.memory_space<vmem>>, vector<1x16xf32>,
        %get3A_216 = vector.shape_cast %get3A_215 : vector<1x16xf32> to vector<16xf32>
        %add3A_217 = arith.addf %get3A_212, %get3A_216 : vector<16xf32>
        %swap3A_218 = arith.index_cast %scan3A_28 : i32 to index
        %swap3A_219 = arith.constant 208 : index
        %swap3A_220 = tpu.vector_load %arg8[%swap3A_218, %swap3A_219] {strides = array<i32>} : memref<32x1024xf32, #tpu.memory_space<vmem>>, vector<1x16xf32>,
        %swap3A_221 = vector.shape_cast %swap3A_220 : vector<1x16xf32> to vector<16xf32>
        %swap3A_222 = vector.shape_cast %add3A_217 : vector<16xf32> to vector<1x16xf32>
        tpu.vector_store %arg8[%swap3A_218, %swap3A_219], %swap3A_222 {strides = array<i32>} : memref<32x1024xf32, #tpu.memory_space<vmem>>, vector<1x16xf32>,
        %get3A_223 = arith.index_cast %scan3A_28 : i32 to index
        %get3A_224 = arith.constant 224 : index
        %get3A_225 = tpu.vector_load %arg8[%get3A_223, %get3A_224] {strides = array<i32>} : memref<32x1024xf32, #tpu.memory_space<vmem>>, vector<1x16xf32>,
        %get3A_226 = vector.shape_cast %get3A_225 : vector<1x16xf32> to vector<16xf32>
        %get3A_227 = arith.index_cast %scan3A_28 : i32 to index
        %get3A_228 = arith.constant 224 : index
        %get3A_229 = tpu.vector_load %arg9[%get3A_227, %get3A_228] {strides = array<i32>} : memref<32x1024xf32, #tpu.memory_space<vmem>>, vector<1x16xf32>,
        %get3A_230 = vector.shape_cast %get3A_229 : vector<1x16xf32> to vector<16xf32>
        %add3A_231 = arith.addf %get3A_226, %get3A_230 : vector<16xf32>
        %swap3A_232 = arith.index_cast %scan3A_28 : i32 to index
        %swap3A_233 = arith.constant 224 : index
        %swap3A_234 = tpu.vector_load %arg8[%swap3A_232, %swap3A_233] {strides = array<i32>} : memref<32x1024xf32, #tpu.memory_space<vmem>>, vector<1x16xf32>,
        %swap3A_235 = vector.shape_cast %swap3A_234 : vector<1x16xf32> to vector<16xf32>
        %swap3A_236 = vector.shape_cast %add3A_231 : vector<16xf32> to vector<1x16xf32>
        tpu.vector_store %arg8[%swap3A_232, %swap3A_233], %swap3A_236 {strides = array<i32>} : memref<32x1024xf32, #tpu.memory_space<vmem>>, vector<1x16xf32>,
        %get3A_237 = arith.index_cast %scan3A_28 : i32 to index
        %get3A_238 = arith.constant 240 : index
        %get3A_239 = tpu.vector_load %arg8[%get3A_237, %get3A_238] {strides = array<i32>} : memref<32x1024xf32, #tpu.memory_space<vmem>>, vector<1x16xf32>,
        %get3A_240 = vector.shape_cast %get3A_239 : vector<1x16xf32> to vector<16xf32>
        %get3A_241 = arith.index_cast %scan3A_28 : i32 to index
        %get3A_242 = arith.constant 240 : index
        %get3A_243 = tpu.vector_load %arg9[%get3A_241, %get3A_242] {strides = array<i32>} : memref<32x1024xf32, #tpu.memory_space<vmem>>, vector<1x16xf32>,
        %get3A_244 = vector.shape_cast %get3A_243 : vector<1x16xf32> to vector<16xf32>
        %add3A_245 = arith.addf %get3A_240, %get3A_244 : vector<16xf32>
        %swap3A_246 = arith.index_cast %scan3A_28 : i32 to index
        %swap3A_247 = arith.constant 240 : index
        %swap3A_248 = tpu.vector_load %arg8[%swap3A_246, %swap3A_247] {strides = array<i32>} : memref<32x1024xf32, #tpu.memory_space<vmem>>, vector<1x16xf32>,
        %swap3A_249 = vector.shape_cast %swap3A_248 : vector<1x16xf32> to vector<16xf32>
        %swap3A_250 = vector.shape_cast %add3A_245 : vector<16xf32> to vector<1x16xf32>
        tpu.vector_store %arg8[%swap3A_246, %swap3A_247], %swap3A_250 {strides = array<i32>} : memref<32x1024xf32, #tpu.memory_space<vmem>>, vector<1x16xf32>,
        %get3A_251 = arith.index_cast %scan3A_28 : i32 to index
        %get3A_252 = arith.constant 256 : index
        %get3A_253 = tpu.vector_load %arg8[%get3A_251, %get3A_252] {strides = array<i32>} : memref<32x1024xf32, #tpu.memory_space<vmem>>, vector<1x16xf32>,
        %get3A_254 = vector.shape_cast %get3A_253 : vector<1x16xf32> to vector<16xf32>
        %get3A_255 = arith.index_cast %scan3A_28 : i32 to index
        %get3A_256 = arith.constant 256 : index
        %get3A_257 = tpu.vector_load %arg9[%get3A_255, %get3A_256] {strides = array<i32>} : memref<32x1024xf32, #tpu.memory_space<vmem>>, vector<1x16xf32>,
        %get3A_258 = vector.shape_cast %get3A_257 : vector<1x16xf32> to vector<16xf32>
        %add3A_259 = arith.addf %get3A_254, %get3A_258 : vector<16xf32>
        %swap3A_260 = arith.index_cast %scan3A_28 : i32 to index
        %swap3A_261 = arith.constant 256 : index
        %swap3A_262 = tpu.vector_load %arg8[%swap3A_260, %swap3A_261] {strides = array<i32>} : memref<32x1024xf32, #tpu.memory_space<vmem>>, vector<1x16xf32>,
        %swap3A_263 = vector.shape_cast %swap3A_262 : vector<1x16xf32> to vector<16xf32>
        %swap3A_264 = vector.shape_cast %add3A_259 : vector<16xf32> to vector<1x16xf32>
        tpu.vector_store %arg8[%swap3A_260, %swap3A_261], %swap3A_264 {strides = array<i32>} : memref<32x1024xf32, #tpu.memory_space<vmem>>, vector<1x16xf32>,
        %get3A_265 = arith.index_cast %scan3A_28 : i32 to index
        %get3A_266 = arith.constant 272 : index
        %get3A_267 = tpu.vector_load %arg8[%get3A_265, %get3A_266] {strides = array<i32>} : memref<32x1024xf32, #tpu.memory_space<vmem>>, vector<1x16xf32>,
        %get3A_268 = vector.shape_cast %get3A_267 : vector<1x16xf32> to vector<16xf32>
        %get3A_269 = arith.index_cast %scan3A_28 : i32 to index
        %get3A_270 = arith.constant 272 : index
        %get3A_271 = tpu.vector_load %arg9[%get3A_269, %get3A_270] {strides = array<i32>} : memref<32x1024xf32, #tpu.memory_space<vmem>>, vector<1x16xf32>,
        %get3A_272 = vector.shape_cast %get3A_271 : vector<1x16xf32> to vector<16xf32>
        %add3A_273 = arith.addf %get3A_268, %get3A_272 : vector<16xf32>
        %swap3A_274 = arith.index_cast %scan3A_28 : i32 to index
        %swap3A_275 = arith.constant 272 : index
        %swap3A_276 = tpu.vector_load %arg8[%swap3A_274, %swap3A_275] {strides = array<i32>} : memref<32x1024xf32, #tpu.memory_space<vmem>>, vector<1x16xf32>,
        %swap3A_277 = vector.shape_cast %swap3A_276 : vector<1x16xf32> to vector<16xf32>
        %swap3A_278 = vector.shape_cast %add3A_273 : vector<16xf32> to vector<1x16xf32>
        tpu.vector_store %arg8[%swap3A_274, %swap3A_275], %swap3A_278 {strides = array<i32>} : memref<32x1024xf32, #tpu.memory_space<vmem>>, vector<1x16xf32>,
        %get3A_279 = arith.index_cast %scan3A_28 : i32 to index
        %get3A_280 = arith.constant 288 : index
        %get3A_281 = tpu.vector_load %arg8[%get3A_279, %get3A_280] {strides = array<i32>} : memref<32x1024xf32, #tpu.memory_space<vmem>>, vector<1x16xf32>,
        %get3A_282 = vector.shape_cast %get3A_281 : vector<1x16xf32> to vector<16xf32>
        %get3A_283 = arith.index_cast %scan3A_28 : i32 to index
        %get3A_284 = arith.constant 288 : index
        %get3A_285 = tpu.vector_load %arg9[%get3A_283, %get3A_284] {strides = array<i32>} : memref<32x1024xf32, #tpu.memory_space<vmem>>, vector<1x16xf32>,
        %get3A_286 = vector.shape_cast %get3A_285 : vector<1x16xf32> to vector<16xf32>
        %add3A_287 = arith.addf %get3A_282, %get3A_286 : vector<16xf32>
        %swap3A_288 = arith.index_cast %scan3A_28 : i32 to index
        %swap3A_289 = arith.constant 288 : index
        %swap3A_290 = tpu.vector_load %arg8[%swap3A_288, %swap3A_289] {strides = array<i32>} : memref<32x1024xf32, #tpu.memory_space<vmem>>, vector<1x16xf32>,
        %swap3A_291 = vector.shape_cast %swap3A_290 : vector<1x16xf32> to vector<16xf32>
        %swap3A_292 = vector.shape_cast %add3A_287 : vector<16xf32> to vector<1x16xf32>
        tpu.vector_store %arg8[%swap3A_288, %swap3A_289], %swap3A_292 {strides = array<i32>} : memref<32x1024xf32, #tpu.memory_space<vmem>>, vector<1x16xf32>,
        %get3A_293 = arith.index_cast %scan3A_28 : i32 to index
        %get3A_294 = arith.constant 304 : index
        %get3A_295 = tpu.vector_load %arg8[%get3A_293, %get3A_294] {strides = array<i32>} : memref<32x1024xf32, #tpu.memory_space<vmem>>, vector<1x16xf32>,
        %get3A_296 = vector.shape_cast %get3A_295 : vector<1x16xf32> to vector<16xf32>
        %get3A_297 = arith.index_cast %scan3A_28 : i32 to index
        %get3A_298 = arith.constant 304 : index
        %get3A_299 = tpu.vector_load %arg9[%get3A_297, %get3A_298] {strides = array<i32>} : memref<32x1024xf32, #tpu.memory_space<vmem>>, vector<1x16xf32>,
        %get3A_300 = vector.shape_cast %get3A_299 : vector<1x16xf32> to vector<16xf32>
        %add3A_301 = arith.addf %get3A_296, %get3A_300 : vector<16xf32>
        %swap3A_302 = arith.index_cast %scan3A_28 : i32 to index
        %swap3A_303 = arith.constant 304 : index
        %swap3A_304 = tpu.vector_load %arg8[%swap3A_302, %swap3A_303] {strides = array<i32>} : memref<32x1024xf32, #tpu.memory_space<vmem>>, vector<1x16xf32>,
        %swap3A_305 = vector.shape_cast %swap3A_304 : vector<1x16xf32> to vector<16xf32>
        %swap3A_306 = vector.shape_cast %add3A_301 : vector<16xf32> to vector<1x16xf32>
        tpu.vector_store %arg8[%swap3A_302, %swap3A_303], %swap3A_306 {strides = array<i32>} : memref<32x1024xf32, #tpu.memory_space<vmem>>, vector<1x16xf32>,
        %get3A_307 = arith.index_cast %scan3A_28 : i32 to index
        %get3A_308 = arith.constant 320 : index
        %get3A_309 = tpu.vector_load %arg8[%get3A_307, %get3A_308] {strides = array<i32>} : memref<32x1024xf32, #tpu.memory_space<vmem>>, vector<1x16xf32>,
        %get3A_310 = vector.shape_cast %get3A_309 : vector<1x16xf32> to vector<16xf32>
        %get3A_311 = arith.index_cast %scan3A_28 : i32 to index
        %get3A_312 = arith.constant 320 : index
        %get3A_313 = tpu.vector_load %arg9[%get3A_311, %get3A_312] {strides = array<i32>} : memref<32x1024xf32, #tpu.memory_space<vmem>>, vector<1x16xf32>,
        %get3A_314 = vector.shape_cast %get3A_313 : vector<1x16xf32> to vector<16xf32>
        %add3A_315 = arith.addf %get3A_310, %get3A_314 : vector<16xf32>
        %swap3A_316 = arith.index_cast %scan3A_28 : i32 to index
        %swap3A_317 = arith.constant 320 : index
        %swap3A_318 = tpu.vector_load %arg8[%swap3A_316, %swap3A_317] {strides = array<i32>} : memref<32x1024xf32, #tpu.memory_space<vmem>>, vector<1x16xf32>,
        %swap3A_319 = vector.shape_cast %swap3A_318 : vector<1x16xf32> to vector<16xf32>
        %swap3A_320 = vector.shape_cast %add3A_315 : vector<16xf32> to vector<1x16xf32>
        tpu.vector_store %arg8[%swap3A_316, %swap3A_317], %swap3A_320 {strides = array<i32>} : memref<32x1024xf32, #tpu.memory_space<vmem>>, vector<1x16xf32>,
        %get3A_321 = arith.index_cast %scan3A_28 : i32 to index
        %get3A_322 = arith.constant 336 : index
        %get3A_323 = tpu.vector_load %arg8[%get3A_321, %get3A_322] {strides = array<i32>} : memref<32x1024xf32, #tpu.memory_space<vmem>>, vector<1x16xf32>,
        %get3A_324 = vector.shape_cast %get3A_323 : vector<1x16xf32> to vector<16xf32>
        %get3A_325 = arith.index_cast %scan3A_28 : i32 to index
        %get3A_326 = arith.constant 336 : index
        %get3A_327 = tpu.vector_load %arg9[%get3A_325, %get3A_326] {strides = array<i32>} : memref<32x1024xf32, #tpu.memory_space<vmem>>, vector<1x16xf32>,
        %get3A_328 = vector.shape_cast %get3A_327 : vector<1x16xf32> to vector<16xf32>
        %add3A_329 = arith.addf %get3A_324, %get3A_328 : vector<16xf32>
        %swap3A_330 = arith.index_cast %scan3A_28 : i32 to index
        %swap3A_331 = arith.constant 336 : index
        %swap3A_332 = tpu.vector_load %arg8[%swap3A_330, %swap3A_331] {strides = array<i32>} : memref<32x1024xf32, #tpu.memory_space<vmem>>, vector<1x16xf32>,
        %swap3A_333 = vector.shape_cast %swap3A_332 : vector<1x16xf32> to vector<16xf32>
        %swap3A_334 = vector.shape_cast %add3A_329 : vector<16xf32> to vector<1x16xf32>
        tpu.vector_store %arg8[%swap3A_330, %swap3A_331], %swap3A_334 {strides = array<i32>} : memref<32x1024xf32, #tpu.memory_space<vmem>>, vector<1x16xf32>,
        %get3A_335 = arith.index_cast %scan3A_28 : i32 to index
        %get3A_336 = arith.constant 352 : index
        %get3A_337 = tpu.vector_load %arg8[%get3A_335, %get3A_336] {strides = array<i32>} : memref<32x1024xf32, #tpu.memory_space<vmem>>, vector<1x16xf32>,
        %get3A_338 = vector.shape_cast %get3A_337 : vector<1x16xf32> to vector<16xf32>
        %get3A_339 = arith.index_cast %scan3A_28 : i32 to index
        %get3A_340 = arith.constant 352 : index
        %get3A_341 = tpu.vector_load %arg9[%get3A_339, %get3A_340] {strides = array<i32>} : memref<32x1024xf32, #tpu.memory_space<vmem>>, vector<1x16xf32>,
        %get3A_342 = vector.shape_cast %get3A_341 : vector<1x16xf32> to vector<16xf32>
        %add3A_343 = arith.addf %get3A_338, %get3A_342 : vector<16xf32>
        %swap3A_344 = arith.index_cast %scan3A_28 : i32 to index
        %swap3A_345 = arith.constant 352 : index
        %swap3A_346 = tpu.vector_load %arg8[%swap3A_344, %swap3A_345] {strides = array<i32>} : memref<32x1024xf32, #tpu.memory_space<vmem>>, vector<1x16xf32>,
        %swap3A_347 = vector.shape_cast %swap3A_346 : vector<1x16xf32> to vector<16xf32>
        %swap3A_348 = vector.shape_cast %add3A_343 : vector<16xf32> to vector<1x16xf32>
        tpu.vector_store %arg8[%swap3A_344, %swap3A_345], %swap3A_348 {strides = array<i32>} : memref<32x1024xf32, #tpu.memory_space<vmem>>, vector<1x16xf32>,
        %get3A_349 = arith.index_cast %scan3A_28 : i32 to index
        %get3A_350 = arith.constant 368 : index
        %get3A_351 = tpu.vector_load %arg8[%get3A_349, %get3A_350] {strides = array<i32>} : memref<32x1024xf32, #tpu.memory_space<vmem>>, vector<1x16xf32>,
        %get3A_352 = vector.shape_cast %get3A_351 : vector<1x16xf32> to vector<16xf32>
        %get3A_353 = arith.index_cast %scan3A_28 : i32 to index
        %get3A_354 = arith.constant 368 : index
        %get3A_355 = tpu.vector_load %arg9[%get3A_353, %get3A_354] {strides = array<i32>} : memref<32x1024xf32, #tpu.memory_space<vmem>>, vector<1x16xf32>,
        %get3A_356 = vector.shape_cast %get3A_355 : vector<1x16xf32> to vector<16xf32>
        %add3A_357 = arith.addf %get3A_352, %get3A_356 : vector<16xf32>
        %swap3A_358 = arith.index_cast %scan3A_28 : i32 to index
        %swap3A_359 = arith.constant 368 : index
        %swap3A_360 = tpu.vector_load %arg8[%swap3A_358, %swap3A_359] {strides = array<i32>} : memref<32x1024xf32, #tpu.memory_space<vmem>>, vector<1x16xf32>,
        %swap3A_361 = vector.shape_cast %swap3A_360 : vector<1x16xf32> to vector<16xf32>
        %swap3A_362 = vector.shape_cast %add3A_357 : vector<16xf32> to vector<1x16xf32>
        tpu.vector_store %arg8[%swap3A_358, %swap3A_359], %swap3A_362 {strides = array<i32>} : memref<32x1024xf32, #tpu.memory_space<vmem>>, vector<1x16xf32>,
        %get3A_363 = arith.index_cast %scan3A_28 : i32 to index
        %get3A_364 = arith.constant 384 : index
        %get3A_365 = tpu.vector_load %arg8[%get3A_363, %get3A_364] {strides = array<i32>} : memref<32x1024xf32, #tpu.memory_space<vmem>>, vector<1x16xf32>,
        %get3A_366 = vector.shape_cast %get3A_365 : vector<1x16xf32> to vector<16xf32>
        %get3A_367 = arith.index_cast %scan3A_28 : i32 to index
        %get3A_368 = arith.constant 384 : index
        %get3A_369 = tpu.vector_load %arg9[%get3A_367, %get3A_368] {strides = array<i32>} : memref<32x1024xf32, #tpu.memory_space<vmem>>, vector<1x16xf32>,
        %get3A_370 = vector.shape_cast %get3A_369 : vector<1x16xf32> to vector<16xf32>
        %add3A_371 = arith.addf %get3A_366, %get3A_370 : vector<16xf32>
        %swap3A_372 = arith.index_cast %scan3A_28 : i32 to index
        %swap3A_373 = arith.constant 384 : index
        %swap3A_374 = tpu.vector_load %arg8[%swap3A_372, %swap3A_373] {strides = array<i32>} : memref<32x1024xf32, #tpu.memory_space<vmem>>, vector<1x16xf32>,
        %swap3A_375 = vector.shape_cast %swap3A_374 : vector<1x16xf32> to vector<16xf32>
        %swap3A_376 = vector.shape_cast %add3A_371 : vector<16xf32> to vector<1x16xf32>
        tpu.vector_store %arg8[%swap3A_372, %swap3A_373], %swap3A_376 {strides = array<i32>} : memref<32x1024xf32, #tpu.memory_space<vmem>>, vector<1x16xf32>,
        %get3A_377 = arith.index_cast %scan3A_28 : i32 to index
        %get3A_378 = arith.constant 400 : index
        %get3A_379 = tpu.vector_load %arg8[%get3A_377, %get3A_378] {strides = array<i32>} : memref<32x1024xf32, #tpu.memory_space<vmem>>, vector<1x16xf32>,
        %get3A_380 = vector.shape_cast %get3A_379 : vector<1x16xf32> to vector<16xf32>
        %get3A_381 = arith.index_cast %scan3A_28 : i32 to index
        %get3A_382 = arith.constant 400 : index
        %get3A_383 = tpu.vector_load %arg9[%get3A_381, %get3A_382] {strides = array<i32>} : memref<32x1024xf32, #tpu.memory_space<vmem>>, vector<1x16xf32>,
        %get3A_384 = vector.shape_cast %get3A_383 : vector<1x16xf32> to vector<16xf32>
        %add3A_385 = arith.addf %get3A_380, %get3A_384 : vector<16xf32>
        %swap3A_386 = arith.index_cast %scan3A_28 : i32 to index
        %swap3A_387 = arith.constant 400 : index
        %swap3A_388 = tpu.vector_load %arg8[%swap3A_386, %swap3A_387] {strides = array<i32>} : memref<32x1024xf32, #tpu.memory_space<vmem>>, vector<1x16xf32>,
        %swap3A_389 = vector.shape_cast %swap3A_388 : vector<1x16xf32> to vector<16xf32>
        %swap3A_390 = vector.shape_cast %add3A_385 : vector<16xf32> to vector<1x16xf32>
        tpu.vector_store %arg8[%swap3A_386, %swap3A_387], %swap3A_390 {strides = array<i32>} : memref<32x1024xf32, #tpu.memory_space<vmem>>, vector<1x16xf32>,
        %get3A_391 = arith.index_cast %scan3A_28 : i32 to index
        %get3A_392 = arith.constant 416 : index
        %get3A_393 = tpu.vector_load %arg8[%get3A_391, %get3A_392] {strides = array<i32>} : memref<32x1024xf32, #tpu.memory_space<vmem>>, vector<1x16xf32>,
        %get3A_394 = vector.shape_cast %get3A_393 : vector<1x16xf32> to vector<16xf32>
        %get3A_395 = arith.index_cast %scan3A_28 : i32 to index
        %get3A_396 = arith.constant 416 : index
        %get3A_397 = tpu.vector_load %arg9[%get3A_395, %get3A_396] {strides = array<i32>} : memref<32x1024xf32, #tpu.memory_space<vmem>>, vector<1x16xf32>,
        %get3A_398 = vector.shape_cast %get3A_397 : vector<1x16xf32> to vector<16xf32>
        %add3A_399 = arith.addf %get3A_394, %get3A_398 : vector<16xf32>
        %swap3A_400 = arith.index_cast %scan3A_28 : i32 to index
        %swap3A_401 = arith.constant 416 : index
        %swap3A_402 = tpu.vector_load %arg8[%swap3A_400, %swap3A_401] {strides = array<i32>} : memref<32x1024xf32, #tpu.memory_space<vmem>>, vector<1x16xf32>,
        %swap3A_403 = vector.shape_cast %swap3A_402 : vector<1x16xf32> to vector<16xf32>
        %swap3A_404 = vector.shape_cast %add3A_399 : vector<16xf32> to vector<1x16xf32>
        tpu.vector_store %arg8[%swap3A_400, %swap3A_401], %swap3A_404 {strides = array<i32>} : memref<32x1024xf32, #tpu.memory_space<vmem>>, vector<1x16xf32>,
        %get3A_405 = arith.index_cast %scan3A_28 : i32 to index
        %get3A_406 = arith.constant 432 : index
        %get3A_407 = tpu.vector_load %arg8[%get3A_405, %get3A_406] {strides = array<i32>} : memref<32x1024xf32, #tpu.memory_space<vmem>>, vector<1x16xf32>,
        %get3A_408 = vector.shape_cast %get3A_407 : vector<1x16xf32> to vector<16xf32>
        %get3A_409 = arith.index_cast %scan3A_28 : i32 to index
        %get3A_410 = arith.constant 432 : index
        %get3A_411 = tpu.vector_load %arg9[%get3A_409, %get3A_410] {strides = array<i32>} : memref<32x1024xf32, #tpu.memory_space<vmem>>, vector<1x16xf32>,
        %get3A_412 = vector.shape_cast %get3A_411 : vector<1x16xf32> to vector<16xf32>
        %add3A_413 = arith.addf %get3A_408, %get3A_412 : vector<16xf32>
        %swap3A_414 = arith.index_cast %scan3A_28 : i32 to index
        %swap3A_415 = arith.constant 432 : index
        %swap3A_416 = tpu.vector_load %arg8[%swap3A_414, %swap3A_415] {strides = array<i32>} : memref<32x1024xf32, #tpu.memory_space<vmem>>, vector<1x16xf32>,
        %swap3A_417 = vector.shape_cast %swap3A_416 : vector<1x16xf32> to vector<16xf32>
        %swap3A_418 = vector.shape_cast %add3A_413 : vector<16xf32> to vector<1x16xf32>
        tpu.vector_store %arg8[%swap3A_414, %swap3A_415], %swap3A_418 {strides = array<i32>} : memref<32x1024xf32, #tpu.memory_space<vmem>>, vector<1x16xf32>,
        %get3A_419 = arith.index_cast %scan3A_28 : i32 to index
        %get3A_420 = arith.constant 448 : index
        %get3A_421 = tpu.vector_load %arg8[%get3A_419, %get3A_420] {strides = array<i32>} : memref<32x1024xf32, #tpu.memory_space<vmem>>, vector<1x16xf32>,
        %get3A_422 = vector.shape_cast %get3A_421 : vector<1x16xf32> to vector<16xf32>
        %get3A_423 = arith.index_cast %scan3A_28 : i32 to index
        %get3A_424 = arith.constant 448 : index
        %get3A_425 = tpu.vector_load %arg9[%get3A_423, %get3A_424] {strides = array<i32>} : memref<32x1024xf32, #tpu.memory_space<vmem>>, vector<1x16xf32>,
        %get3A_426 = vector.shape_cast %get3A_425 : vector<1x16xf32> to vector<16xf32>
        %add3A_427 = arith.addf %get3A_422, %get3A_426 : vector<16xf32>
        %swap3A_428 = arith.index_cast %scan3A_28 : i32 to index
        %swap3A_429 = arith.constant 448 : index
        %swap3A_430 = tpu.vector_load %arg8[%swap3A_428, %swap3A_429] {strides = array<i32>} : memref<32x1024xf32, #tpu.memory_space<vmem>>, vector<1x16xf32>,
        %swap3A_431 = vector.shape_cast %swap3A_430 : vector<1x16xf32> to vector<16xf32>
        %swap3A_432 = vector.shape_cast %add3A_427 : vector<16xf32> to vector<1x16xf32>
        tpu.vector_store %arg8[%swap3A_428, %swap3A_429], %swap3A_432 {strides = array<i32>} : memref<32x1024xf32, #tpu.memory_space<vmem>>, vector<1x16xf32>,
        %get3A_433 = arith.index_cast %scan3A_28 : i32 to index
        %get3A_434 = arith.constant 464 : index
        %get3A_435 = tpu.vector_load %arg8[%get3A_433, %get3A_434] {strides = array<i32>} : memref<32x1024xf32, #tpu.memory_space<vmem>>, vector<1x16xf32>,
        %get3A_436 = vector.shape_cast %get3A_435 : vector<1x16xf32> to vector<16xf32>
        %get3A_437 = arith.index_cast %scan3A_28 : i32 to index
        %get3A_438 = arith.constant 464 : index
        %get3A_439 = tpu.vector_load %arg9[%get3A_437, %get3A_438] {strides = array<i32>} : memref<32x1024xf32, #tpu.memory_space<vmem>>, vector<1x16xf32>,
        %get3A_440 = vector.shape_cast %get3A_439 : vector<1x16xf32> to vector<16xf32>
        %add3A_441 = arith.addf %get3A_436, %get3A_440 : vector<16xf32>
        %swap3A_442 = arith.index_cast %scan3A_28 : i32 to index
        %swap3A_443 = arith.constant 464 : index
        %swap3A_444 = tpu.vector_load %arg8[%swap3A_442, %swap3A_443] {strides = array<i32>} : memref<32x1024xf32, #tpu.memory_space<vmem>>, vector<1x16xf32>,
        %swap3A_445 = vector.shape_cast %swap3A_444 : vector<1x16xf32> to vector<16xf32>
        %swap3A_446 = vector.shape_cast %add3A_441 : vector<16xf32> to vector<1x16xf32>
        tpu.vector_store %arg8[%swap3A_442, %swap3A_443], %swap3A_446 {strides = array<i32>} : memref<32x1024xf32, #tpu.memory_space<vmem>>, vector<1x16xf32>,
        %get3A_447 = arith.index_cast %scan3A_28 : i32 to index
        %get3A_448 = arith.constant 480 : index
        %get3A_449 = tpu.vector_load %arg8[%get3A_447, %get3A_448] {strides = array<i32>} : memref<32x1024xf32, #tpu.memory_space<vmem>>, vector<1x16xf32>,
        %get3A_450 = vector.shape_cast %get3A_449 : vector<1x16xf32> to vector<16xf32>
        %get3A_451 = arith.index_cast %scan3A_28 : i32 to index
        %get3A_452 = arith.constant 480 : index
        %get3A_453 = tpu.vector_load %arg9[%get3A_451, %get3A_452] {strides = array<i32>} : memref<32x1024xf32, #tpu.memory_space<vmem>>, vector<1x16xf32>,
        %get3A_454 = vector.shape_cast %get3A_453 : vector<1x16xf32> to vector<16xf32>
        %add3A_455 = arith.addf %get3A_450, %get3A_454 : vector<16xf32>
        %swap3A_456 = arith.index_cast %scan3A_28 : i32 to index
        %swap3A_457 = arith.constant 480 : index
        %swap3A_458 = tpu.vector_load %arg8[%swap3A_456, %swap3A_457] {strides = array<i32>} : memref<32x1024xf32, #tpu.memory_space<vmem>>, vector<1x16xf32>,
        %swap3A_459 = vector.shape_cast %swap3A_458 : vector<1x16xf32> to vector<16xf32>
        %swap3A_460 = vector.shape_cast %add3A_455 : vector<16xf32> to vector<1x16xf32>
        tpu.vector_store %arg8[%swap3A_456, %swap3A_457], %swap3A_460 {strides = array<i32>} : memref<32x1024xf32, #tpu.memory_space<vmem>>, vector<1x16xf32>,
        %get3A_461 = arith.index_cast %scan3A_28 : i32 to index
        %get3A_462 = arith.constant 496 : index
        %get3A_463 = tpu.vector_load %arg8[%get3A_461, %get3A_462] {strides = array<i32>} : memref<32x1024xf32, #tpu.memory_space<vmem>>, vector<1x16xf32>,
        %get3A_464 = vector.shape_cast %get3A_463 : vector<1x16xf32> to vector<16xf32>
        %get3A_465 = arith.index_cast %scan3A_28 : i32 to index
        %get3A_466 = arith.constant 496 : index
        %get3A_467 = tpu.vector_load %arg9[%get3A_465, %get3A_466] {strides = array<i32>} : memref<32x1024xf32, #tpu.memory_space<vmem>>, vector<1x16xf32>,
        %get3A_468 = vector.shape_cast %get3A_467 : vector<1x16xf32> to vector<16xf32>
        %add3A_469 = arith.addf %get3A_464, %get3A_468 : vector<16xf32>
        %swap3A_470 = arith.index_cast %scan3A_28 : i32 to index
        %swap3A_471 = arith.constant 496 : index
        %swap3A_472 = tpu.vector_load %arg8[%swap3A_470, %swap3A_471] {strides = array<i32>} : memref<32x1024xf32, #tpu.memory_space<vmem>>, vector<1x16xf32>,
        %swap3A_473 = vector.shape_cast %swap3A_472 : vector<1x16xf32> to vector<16xf32>
        %swap3A_474 = vector.shape_cast %add3A_469 : vector<16xf32> to vector<1x16xf32>
        tpu.vector_store %arg8[%swap3A_470, %swap3A_471], %swap3A_474 {strides = array<i32>} : memref<32x1024xf32, #tpu.memory_space<vmem>>, vector<1x16xf32>,
        %get3A_475 = arith.index_cast %scan3A_28 : i32 to index
        %get3A_476 = arith.constant 512 : index
        %get3A_477 = tpu.vector_load %arg8[%get3A_475, %get3A_476] {strides = array<i32>} : memref<32x1024xf32, #tpu.memory_space<vmem>>, vector<1x16xf32>,
        %get3A_478 = vector.shape_cast %get3A_477 : vector<1x16xf32> to vector<16xf32>
        %get3A_479 = arith.index_cast %scan3A_28 : i32 to index
        %get3A_480 = arith.constant 512 : index
        %get3A_481 = tpu.vector_load %arg9[%get3A_479, %get3A_480] {strides = array<i32>} : memref<32x1024xf32, #tpu.memory_space<vmem>>, vector<1x16xf32>,
        %get3A_482 = vector.shape_cast %get3A_481 : vector<1x16xf32> to vector<16xf32>
        %add3A_483 = arith.addf %get3A_478, %get3A_482 : vector<16xf32>
        %swap3A_484 = arith.index_cast %scan3A_28 : i32 to index
        %swap3A_485 = arith.constant 512 : index
        %swap3A_486 = tpu.vector_load %arg8[%swap3A_484, %swap3A_485] {strides = array<i32>} : memref<32x1024xf32, #tpu.memory_space<vmem>>, vector<1x16xf32>,
        %swap3A_487 = vector.shape_cast %swap3A_486 : vector<1x16xf32> to vector<16xf32>
        %swap3A_488 = vector.shape_cast %add3A_483 : vector<16xf32> to vector<1x16xf32>
        tpu.vector_store %arg8[%swap3A_484, %swap3A_485], %swap3A_488 {strides = array<i32>} : memref<32x1024xf32, #tpu.memory_space<vmem>>, vector<1x16xf32>,
        %get3A_489 = arith.index_cast %scan3A_28 : i32 to index
        %get3A_490 = arith.constant 528 : index
        %get3A_491 = tpu.vector_load %arg8[%get3A_489, %get3A_490] {strides = array<i32>} : memref<32x1024xf32, #tpu.memory_space<vmem>>, vector<1x16xf32>,
        %get3A_492 = vector.shape_cast %get3A_491 : vector<1x16xf32> to vector<16xf32>
        %get3A_493 = arith.index_cast %scan3A_28 : i32 to index
        %get3A_494 = arith.constant 528 : index
        %get3A_495 = tpu.vector_load %arg9[%get3A_493, %get3A_494] {strides = array<i32>} : memref<32x1024xf32, #tpu.memory_space<vmem>>, vector<1x16xf32>,
        %get3A_496 = vector.shape_cast %get3A_495 : vector<1x16xf32> to vector<16xf32>
        %add3A_497 = arith.addf %get3A_492, %get3A_496 : vector<16xf32>
        %swap3A_498 = arith.index_cast %scan3A_28 : i32 to index
        %swap3A_499 = arith.constant 528 : index
        %swap3A_500 = tpu.vector_load %arg8[%swap3A_498, %swap3A_499] {strides = array<i32>} : memref<32x1024xf32, #tpu.memory_space<vmem>>, vector<1x16xf32>,
        %swap3A_501 = vector.shape_cast %swap3A_500 : vector<1x16xf32> to vector<16xf32>
        %swap3A_502 = vector.shape_cast %add3A_497 : vector<16xf32> to vector<1x16xf32>
        tpu.vector_store %arg8[%swap3A_498, %swap3A_499], %swap3A_502 {strides = array<i32>} : memref<32x1024xf32, #tpu.memory_space<vmem>>, vector<1x16xf32>,
        %get3A_503 = arith.index_cast %scan3A_28 : i32 to index
        %get3A_504 = arith.constant 544 : index
        %get3A_505 = tpu.vector_load %arg8[%get3A_503, %get3A_504] {strides = array<i32>} : memref<32x1024xf32, #tpu.memory_space<vmem>>, vector<1x16xf32>,
        %get3A_506 = vector.shape_cast %get3A_505 : vector<1x16xf32> to vector<16xf32>
        %get3A_507 = arith.index_cast %scan3A_28 : i32 to index
        %get3A_508 = arith.constant 544 : index
        %get3A_509 = tpu.vector_load %arg9[%get3A_507, %get3A_508] {strides = array<i32>} : memref<32x1024xf32, #tpu.memory_space<vmem>>, vector<1x16xf32>,
        %get3A_510 = vector.shape_cast %get3A_509 : vector<1x16xf32> to vector<16xf32>
        %add3A_511 = arith.addf %get3A_506, %get3A_510 : vector<16xf32>
        %swap3A_512 = arith.index_cast %scan3A_28 : i32 to index
        %swap3A_513 = arith.constant 544 : index
        %swap3A_514 = tpu.vector_load %arg8[%swap3A_512, %swap3A_513] {strides = array<i32>} : memref<32x1024xf32, #tpu.memory_space<vmem>>, vector<1x16xf32>,
        %swap3A_515 = vector.shape_cast %swap3A_514 : vector<1x16xf32> to vector<16xf32>
        %swap3A_516 = vector.shape_cast %add3A_511 : vector<16xf32> to vector<1x16xf32>
        tpu.vector_store %arg8[%swap3A_512, %swap3A_513], %swap3A_516 {strides = array<i32>} : memref<32x1024xf32, #tpu.memory_space<vmem>>, vector<1x16xf32>,
        %get3A_517 = arith.index_cast %scan3A_28 : i32 to index
        %get3A_518 = arith.constant 560 : index
        %get3A_519 = tpu.vector_load %arg8[%get3A_517, %get3A_518] {strides = array<i32>} : memref<32x1024xf32, #tpu.memory_space<vmem>>, vector<1x16xf32>,
        %get3A_520 = vector.shape_cast %get3A_519 : vector<1x16xf32> to vector<16xf32>
        %get3A_521 = arith.index_cast %scan3A_28 : i32 to index
        %get3A_522 = arith.constant 560 : index
        %get3A_523 = tpu.vector_load %arg9[%get3A_521, %get3A_522] {strides = array<i32>} : memref<32x1024xf32, #tpu.memory_space<vmem>>, vector<1x16xf32>,
        %get3A_524 = vector.shape_cast %get3A_523 : vector<1x16xf32> to vector<16xf32>
        %add3A_525 = arith.addf %get3A_520, %get3A_524 : vector<16xf32>
        %swap3A_526 = arith.index_cast %scan3A_28 : i32 to index
        %swap3A_527 = arith.constant 560 : index
        %swap3A_528 = tpu.vector_load %arg8[%swap3A_526, %swap3A_527] {strides = array<i32>} : memref<32x1024xf32, #tpu.memory_space<vmem>>, vector<1x16xf32>,
        %swap3A_529 = vector.shape_cast %swap3A_528 : vector<1x16xf32> to vector<16xf32>
        %swap3A_530 = vector.shape_cast %add3A_525 : vector<16xf32> to vector<1x16xf32>
        tpu.vector_store %arg8[%swap3A_526, %swap3A_527], %swap3A_530 {strides = array<i32>} : memref<32x1024xf32, #tpu.memory_space<vmem>>, vector<1x16xf32>,
        %get3A_531 = arith.index_cast %scan3A_28 : i32 to index
        %get3A_532 = arith.constant 576 : index
        %get3A_533 = tpu.vector_load %arg8[%get3A_531, %get3A_532] {strides = array<i32>} : memref<32x1024xf32, #tpu.memory_space<vmem>>, vector<1x16xf32>,
        %get3A_534 = vector.shape_cast %get3A_533 : vector<1x16xf32> to vector<16xf32>
        %get3A_535 = arith.index_cast %scan3A_28 : i32 to index
        %get3A_536 = arith.constant 576 : index
        %get3A_537 = tpu.vector_load %arg9[%get3A_535, %get3A_536] {strides = array<i32>} : memref<32x1024xf32, #tpu.memory_space<vmem>>, vector<1x16xf32>,
        %get3A_538 = vector.shape_cast %get3A_537 : vector<1x16xf32> to vector<16xf32>
        %add3A_539 = arith.addf %get3A_534, %get3A_538 : vector<16xf32>
        %swap3A_540 = arith.index_cast %scan3A_28 : i32 to index
        %swap3A_541 = arith.constant 576 : index
        %swap3A_542 = tpu.vector_load %arg8[%swap3A_540, %swap3A_541] {strides = array<i32>} : memref<32x1024xf32, #tpu.memory_space<vmem>>, vector<1x16xf32>,
        %swap3A_543 = vector.shape_cast %swap3A_542 : vector<1x16xf32> to vector<16xf32>
        %swap3A_544 = vector.shape_cast %add3A_539 : vector<16xf32> to vector<1x16xf32>
        tpu.vector_store %arg8[%swap3A_540, %swap3A_541], %swap3A_544 {strides = array<i32>} : memref<32x1024xf32, #tpu.memory_space<vmem>>, vector<1x16xf32>,
        %get3A_545 = arith.index_cast %scan3A_28 : i32 to index
        %get3A_546 = arith.constant 592 : index
        %get3A_547 = tpu.vector_load %arg8[%get3A_545, %get3A_546] {strides = array<i32>} : memref<32x1024xf32, #tpu.memory_space<vmem>>, vector<1x16xf32>,
        %get3A_548 = vector.shape_cast %get3A_547 : vector<1x16xf32> to vector<16xf32>
        %get3A_549 = arith.index_cast %scan3A_28 : i32 to index
        %get3A_550 = arith.constant 592 : index
        %get3A_551 = tpu.vector_load %arg9[%get3A_549, %get3A_550] {strides = array<i32>} : memref<32x1024xf32, #tpu.memory_space<vmem>>, vector<1x16xf32>,
        %get3A_552 = vector.shape_cast %get3A_551 : vector<1x16xf32> to vector<16xf32>
        %add3A_553 = arith.addf %get3A_548, %get3A_552 : vector<16xf32>
        %swap3A_554 = arith.index_cast %scan3A_28 : i32 to index
        %swap3A_555 = arith.constant 592 : index
        %swap3A_556 = tpu.vector_load %arg8[%swap3A_554, %swap3A_555] {strides = array<i32>} : memref<32x1024xf32, #tpu.memory_space<vmem>>, vector<1x16xf32>,
        %swap3A_557 = vector.shape_cast %swap3A_556 : vector<1x16xf32> to vector<16xf32>
        %swap3A_558 = vector.shape_cast %add3A_553 : vector<16xf32> to vector<1x16xf32>
        tpu.vector_store %arg8[%swap3A_554, %swap3A_555], %swap3A_558 {strides = array<i32>} : memref<32x1024xf32, #tpu.memory_space<vmem>>, vector<1x16xf32>,
        %get3A_559 = arith.index_cast %scan3A_28 : i32 to index
        %get3A_560 = arith.constant 608 : index
        %get3A_561 = tpu.vector_load %arg8[%get3A_559, %get3A_560] {strides = array<i32>} : memref<32x1024xf32, #tpu.memory_space<vmem>>, vector<1x16xf32>,
        %get3A_562 = vector.shape_cast %get3A_561 : vector<1x16xf32> to vector<16xf32>
        %get3A_563 = arith.index_cast %scan3A_28 : i32 to index
        %get3A_564 = arith.constant 608 : index
        %get3A_565 = tpu.vector_load %arg9[%get3A_563, %get3A_564] {strides = array<i32>} : memref<32x1024xf32, #tpu.memory_space<vmem>>, vector<1x16xf32>,
        %get3A_566 = vector.shape_cast %get3A_565 : vector<1x16xf32> to vector<16xf32>
        %add3A_567 = arith.addf %get3A_562, %get3A_566 : vector<16xf32>
        %swap3A_568 = arith.index_cast %scan3A_28 : i32 to index
        %swap3A_569 = arith.constant 608 : index
        %swap3A_570 = tpu.vector_load %arg8[%swap3A_568, %swap3A_569] {strides = array<i32>} : memref<32x1024xf32, #tpu.memory_space<vmem>>, vector<1x16xf32>,
        %swap3A_571 = vector.shape_cast %swap3A_570 : vector<1x16xf32> to vector<16xf32>
        %swap3A_572 = vector.shape_cast %add3A_567 : vector<16xf32> to vector<1x16xf32>
        tpu.vector_store %arg8[%swap3A_568, %swap3A_569], %swap3A_572 {strides = array<i32>} : memref<32x1024xf32, #tpu.memory_space<vmem>>, vector<1x16xf32>,
        %get3A_573 = arith.index_cast %scan3A_28 : i32 to index
        %get3A_574 = arith.constant 624 : index
        %get3A_575 = tpu.vector_load %arg8[%get3A_573, %get3A_574] {strides = array<i32>} : memref<32x1024xf32, #tpu.memory_space<vmem>>, vector<1x16xf32>,
        %get3A_576 = vector.shape_cast %get3A_575 : vector<1x16xf32> to vector<16xf32>
        %get3A_577 = arith.index_cast %scan3A_28 : i32 to index
        %get3A_578 = arith.constant 624 : index
        %get3A_579 = tpu.vector_load %arg9[%get3A_577, %get3A_578] {strides = array<i32>} : memref<32x1024xf32, #tpu.memory_space<vmem>>, vector<1x16xf32>,
        %get3A_580 = vector.shape_cast %get3A_579 : vector<1x16xf32> to vector<16xf32>
        %add3A_581 = arith.addf %get3A_576, %get3A_580 : vector<16xf32>
        %swap3A_582 = arith.index_cast %scan3A_28 : i32 to index
        %swap3A_583 = arith.constant 624 : index
        %swap3A_584 = tpu.vector_load %arg8[%swap3A_582, %swap3A_583] {strides = array<i32>} : memref<32x1024xf32, #tpu.memory_space<vmem>>, vector<1x16xf32>,
        %swap3A_585 = vector.shape_cast %swap3A_584 : vector<1x16xf32> to vector<16xf32>
        %swap3A_586 = vector.shape_cast %add3A_581 : vector<16xf32> to vector<1x16xf32>
        tpu.vector_store %arg8[%swap3A_582, %swap3A_583], %swap3A_586 {strides = array<i32>} : memref<32x1024xf32, #tpu.memory_space<vmem>>, vector<1x16xf32>,
        %get3A_587 = arith.index_cast %scan3A_28 : i32 to index
        %get3A_588 = arith.constant 640 : index
        %get3A_589 = tpu.vector_load %arg8[%get3A_587, %get3A_588] {strides = array<i32>} : memref<32x1024xf32, #tpu.memory_space<vmem>>, vector<1x16xf32>,
        %get3A_590 = vector.shape_cast %get3A_589 : vector<1x16xf32> to vector<16xf32>
        %get3A_591 = arith.index_cast %scan3A_28 : i32 to index
        %get3A_592 = arith.constant 640 : index
        %get3A_593 = tpu.vector_load %arg9[%get3A_591, %get3A_592] {strides = array<i32>} : memref<32x1024xf32, #tpu.memory_space<vmem>>, vector<1x16xf32>,
        %get3A_594 = vector.shape_cast %get3A_593 : vector<1x16xf32> to vector<16xf32>
        %add3A_595 = arith.addf %get3A_590, %get3A_594 : vector<16xf32>
        %swap3A_596 = arith.index_cast %scan3A_28 : i32 to index
        %swap3A_597 = arith.constant 640 : index
        %swap3A_598 = tpu.vector_load %arg8[%swap3A_596, %swap3A_597] {strides = array<i32>} : memref<32x1024xf32, #tpu.memory_space<vmem>>, vector<1x16xf32>,
        %swap3A_599 = vector.shape_cast %swap3A_598 : vector<1x16xf32> to vector<16xf32>
        %swap3A_600 = vector.shape_cast %add3A_595 : vector<16xf32> to vector<1x16xf32>
        tpu.vector_store %arg8[%swap3A_596, %swap3A_597], %swap3A_600 {strides = array<i32>} : memref<32x1024xf32, #tpu.memory_space<vmem>>, vector<1x16xf32>,
        %get3A_601 = arith.index_cast %scan3A_28 : i32 to index
        %get3A_602 = arith.constant 656 : index
        %get3A_603 = tpu.vector_load %arg8[%get3A_601, %get3A_602] {strides = array<i32>} : memref<32x1024xf32, #tpu.memory_space<vmem>>, vector<1x16xf32>,
        %get3A_604 = vector.shape_cast %get3A_603 : vector<1x16xf32> to vector<16xf32>
        %get3A_605 = arith.index_cast %scan3A_28 : i32 to index
        %get3A_606 = arith.constant 656 : index
        %get3A_607 = tpu.vector_load %arg9[%get3A_605, %get3A_606] {strides = array<i32>} : memref<32x1024xf32, #tpu.memory_space<vmem>>, vector<1x16xf32>,
        %get3A_608 = vector.shape_cast %get3A_607 : vector<1x16xf32> to vector<16xf32>
        %add3A_609 = arith.addf %get3A_604, %get3A_608 : vector<16xf32>
        %swap3A_610 = arith.index_cast %scan3A_28 : i32 to index
        %swap3A_611 = arith.constant 656 : index
        %swap3A_612 = tpu.vector_load %arg8[%swap3A_610, %swap3A_611] {strides = array<i32>} : memref<32x1024xf32, #tpu.memory_space<vmem>>, vector<1x16xf32>,
        %swap3A_613 = vector.shape_cast %swap3A_612 : vector<1x16xf32> to vector<16xf32>
        %swap3A_614 = vector.shape_cast %add3A_609 : vector<16xf32> to vector<1x16xf32>
        tpu.vector_store %arg8[%swap3A_610, %swap3A_611], %swap3A_614 {strides = array<i32>} : memref<32x1024xf32, #tpu.memory_space<vmem>>, vector<1x16xf32>,
        %get3A_615 = arith.index_cast %scan3A_28 : i32 to index
        %get3A_616 = arith.constant 672 : index
        %get3A_617 = tpu.vector_load %arg8[%get3A_615, %get3A_616] {strides = array<i32>} : memref<32x1024xf32, #tpu.memory_space<vmem>>, vector<1x16xf32>,
        %get3A_618 = vector.shape_cast %get3A_617 : vector<1x16xf32> to vector<16xf32>
        %get3A_619 = arith.index_cast %scan3A_28 : i32 to index
        %get3A_620 = arith.constant 672 : index
        %get3A_621 = tpu.vector_load %arg9[%get3A_619, %get3A_620] {strides = array<i32>} : memref<32x1024xf32, #tpu.memory_space<vmem>>, vector<1x16xf32>,
        %get3A_622 = vector.shape_cast %get3A_621 : vector<1x16xf32> to vector<16xf32>
        %add3A_623 = arith.addf %get3A_618, %get3A_622 : vector<16xf32>
        %swap3A_624 = arith.index_cast %scan3A_28 : i32 to index
        %swap3A_625 = arith.constant 672 : index
        %swap3A_626 = tpu.vector_load %arg8[%swap3A_624, %swap3A_625] {strides = array<i32>} : memref<32x1024xf32, #tpu.memory_space<vmem>>, vector<1x16xf32>,
        %swap3A_627 = vector.shape_cast %swap3A_626 : vector<1x16xf32> to vector<16xf32>
        %swap3A_628 = vector.shape_cast %add3A_623 : vector<16xf32> to vector<1x16xf32>
        tpu.vector_store %arg8[%swap3A_624, %swap3A_625], %swap3A_628 {strides = array<i32>} : memref<32x1024xf32, #tpu.memory_space<vmem>>, vector<1x16xf32>,
        %get3A_629 = arith.index_cast %scan3A_28 : i32 to index
        %get3A_630 = arith.constant 688 : index
        %get3A_631 = tpu.vector_load %arg8[%get3A_629, %get3A_630] {strides = array<i32>} : memref<32x1024xf32, #tpu.memory_space<vmem>>, vector<1x16xf32>,
        %get3A_632 = vector.shape_cast %get3A_631 : vector<1x16xf32> to vector<16xf32>
        %get3A_633 = arith.index_cast %scan3A_28 : i32 to index
        %get3A_634 = arith.constant 688 : index
        %get3A_635 = tpu.vector_load %arg9[%get3A_633, %get3A_634] {strides = array<i32>} : memref<32x1024xf32, #tpu.memory_space<vmem>>, vector<1x16xf32>,
        %get3A_636 = vector.shape_cast %get3A_635 : vector<1x16xf32> to vector<16xf32>
        %add3A_637 = arith.addf %get3A_632, %get3A_636 : vector<16xf32>
        %swap3A_638 = arith.index_cast %scan3A_28 : i32 to index
        %swap3A_639 = arith.constant 688 : index
        %swap3A_640 = tpu.vector_load %arg8[%swap3A_638, %swap3A_639] {strides = array<i32>} : memref<32x1024xf32, #tpu.memory_space<vmem>>, vector<1x16xf32>,
        %swap3A_641 = vector.shape_cast %swap3A_640 : vector<1x16xf32> to vector<16xf32>
        %swap3A_642 = vector.shape_cast %add3A_637 : vector<16xf32> to vector<1x16xf32>
        tpu.vector_store %arg8[%swap3A_638, %swap3A_639], %swap3A_642 {strides = array<i32>} : memref<32x1024xf32, #tpu.memory_space<vmem>>, vector<1x16xf32>,
        %get3A_643 = arith.index_cast %scan3A_28 : i32 to index
        %get3A_644 = arith.constant 704 : index
        %get3A_645 = tpu.vector_load %arg8[%get3A_643, %get3A_644] {strides = array<i32>} : memref<32x1024xf32, #tpu.memory_space<vmem>>, vector<1x16xf32>,
        %get3A_646 = vector.shape_cast %get3A_645 : vector<1x16xf32> to vector<16xf32>
        %get3A_647 = arith.index_cast %scan3A_28 : i32 to index
        %get3A_648 = arith.constant 704 : index
        %get3A_649 = tpu.vector_load %arg9[%get3A_647, %get3A_648] {strides = array<i32>} : memref<32x1024xf32, #tpu.memory_space<vmem>>, vector<1x16xf32>,
        %get3A_650 = vector.shape_cast %get3A_649 : vector<1x16xf32> to vector<16xf32>
        %add3A_651 = arith.addf %get3A_646, %get3A_650 : vector<16xf32>
        %swap3A_652 = arith.index_cast %scan3A_28 : i32 to index
        %swap3A_653 = arith.constant 704 : index
        %swap3A_654 = tpu.vector_load %arg8[%swap3A_652, %swap3A_653] {strides = array<i32>} : memref<32x1024xf32, #tpu.memory_space<vmem>>, vector<1x16xf32>,
        %swap3A_655 = vector.shape_cast %swap3A_654 : vector<1x16xf32> to vector<16xf32>
        %swap3A_656 = vector.shape_cast %add3A_651 : vector<16xf32> to vector<1x16xf32>
        tpu.vector_store %arg8[%swap3A_652, %swap3A_653], %swap3A_656 {strides = array<i32>} : memref<32x1024xf32, #tpu.memory_space<vmem>>, vector<1x16xf32>,
        %get3A_657 = arith.index_cast %scan3A_28 : i32 to index
        %get3A_658 = arith.constant 720 : index
        %get3A_659 = tpu.vector_load %arg8[%get3A_657, %get3A_658] {strides = array<i32>} : memref<32x1024xf32, #tpu.memory_space<vmem>>, vector<1x16xf32>,
        %get3A_660 = vector.shape_cast %get3A_659 : vector<1x16xf32> to vector<16xf32>
        %get3A_661 = arith.index_cast %scan3A_28 : i32 to index
        %get3A_662 = arith.constant 720 : index
        %get3A_663 = tpu.vector_load %arg9[%get3A_661, %get3A_662] {strides = array<i32>} : memref<32x1024xf32, #tpu.memory_space<vmem>>, vector<1x16xf32>,
        %get3A_664 = vector.shape_cast %get3A_663 : vector<1x16xf32> to vector<16xf32>
        %add3A_665 = arith.addf %get3A_660, %get3A_664 : vector<16xf32>
        %swap3A_666 = arith.index_cast %scan3A_28 : i32 to index
        %swap3A_667 = arith.constant 720 : index
        %swap3A_668 = tpu.vector_load %arg8[%swap3A_666, %swap3A_667] {strides = array<i32>} : memref<32x1024xf32, #tpu.memory_space<vmem>>, vector<1x16xf32>,
        %swap3A_669 = vector.shape_cast %swap3A_668 : vector<1x16xf32> to vector<16xf32>
        %swap3A_670 = vector.shape_cast %add3A_665 : vector<16xf32> to vector<1x16xf32>
        tpu.vector_store %arg8[%swap3A_666, %swap3A_667], %swap3A_670 {strides = array<i32>} : memref<32x1024xf32, #tpu.memory_space<vmem>>, vector<1x16xf32>,
        %get3A_671 = arith.index_cast %scan3A_28 : i32 to index
        %get3A_672 = arith.constant 736 : index
        %get3A_673 = tpu.vector_load %arg8[%get3A_671, %get3A_672] {strides = array<i32>} : memref<32x1024xf32, #tpu.memory_space<vmem>>, vector<1x16xf32>,
        %get3A_674 = vector.shape_cast %get3A_673 : vector<1x16xf32> to vector<16xf32>
        %get3A_675 = arith.index_cast %scan3A_28 : i32 to index
        %get3A_676 = arith.constant 736 : index
        %get3A_677 = tpu.vector_load %arg9[%get3A_675, %get3A_676] {strides = array<i32>} : memref<32x1024xf32, #tpu.memory_space<vmem>>, vector<1x16xf32>,
        %get3A_678 = vector.shape_cast %get3A_677 : vector<1x16xf32> to vector<16xf32>
        %add3A_679 = arith.addf %get3A_674, %get3A_678 : vector<16xf32>
        %swap3A_680 = arith.index_cast %scan3A_28 : i32 to index
        %swap3A_681 = arith.constant 736 : index
        %swap3A_682 = tpu.vector_load %arg8[%swap3A_680, %swap3A_681] {strides = array<i32>} : memref<32x1024xf32, #tpu.memory_space<vmem>>, vector<1x16xf32>,
        %swap3A_683 = vector.shape_cast %swap3A_682 : vector<1x16xf32> to vector<16xf32>
        %swap3A_684 = vector.shape_cast %add3A_679 : vector<16xf32> to vector<1x16xf32>
        tpu.vector_store %arg8[%swap3A_680, %swap3A_681], %swap3A_684 {strides = array<i32>} : memref<32x1024xf32, #tpu.memory_space<vmem>>, vector<1x16xf32>,
        %get3A_685 = arith.index_cast %scan3A_28 : i32 to index
        %get3A_686 = arith.constant 752 : index
        %get3A_687 = tpu.vector_load %arg8[%get3A_685, %get3A_686] {strides = array<i32>} : memref<32x1024xf32, #tpu.memory_space<vmem>>, vector<1x16xf32>,
        %get3A_688 = vector.shape_cast %get3A_687 : vector<1x16xf32> to vector<16xf32>
        %get3A_689 = arith.index_cast %scan3A_28 : i32 to index
        %get3A_690 = arith.constant 752 : index
        %get3A_691 = tpu.vector_load %arg9[%get3A_689, %get3A_690] {strides = array<i32>} : memref<32x1024xf32, #tpu.memory_space<vmem>>, vector<1x16xf32>,
        %get3A_692 = vector.shape_cast %get3A_691 : vector<1x16xf32> to vector<16xf32>
        %add3A_693 = arith.addf %get3A_688, %get3A_692 : vector<16xf32>
        %swap3A_694 = arith.index_cast %scan3A_28 : i32 to index
        %swap3A_695 = arith.constant 752 : index
        %swap3A_696 = tpu.vector_load %arg8[%swap3A_694, %swap3A_695] {strides = array<i32>} : memref<32x1024xf32, #tpu.memory_space<vmem>>, vector<1x16xf32>,
        %swap3A_697 = vector.shape_cast %swap3A_696 : vector<1x16xf32> to vector<16xf32>
        %swap3A_698 = vector.shape_cast %add3A_693 : vector<16xf32> to vector<1x16xf32>
        tpu.vector_store %arg8[%swap3A_694, %swap3A_695], %swap3A_698 {strides = array<i32>} : memref<32x1024xf32, #tpu.memory_space<vmem>>, vector<1x16xf32>,
        %get3A_699 = arith.index_cast %scan3A_28 : i32 to index
        %get3A_700 = arith.constant 768 : index
        %get3A_701 = tpu.vector_load %arg8[%get3A_699, %get3A_700] {strides = array<i32>} : memref<32x1024xf32, #tpu.memory_space<vmem>>, vector<1x16xf32>,
        %get3A_702 = vector.shape_cast %get3A_701 : vector<1x16xf32> to vector<16xf32>
        %get3A_703 = arith.index_cast %scan3A_28 : i32 to index
        %get3A_704 = arith.constant 768 : index
        %get3A_705 = tpu.vector_load %arg9[%get3A_703, %get3A_704] {strides = array<i32>} : memref<32x1024xf32, #tpu.memory_space<vmem>>, vector<1x16xf32>,
        %get3A_706 = vector.shape_cast %get3A_705 : vector<1x16xf32> to vector<16xf32>
        %add3A_707 = arith.addf %get3A_702, %get3A_706 : vector<16xf32>
        %swap3A_708 = arith.index_cast %scan3A_28 : i32 to index
        %swap3A_709 = arith.constant 768 : index
        %swap3A_710 = tpu.vector_load %arg8[%swap3A_708, %swap3A_709] {strides = array<i32>} : memref<32x1024xf32, #tpu.memory_space<vmem>>, vector<1x16xf32>,
        %swap3A_711 = vector.shape_cast %swap3A_710 : vector<1x16xf32> to vector<16xf32>
        %swap3A_712 = vector.shape_cast %add3A_707 : vector<16xf32> to vector<1x16xf32>
        tpu.vector_store %arg8[%swap3A_708, %swap3A_709], %swap3A_712 {strides = array<i32>} : memref<32x1024xf32, #tpu.memory_space<vmem>>, vector<1x16xf32>,
        %get3A_713 = arith.index_cast %scan3A_28 : i32 to index
        %get3A_714 = arith.constant 784 : index
        %get3A_715 = tpu.vector_load %arg8[%get3A_713, %get3A_714] {strides = array<i32>} : memref<32x1024xf32, #tpu.memory_space<vmem>>, vector<1x16xf32>,
        %get3A_716 = vector.shape_cast %get3A_715 : vector<1x16xf32> to vector<16xf32>
        %get3A_717 = arith.index_cast %scan3A_28 : i32 to index
        %get3A_718 = arith.constant 784 : index
        %get3A_719 = tpu.vector_load %arg9[%get3A_717, %get3A_718] {strides = array<i32>} : memref<32x1024xf32, #tpu.memory_space<vmem>>, vector<1x16xf32>,
        %get3A_720 = vector.shape_cast %get3A_719 : vector<1x16xf32> to vector<16xf32>
        %add3A_721 = arith.addf %get3A_716, %get3A_720 : vector<16xf32>
        %swap3A_722 = arith.index_cast %scan3A_28 : i32 to index
        %swap3A_723 = arith.constant 784 : index
        %swap3A_724 = tpu.vector_load %arg8[%swap3A_722, %swap3A_723] {strides = array<i32>} : memref<32x1024xf32, #tpu.memory_space<vmem>>, vector<1x16xf32>,
        %swap3A_725 = vector.shape_cast %swap3A_724 : vector<1x16xf32> to vector<16xf32>
        %swap3A_726 = vector.shape_cast %add3A_721 : vector<16xf32> to vector<1x16xf32>
        tpu.vector_store %arg8[%swap3A_722, %swap3A_723], %swap3A_726 {strides = array<i32>} : memref<32x1024xf32, #tpu.memory_space<vmem>>, vector<1x16xf32>,
        %get3A_727 = arith.index_cast %scan3A_28 : i32 to index
        %get3A_728 = arith.constant 800 : index
        %get3A_729 = tpu.vector_load %arg8[%get3A_727, %get3A_728] {strides = array<i32>} : memref<32x1024xf32, #tpu.memory_space<vmem>>, vector<1x16xf32>,
        %get3A_730 = vector.shape_cast %get3A_729 : vector<1x16xf32> to vector<16xf32>
        %get3A_731 = arith.index_cast %scan3A_28 : i32 to index
        %get3A_732 = arith.constant 800 : index
        %get3A_733 = tpu.vector_load %arg9[%get3A_731, %get3A_732] {strides = array<i32>} : memref<32x1024xf32, #tpu.memory_space<vmem>>, vector<1x16xf32>,
        %get3A_734 = vector.shape_cast %get3A_733 : vector<1x16xf32> to vector<16xf32>
        %add3A_735 = arith.addf %get3A_730, %get3A_734 : vector<16xf32>
        %swap3A_736 = arith.index_cast %scan3A_28 : i32 to index
        %swap3A_737 = arith.constant 800 : index
        %swap3A_738 = tpu.vector_load %arg8[%swap3A_736, %swap3A_737] {strides = array<i32>} : memref<32x1024xf32, #tpu.memory_space<vmem>>, vector<1x16xf32>,
        %swap3A_739 = vector.shape_cast %swap3A_738 : vector<1x16xf32> to vector<16xf32>
        %swap3A_740 = vector.shape_cast %add3A_735 : vector<16xf32> to vector<1x16xf32>
        tpu.vector_store %arg8[%swap3A_736, %swap3A_737], %swap3A_740 {strides = array<i32>} : memref<32x1024xf32, #tpu.memory_space<vmem>>, vector<1x16xf32>,
        %get3A_741 = arith.index_cast %scan3A_28 : i32 to index
        %get3A_742 = arith.constant 816 : index
        %get3A_743 = tpu.vector_load %arg8[%get3A_741, %get3A_742] {strides = array<i32>} : memref<32x1024xf32, #tpu.memory_space<vmem>>, vector<1x16xf32>,
        %get3A_744 = vector.shape_cast %get3A_743 : vector<1x16xf32> to vector<16xf32>
        %get3A_745 = arith.index_cast %scan3A_28 : i32 to index
        %get3A_746 = arith.constant 816 : index
        %get3A_747 = tpu.vector_load %arg9[%get3A_745, %get3A_746] {strides = array<i32>} : memref<32x1024xf32, #tpu.memory_space<vmem>>, vector<1x16xf32>,
        %get3A_748 = vector.shape_cast %get3A_747 : vector<1x16xf32> to vector<16xf32>
        %add3A_749 = arith.addf %get3A_744, %get3A_748 : vector<16xf32>
        %swap3A_750 = arith.index_cast %scan3A_28 : i32 to index
        %swap3A_751 = arith.constant 816 : index
        %swap3A_752 = tpu.vector_load %arg8[%swap3A_750, %swap3A_751] {strides = array<i32>} : memref<32x1024xf32, #tpu.memory_space<vmem>>, vector<1x16xf32>,
        %swap3A_753 = vector.shape_cast %swap3A_752 : vector<1x16xf32> to vector<16xf32>
        %swap3A_754 = vector.shape_cast %add3A_749 : vector<16xf32> to vector<1x16xf32>
        tpu.vector_store %arg8[%swap3A_750, %swap3A_751], %swap3A_754 {strides = array<i32>} : memref<32x1024xf32, #tpu.memory_space<vmem>>, vector<1x16xf32>,
        %get3A_755 = arith.index_cast %scan3A_28 : i32 to index
        %get3A_756 = arith.constant 832 : index
        %get3A_757 = tpu.vector_load %arg8[%get3A_755, %get3A_756] {strides = array<i32>} : memref<32x1024xf32, #tpu.memory_space<vmem>>, vector<1x16xf32>,
        %get3A_758 = vector.shape_cast %get3A_757 : vector<1x16xf32> to vector<16xf32>
        %get3A_759 = arith.index_cast %scan3A_28 : i32 to index
        %get3A_760 = arith.constant 832 : index
        %get3A_761 = tpu.vector_load %arg9[%get3A_759, %get3A_760] {strides = array<i32>} : memref<32x1024xf32, #tpu.memory_space<vmem>>, vector<1x16xf32>,
        %get3A_762 = vector.shape_cast %get3A_761 : vector<1x16xf32> to vector<16xf32>
        %add3A_763 = arith.addf %get3A_758, %get3A_762 : vector<16xf32>
        %swap3A_764 = arith.index_cast %scan3A_28 : i32 to index
        %swap3A_765 = arith.constant 832 : index
        %swap3A_766 = tpu.vector_load %arg8[%swap3A_764, %swap3A_765] {strides = array<i32>} : memref<32x1024xf32, #tpu.memory_space<vmem>>, vector<1x16xf32>,
        %swap3A_767 = vector.shape_cast %swap3A_766 : vector<1x16xf32> to vector<16xf32>
        %swap3A_768 = vector.shape_cast %add3A_763 : vector<16xf32> to vector<1x16xf32>
        tpu.vector_store %arg8[%swap3A_764, %swap3A_765], %swap3A_768 {strides = array<i32>} : memref<32x1024xf32, #tpu.memory_space<vmem>>, vector<1x16xf32>,
        %get3A_769 = arith.index_cast %scan3A_28 : i32 to index
        %get3A_770 = arith.constant 848 : index
        %get3A_771 = tpu.vector_load %arg8[%get3A_769, %get3A_770] {strides = array<i32>} : memref<32x1024xf32, #tpu.memory_space<vmem>>, vector<1x16xf32>,
        %get3A_772 = vector.shape_cast %get3A_771 : vector<1x16xf32> to vector<16xf32>
        %get3A_773 = arith.index_cast %scan3A_28 : i32 to index
        %get3A_774 = arith.constant 848 : index
        %get3A_775 = tpu.vector_load %arg9[%get3A_773, %get3A_774] {strides = array<i32>} : memref<32x1024xf32, #tpu.memory_space<vmem>>, vector<1x16xf32>,
        %get3A_776 = vector.shape_cast %get3A_775 : vector<1x16xf32> to vector<16xf32>
        %add3A_777 = arith.addf %get3A_772, %get3A_776 : vector<16xf32>
        %swap3A_778 = arith.index_cast %scan3A_28 : i32 to index
        %swap3A_779 = arith.constant 848 : index
        %swap3A_780 = tpu.vector_load %arg8[%swap3A_778, %swap3A_779] {strides = array<i32>} : memref<32x1024xf32, #tpu.memory_space<vmem>>, vector<1x16xf32>,
        %swap3A_781 = vector.shape_cast %swap3A_780 : vector<1x16xf32> to vector<16xf32>
        %swap3A_782 = vector.shape_cast %add3A_777 : vector<16xf32> to vector<1x16xf32>
        tpu.vector_store %arg8[%swap3A_778, %swap3A_779], %swap3A_782 {strides = array<i32>} : memref<32x1024xf32, #tpu.memory_space<vmem>>, vector<1x16xf32>,
        %get3A_783 = arith.index_cast %scan3A_28 : i32 to index
        %get3A_784 = arith.constant 864 : index
        %get3A_785 = tpu.vector_load %arg8[%get3A_783, %get3A_784] {strides = array<i32>} : memref<32x1024xf32, #tpu.memory_space<vmem>>, vector<1x16xf32>,
        %get3A_786 = vector.shape_cast %get3A_785 : vector<1x16xf32> to vector<16xf32>
        %get3A_787 = arith.index_cast %scan3A_28 : i32 to index
        %get3A_788 = arith.constant 864 : index
        %get3A_789 = tpu.vector_load %arg9[%get3A_787, %get3A_788] {strides = array<i32>} : memref<32x1024xf32, #tpu.memory_space<vmem>>, vector<1x16xf32>,
        %get3A_790 = vector.shape_cast %get3A_789 : vector<1x16xf32> to vector<16xf32>
        %add3A_791 = arith.addf %get3A_786, %get3A_790 : vector<16xf32>
        %swap3A_792 = arith.index_cast %scan3A_28 : i32 to index
        %swap3A_793 = arith.constant 864 : index
        %swap3A_794 = tpu.vector_load %arg8[%swap3A_792, %swap3A_793] {strides = array<i32>} : memref<32x1024xf32, #tpu.memory_space<vmem>>, vector<1x16xf32>,
        %swap3A_795 = vector.shape_cast %swap3A_794 : vector<1x16xf32> to vector<16xf32>
        %swap3A_796 = vector.shape_cast %add3A_791 : vector<16xf32> to vector<1x16xf32>
        tpu.vector_store %arg8[%swap3A_792, %swap3A_793], %swap3A_796 {strides = array<i32>} : memref<32x1024xf32, #tpu.memory_space<vmem>>, vector<1x16xf32>,
        %get3A_797 = arith.index_cast %scan3A_28 : i32 to index
        %get3A_798 = arith.constant 880 : index
        %get3A_799 = tpu.vector_load %arg8[%get3A_797, %get3A_798] {strides = array<i32>} : memref<32x1024xf32, #tpu.memory_space<vmem>>, vector<1x16xf32>,
        %get3A_800 = vector.shape_cast %get3A_799 : vector<1x16xf32> to vector<16xf32>
        %get3A_801 = arith.index_cast %scan3A_28 : i32 to index
        %get3A_802 = arith.constant 880 : index
        %get3A_803 = tpu.vector_load %arg9[%get3A_801, %get3A_802] {strides = array<i32>} : memref<32x1024xf32, #tpu.memory_space<vmem>>, vector<1x16xf32>,
        %get3A_804 = vector.shape_cast %get3A_803 : vector<1x16xf32> to vector<16xf32>
        %add3A_805 = arith.addf %get3A_800, %get3A_804 : vector<16xf32>
        %swap3A_806 = arith.index_cast %scan3A_28 : i32 to index
        %swap3A_807 = arith.constant 880 : index
        %swap3A_808 = tpu.vector_load %arg8[%swap3A_806, %swap3A_807] {strides = array<i32>} : memref<32x1024xf32, #tpu.memory_space<vmem>>, vector<1x16xf32>,
        %swap3A_809 = vector.shape_cast %swap3A_808 : vector<1x16xf32> to vector<16xf32>
        %swap3A_810 = vector.shape_cast %add3A_805 : vector<16xf32> to vector<1x16xf32>
        tpu.vector_store %arg8[%swap3A_806, %swap3A_807], %swap3A_810 {strides = array<i32>} : memref<32x1024xf32, #tpu.memory_space<vmem>>, vector<1x16xf32>,
        %get3A_811 = arith.index_cast %scan3A_28 : i32 to index
        %get3A_812 = arith.constant 896 : index
        %get3A_813 = tpu.vector_load %arg8[%get3A_811, %get3A_812] {strides = array<i32>} : memref<32x1024xf32, #tpu.memory_space<vmem>>, vector<1x16xf32>,
        %get3A_814 = vector.shape_cast %get3A_813 : vector<1x16xf32> to vector<16xf32>
        %get3A_815 = arith.index_cast %scan3A_28 : i32 to index
        %get3A_816 = arith.constant 896 : index
        %get3A_817 = tpu.vector_load %arg9[%get3A_815, %get3A_816] {strides = array<i32>} : memref<32x1024xf32, #tpu.memory_space<vmem>>, vector<1x16xf32>,
        %get3A_818 = vector.shape_cast %get3A_817 : vector<1x16xf32> to vector<16xf32>
        %add3A_819 = arith.addf %get3A_814, %get3A_818 : vector<16xf32>
        %swap3A_820 = arith.index_cast %scan3A_28 : i32 to index
        %swap3A_821 = arith.constant 896 : index
        %swap3A_822 = tpu.vector_load %arg8[%swap3A_820, %swap3A_821] {strides = array<i32>} : memref<32x1024xf32, #tpu.memory_space<vmem>>, vector<1x16xf32>,
        %swap3A_823 = vector.shape_cast %swap3A_822 : vector<1x16xf32> to vector<16xf32>
        %swap3A_824 = vector.shape_cast %add3A_819 : vector<16xf32> to vector<1x16xf32>
        tpu.vector_store %arg8[%swap3A_820, %swap3A_821], %swap3A_824 {strides = array<i32>} : memref<32x1024xf32, #tpu.memory_space<vmem>>, vector<1x16xf32>,
        %get3A_825 = arith.index_cast %scan3A_28 : i32 to index
        %get3A_826 = arith.constant 912 : index
        %get3A_827 = tpu.vector_load %arg8[%get3A_825, %get3A_826] {strides = array<i32>} : memref<32x1024xf32, #tpu.memory_space<vmem>>, vector<1x16xf32>,
        %get3A_828 = vector.shape_cast %get3A_827 : vector<1x16xf32> to vector<16xf32>
        %get3A_829 = arith.index_cast %scan3A_28 : i32 to index
        %get3A_830 = arith.constant 912 : index
        %get3A_831 = tpu.vector_load %arg9[%get3A_829, %get3A_830] {strides = array<i32>} : memref<32x1024xf32, #tpu.memory_space<vmem>>, vector<1x16xf32>,
        %get3A_832 = vector.shape_cast %get3A_831 : vector<1x16xf32> to vector<16xf32>
        %add3A_833 = arith.addf %get3A_828, %get3A_832 : vector<16xf32>
        %swap3A_834 = arith.index_cast %scan3A_28 : i32 to index
        %swap3A_835 = arith.constant 912 : index
        %swap3A_836 = tpu.vector_load %arg8[%swap3A_834, %swap3A_835] {strides = array<i32>} : memref<32x1024xf32, #tpu.memory_space<vmem>>, vector<1x16xf32>,
        %swap3A_837 = vector.shape_cast %swap3A_836 : vector<1x16xf32> to vector<16xf32>
        %swap3A_838 = vector.shape_cast %add3A_833 : vector<16xf32> to vector<1x16xf32>
        tpu.vector_store %arg8[%swap3A_834, %swap3A_835], %swap3A_838 {strides = array<i32>} : memref<32x1024xf32, #tpu.memory_space<vmem>>, vector<1x16xf32>,
        %get3A_839 = arith.index_cast %scan3A_28 : i32 to index
        %get3A_840 = arith.constant 928 : index
        %get3A_841 = tpu.vector_load %arg8[%get3A_839, %get3A_840] {strides = array<i32>} : memref<32x1024xf32, #tpu.memory_space<vmem>>, vector<1x16xf32>,
        %get3A_842 = vector.shape_cast %get3A_841 : vector<1x16xf32> to vector<16xf32>
        %get3A_843 = arith.index_cast %scan3A_28 : i32 to index
        %get3A_844 = arith.constant 928 : index
        %get3A_845 = tpu.vector_load %arg9[%get3A_843, %get3A_844] {strides = array<i32>} : memref<32x1024xf32, #tpu.memory_space<vmem>>, vector<1x16xf32>,
        %get3A_846 = vector.shape_cast %get3A_845 : vector<1x16xf32> to vector<16xf32>
        %add3A_847 = arith.addf %get3A_842, %get3A_846 : vector<16xf32>
        %swap3A_848 = arith.index_cast %scan3A_28 : i32 to index
        %swap3A_849 = arith.constant 928 : index
        %swap3A_850 = tpu.vector_load %arg8[%swap3A_848, %swap3A_849] {strides = array<i32>} : memref<32x1024xf32, #tpu.memory_space<vmem>>, vector<1x16xf32>,
        %swap3A_851 = vector.shape_cast %swap3A_850 : vector<1x16xf32> to vector<16xf32>
        %swap3A_852 = vector.shape_cast %add3A_847 : vector<16xf32> to vector<1x16xf32>
        tpu.vector_store %arg8[%swap3A_848, %swap3A_849], %swap3A_852 {strides = array<i32>} : memref<32x1024xf32, #tpu.memory_space<vmem>>, vector<1x16xf32>,
        %get3A_853 = arith.index_cast %scan3A_28 : i32 to index
        %get3A_854 = arith.constant 944 : index
        %get3A_855 = tpu.vector_load %arg8[%get3A_853, %get3A_854] {strides = array<i32>} : memref<32x1024xf32, #tpu.memory_space<vmem>>, vector<1x16xf32>,
        %get3A_856 = vector.shape_cast %get3A_855 : vector<1x16xf32> to vector<16xf32>
        %get3A_857 = arith.index_cast %scan3A_28 : i32 to index
        %get3A_858 = arith.constant 944 : index
        %get3A_859 = tpu.vector_load %arg9[%get3A_857, %get3A_858] {strides = array<i32>} : memref<32x1024xf32, #tpu.memory_space<vmem>>, vector<1x16xf32>,
        %get3A_860 = vector.shape_cast %get3A_859 : vector<1x16xf32> to vector<16xf32>
        %add3A_861 = arith.addf %get3A_856, %get3A_860 : vector<16xf32>
        %swap3A_862 = arith.index_cast %scan3A_28 : i32 to index
        %swap3A_863 = arith.constant 944 : index
        %swap3A_864 = tpu.vector_load %arg8[%swap3A_862, %swap3A_863] {strides = array<i32>} : memref<32x1024xf32, #tpu.memory_space<vmem>>, vector<1x16xf32>,
        %swap3A_865 = vector.shape_cast %swap3A_864 : vector<1x16xf32> to vector<16xf32>
        %swap3A_866 = vector.shape_cast %add3A_861 : vector<16xf32> to vector<1x16xf32>
        tpu.vector_store %arg8[%swap3A_862, %swap3A_863], %swap3A_866 {strides = array<i32>} : memref<32x1024xf32, #tpu.memory_space<vmem>>, vector<1x16xf32>,
        %get3A_867 = arith.index_cast %scan3A_28 : i32 to index
        %get3A_868 = arith.constant 960 : index
        %get3A_869 = tpu.vector_load %arg8[%get3A_867, %get3A_868] {strides = array<i32>} : memref<32x1024xf32, #tpu.memory_space<vmem>>, vector<1x16xf32>,
        %get3A_870 = vector.shape_cast %get3A_869 : vector<1x16xf32> to vector<16xf32>
        %get3A_871 = arith.index_cast %scan3A_28 : i32 to index
        %get3A_872 = arith.constant 960 : index
        %get3A_873 = tpu.vector_load %arg9[%get3A_871, %get3A_872] {strides = array<i32>} : memref<32x1024xf32, #tpu.memory_space<vmem>>, vector<1x16xf32>,
        %get3A_874 = vector.shape_cast %get3A_873 : vector<1x16xf32> to vector<16xf32>
        %add3A_875 = arith.addf %get3A_870, %get3A_874 : vector<16xf32>
        %swap3A_876 = arith.index_cast %scan3A_28 : i32 to index
        %swap3A_877 = arith.constant 960 : index
        %swap3A_878 = tpu.vector_load %arg8[%swap3A_876, %swap3A_877] {strides = array<i32>} : memref<32x1024xf32, #tpu.memory_space<vmem>>, vector<1x16xf32>,
        %swap3A_879 = vector.shape_cast %swap3A_878 : vector<1x16xf32> to vector<16xf32>
        %swap3A_880 = vector.shape_cast %add3A_875 : vector<16xf32> to vector<1x16xf32>
        tpu.vector_store %arg8[%swap3A_876, %swap3A_877], %swap3A_880 {strides = array<i32>} : memref<32x1024xf32, #tpu.memory_space<vmem>>, vector<1x16xf32>,
        %get3A_881 = arith.index_cast %scan3A_28 : i32 to index
        %get3A_882 = arith.constant 976 : index
        %get3A_883 = tpu.vector_load %arg8[%get3A_881, %get3A_882] {strides = array<i32>} : memref<32x1024xf32, #tpu.memory_space<vmem>>, vector<1x16xf32>,
        %get3A_884 = vector.shape_cast %get3A_883 : vector<1x16xf32> to vector<16xf32>
        %get3A_885 = arith.index_cast %scan3A_28 : i32 to index
        %get3A_886 = arith.constant 976 : index
        %get3A_887 = tpu.vector_load %arg9[%get3A_885, %get3A_886] {strides = array<i32>} : memref<32x1024xf32, #tpu.memory_space<vmem>>, vector<1x16xf32>,
        %get3A_888 = vector.shape_cast %get3A_887 : vector<1x16xf32> to vector<16xf32>
        %add3A_889 = arith.addf %get3A_884, %get3A_888 : vector<16xf32>
        %swap3A_890 = arith.index_cast %scan3A_28 : i32 to index
        %swap3A_891 = arith.constant 976 : index
        %swap3A_892 = tpu.vector_load %arg8[%swap3A_890, %swap3A_891] {strides = array<i32>} : memref<32x1024xf32, #tpu.memory_space<vmem>>, vector<1x16xf32>,
        %swap3A_893 = vector.shape_cast %swap3A_892 : vector<1x16xf32> to vector<16xf32>
        %swap3A_894 = vector.shape_cast %add3A_889 : vector<16xf32> to vector<1x16xf32>
        tpu.vector_store %arg8[%swap3A_890, %swap3A_891], %swap3A_894 {strides = array<i32>} : memref<32x1024xf32, #tpu.memory_space<vmem>>, vector<1x16xf32>,
        %get3A_895 = arith.index_cast %scan3A_28 : i32 to index
        %get3A_896 = arith.constant 992 : index
        %get3A_897 = tpu.vector_load %arg8[%get3A_895, %get3A_896] {strides = array<i32>} : memref<32x1024xf32, #tpu.memory_space<vmem>>, vector<1x16xf32>,
        %get3A_898 = vector.shape_cast %get3A_897 : vector<1x16xf32> to vector<16xf32>
        %get3A_899 = arith.index_cast %scan3A_28 : i32 to index
        %get3A_900 = arith.constant 992 : index
        %get3A_901 = tpu.vector_load %arg9[%get3A_899, %get3A_900] {strides = array<i32>} : memref<32x1024xf32, #tpu.memory_space<vmem>>, vector<1x16xf32>,
        %get3A_902 = vector.shape_cast %get3A_901 : vector<1x16xf32> to vector<16xf32>
        %add3A_903 = arith.addf %get3A_898, %get3A_902 : vector<16xf32>
        %swap3A_904 = arith.index_cast %scan3A_28 : i32 to index
        %swap3A_905 = arith.constant 992 : index
        %swap3A_906 = tpu.vector_load %arg8[%swap3A_904, %swap3A_905] {strides = array<i32>} : memref<32x1024xf32, #tpu.memory_space<vmem>>, vector<1x16xf32>,
        %swap3A_907 = vector.shape_cast %swap3A_906 : vector<1x16xf32> to vector<16xf32>
        %swap3A_908 = vector.shape_cast %add3A_903 : vector<16xf32> to vector<1x16xf32>
        tpu.vector_store %arg8[%swap3A_904, %swap3A_905], %swap3A_908 {strides = array<i32>} : memref<32x1024xf32, #tpu.memory_space<vmem>>, vector<1x16xf32>,
        %get3A_909 = arith.index_cast %scan3A_28 : i32 to index
        %get3A_910 = arith.constant 1008 : index
        %get3A_911 = tpu.vector_load %arg8[%get3A_909, %get3A_910] {strides = array<i32>} : memref<32x1024xf32, #tpu.memory_space<vmem>>, vector<1x16xf32>,
        %get3A_912 = vector.shape_cast %get3A_911 : vector<1x16xf32> to vector<16xf32>
        %get3A_913 = arith.index_cast %scan3A_28 : i32 to index
        %get3A_914 = arith.constant 1008 : index
        %get3A_915 = tpu.vector_load %arg9[%get3A_913, %get3A_914] {strides = array<i32>} : memref<32x1024xf32, #tpu.memory_space<vmem>>, vector<1x16xf32>,
        %get3A_916 = vector.shape_cast %get3A_915 : vector<1x16xf32> to vector<16xf32>
        %add3A_917 = arith.addf %get3A_912, %get3A_916 : vector<16xf32>
        %swap3A_918 = arith.index_cast %scan3A_28 : i32 to index
        %swap3A_919 = arith.constant 1008 : index
        %swap3A_920 = tpu.vector_load %arg8[%swap3A_918, %swap3A_919] {strides = array<i32>} : memref<32x1024xf32, #tpu.memory_space<vmem>>, vector<1x16xf32>,
        %swap3A_921 = vector.shape_cast %swap3A_920 : vector<1x16xf32> to vector<16xf32>
        %swap3A_922 = vector.shape_cast %add3A_917 : vector<16xf32> to vector<1x16xf32>
        tpu.vector_store %arg8[%swap3A_918, %swap3A_919], %swap3A_922 {strides = array<i32>} : memref<32x1024xf32, #tpu.memory_space<vmem>>, vector<1x16xf32>,
      }
      %scan3A_27 = arith.constant 32 : i32
      "tpu.region"() ({
        %run_scoped3A = tpu.sem_alloc : memref<!tpu.dma_semaphore, #tpu.memory_space<semaphore_mem>>
        %dma_start3A_28 = arith.constant 0 : i32
        %dma_start3A_29 = tpu.memref_slice %arg5[%add3A_11, %dma_start3A_28] : memref<4096x1024xf32, #tpu.memory_space<hbm>> -> memref<32x1024xf32, #tpu.memory_space<hbm>>
        %dma_start3A_30 = arith.constant 0 : i32
        %dma_start3A_31 = tpu.memref_slice %arg5[%add3A_11, %dma_start3A_30] : memref<4096x1024xf32, #tpu.memory_space<hbm>> -> memref<32x1024xf32, #tpu.memory_space<hbm>>
        tpu.enqueue_dma source(%arg8 : memref<32x1024xf32, #tpu.memory_space<vmem>>) target(%dma_start3A_31 : memref<32x1024xf32, #tpu.memory_space<hbm>>) target_semaphore(%run_scoped3A : memref<!tpu.dma_semaphore, #tpu.memory_space<semaphore_mem>>)
        %dma_wait3A_32 = arith.constant 0 : i32
        %dma_wait3A_33 = tpu.memref_slice %arg5[%add3A_11, %dma_wait3A_32] : memref<4096x1024xf32, #tpu.memory_space<hbm>> -> memref<32x1024xf32, #tpu.memory_space<hbm>>
        %dma_wait3A_34 = arith.constant 0 : i32
        %dma_wait3A_35 = tpu.memref_slice %arg5[%add3A_11, %dma_wait3A_34] : memref<4096x1024xf32, #tpu.memory_space<hbm>> -> memref<32x1024xf32, #tpu.memory_space<hbm>>
        tpu.wait_dma2 semaphore(%run_scoped3A : memref<!tpu.dma_semaphore, #tpu.memory_space<semaphore_mem>>) src(%arg8 : memref<32x1024xf32, #tpu.memory_space<vmem>>) dst(%dma_wait3A_35 : memref<32x1024xf32, #tpu.memory_space<hbm>>)
        tpu.yield
      }) : () -> ()
    }
    %scan3A_7 = arith.constant 4 : i32
    return
  }
}

module attributes {stable_mosaic.version = 14 : i64} {
  func.func @_gating_body(%arg0: i32, %arg1: memref<1024x1024xf32, #tpu.memory_space<vmem>>, %arg2: memref<8x1024xf32, #tpu.memory_space<vmem>>, %arg3: memref<1x8xf32, #tpu.memory_space<vmem>>, %arg4: memref<8x1024xf32, #tpu.memory_space<vmem>>, %arg5: memref<1x8xf32, #tpu.memory_space<vmem>>, %arg6: memref<1024x8xf32, #tpu.memory_space<vmem>>, %arg7: memref<1024x2xi32, #tpu.memory_space<vmem>>, %arg8: memref<1024x2xf32, #tpu.memory_space<vmem>>, %arg9: memref<1x8xf32, #tpu.memory_space<vmem>>, %arg10: memref<1x8xf32, #tpu.memory_space<vmem>>, %arg11: memref<1024x512xi32, #tpu.memory_space<vmem>>) attributes {dimension_semantics = [#tpu.dimension_semantics<arbitrary>], iteration_bounds = array<i64: 4>, scalar_prefetch = 0 : i64, scratch_operands = 0 : i64, tpu.core_type = #tpu.core_type<tc>, window_params = [{transform_indices = @transform_0, window_bounds = array<i64: 1024, 1024>}, {pipeline_mode = #tpu.pipeline_mode<synchronous>, transform_indices = @transform_1, window_bounds = array<i64: 8, 1024>}, {pipeline_mode = #tpu.pipeline_mode<synchronous>, transform_indices = @transform_2, window_bounds = array<i64: 1, 8>}, {pipeline_mode = #tpu.pipeline_mode<synchronous>, transform_indices = @transform_3, window_bounds = array<i64: 8, 1024>}, {pipeline_mode = #tpu.pipeline_mode<synchronous>, transform_indices = @transform_4, window_bounds = array<i64: 1, 8>}, {transform_indices = @transform_5, window_bounds = array<i64: 1024, 8>}, {transform_indices = @transform_6, window_bounds = array<i64: 1024, 2>}, {transform_indices = @transform_7, window_bounds = array<i64: 1024, 2>}, {pipeline_mode = #tpu.pipeline_mode<synchronous>, transform_indices = @transform_8, window_bounds = array<i64: 1, 8>}, {pipeline_mode = #tpu.pipeline_mode<synchronous>, transform_indices = @transform_9, window_bounds = array<i64: 1, 8>}, {transform_indices = @transform_10, window_bounds = array<i64: 1024, 512>}]} {
    %get3A = arith.constant 0 : index
    %get3A_0 = arith.constant 0 : index
    %get3A_1 = vector.load %arg1[%get3A, %get3A_0] : memref<1024x1024xf32, #tpu.memory_space<vmem>>, vector<1024x1024xf32>
    %convert_element_type3A = arith.truncf %get3A_1 : vector<1024x1024xf32> to vector<1024x1024xbf16>
    %slice3A = vector.extract_strided_slice %convert_element_type3A {offsets = [0, 0], sizes = [1024, 512], strides = [1, 1]} : vector<1024x1024xbf16> to vector<1024x512xbf16>
    %bitcast_convert_type3A = tpu.bitcast %slice3A : vector<1024x512xbf16> -> vector<1024x512xi16>
    %slice3A_2 = vector.extract_strided_slice %convert_element_type3A {offsets = [0, 512], sizes = [1024, 512], strides = [1, 1]} : vector<1024x1024xbf16> to vector<1024x512xbf16>
    %bitcast_convert_type3A_3 = tpu.bitcast %slice3A_2 : vector<1024x512xbf16> -> vector<1024x512xi16>
    %convert_element_type3A_4 = arith.extui %bitcast_convert_type3A : vector<1024x512xi16> to vector<1024x512xi32>
    %convert_element_type3A_5 = arith.extui %bitcast_convert_type3A_3 : vector<1024x512xi16> to vector<1024x512xi32>
    %shift_left3A = arith.constant 16 : i32
    %shift_left3A_6 = vector.broadcast %shift_left3A : i32 to vector<1024x512xi32>
    %shift_left3A_7 = arith.shli %convert_element_type3A_5, %shift_left3A_6 : vector<1024x512xi32>
    %or3A = arith.ori %convert_element_type3A_4, %shift_left3A_7 : vector<1024x512xi32>
    %bitcast_convert_type3A_8 = tpu.bitcast %or3A : vector<1024x512xi32> -> vector<1024x512xi32>
    %swap3A = arith.constant 0 : index
    %swap3A_9 = arith.constant 0 : index
    %swap3A_10 = vector.load %arg11[%swap3A, %swap3A_9] : memref<1024x512xi32, #tpu.memory_space<vmem>>, vector<1024x512xi32>
    tpu.vector_store %arg11[%swap3A, %swap3A_9], %bitcast_convert_type3A_8 {strides = array<i32>} : memref<1024x512xi32, #tpu.memory_space<vmem>>, vector<1024x512xi32>,
    %get3A_11 = arith.constant 0 : index
    %get3A_12 = arith.constant 0 : index
    %get3A_13 = vector.load %arg2[%get3A_11, %get3A_12] : memref<8x1024xf32, #tpu.memory_space<vmem>>, vector<8x1024xf32>
    %dot_general3A = arith.constant dense<0.000000e+00> : vector<1024x8xf32>
    %dot_general3A_14 = tpu.matmul %get3A_1, %get3A_13, %dot_general3A {dimension_numbers = #tpu.dot_dimension_numbers<[1], [1], [0], [0], [0, 0, 1, 0], [], []>, transpose_lhs_hint = false} : vector<1024x1024xf32>, vector<8x1024xf32>, vector<1024x8xf32> -> vector<1024x8xf32>
    %get3A_15 = arith.constant 0 : index
    %get3A_16 = arith.constant 0 : index
    %get3A_17 = vector.load %arg3[%get3A_15, %get3A_16] : memref<1x8xf32, #tpu.memory_space<vmem>>, vector<1x8xf32>
    %add3A = vector.broadcast %get3A_17 : vector<1x8xf32> to vector<1024x8xf32>
    %add3A_18 = arith.addf %dot_general3A_14, %add3A : vector<1024x8xf32>
    %get3A_19 = arith.constant 0 : index
    %get3A_20 = arith.constant 0 : index
    %get3A_21 = vector.load %arg4[%get3A_19, %get3A_20] : memref<8x1024xf32, #tpu.memory_space<vmem>>, vector<8x1024xf32>
    %dot_general3A_22 = arith.constant dense<0.000000e+00> : vector<1024x8xf32>
    %dot_general3A_23 = tpu.matmul %get3A_1, %get3A_21, %dot_general3A_22 {dimension_numbers = #tpu.dot_dimension_numbers<[1], [1], [0], [0], [0, 0, 1, 0], [], []>, transpose_lhs_hint = false} : vector<1024x1024xf32>, vector<8x1024xf32>, vector<1024x8xf32> -> vector<1024x8xf32>
    %get3A_24 = arith.constant 0 : index
    %get3A_25 = arith.constant 0 : index
    %get3A_26 = vector.load %arg5[%get3A_24, %get3A_25] : memref<1x8xf32, #tpu.memory_space<vmem>>, vector<1x8xf32>
    %add3A_27 = vector.broadcast %get3A_26 : vector<1x8xf32> to vector<1024x8xf32>
    %add3A_28 = arith.addf %dot_general3A_23, %add3A_27 : vector<1024x8xf32>
    %custom_jvp_call3A = arith.constant 0.000000e+00 : f32
    %max3A = vector.broadcast %custom_jvp_call3A : f32 to vector<1024x8xf32>
    %max3A_29 = arith.maximumf %add3A_28, %max3A : vector<1024x8xf32>
    %sub3A = vector.broadcast %custom_jvp_call3A : f32 to vector<1024x8xf32>
    %sub3A_30 = arith.subf %add3A_28, %sub3A : vector<1024x8xf32>
    %ne3A = arith.cmpf one, %sub3A_30, %sub3A_30 : vector<1024x8xf32>
    %add3A_31 = vector.broadcast %custom_jvp_call3A : f32 to vector<1024x8xf32>
    %add3A_32 = arith.addf %add3A_28, %add3A_31 : vector<1024x8xf32>
    %abs3A = math.absf %sub3A_30 : vector<1024x8xf32>
    %neg3A = arith.constant 0.000000e+00 : f32
    %neg3A_33 = vector.broadcast %neg3A : f32 to vector<1024x8xf32>
    %neg3A_34 = arith.subf %neg3A_33, %abs3A : vector<1024x8xf32>
    %exp3A = math.exp %neg3A_34 : vector<1024x8xf32>
    %log1p3A = math.log1p %exp3A : vector<1024x8xf32>
    %add3A_35 = arith.addf %max3A_29, %log1p3A : vector<1024x8xf32>
    %select_n3A = arith.select %ne3A, %add3A_32, %add3A_35 : vector<1024x8xi1>, vector<1024x8xf32>
    %get3A_36 = arith.constant 0 : index
    %get3A_37 = arith.constant 0 : index
    %get3A_38 = vector.load %arg6[%get3A_36, %get3A_37] : memref<1024x8xf32, #tpu.memory_space<vmem>>, vector<1024x8xf32>
    %mul3A = arith.mulf %get3A_38, %select_n3A : vector<1024x8xf32>
    %add3A_39 = arith.addf %add3A_18, %mul3A : vector<1024x8xf32>
    %iota3A = tpu.iota {dimensions = array<i32: 1>} : vector<1024x8xi32>
    %reduce_max3A = arith.constant dense<0xFF800000> : vector<1024xf32>
    %reduce_max3A_40 = vector.multi_reduction <maximumf>, %add3A_39, %reduce_max3A [1] : vector<1024x8xf32> to vector<1024xf32>
    %broadcast_in_dim3A = vector.shape_cast %reduce_max3A_40 : vector<1024xf32> to vector<1024x1xf32>
    %eq3A = vector.broadcast %broadcast_in_dim3A : vector<1024x1xf32> to vector<1024x8xf32>
    %eq3A_41 = arith.cmpf oeq, %add3A_39, %eq3A : vector<1024x8xf32>
    %jit3A = arith.constant 8 : i32
    %broadcast_in_dim3A_42 = vector.broadcast %jit3A : i32 to vector<1024x8xi32>
    %select_n3A_43 = arith.select %eq3A_41, %iota3A, %broadcast_in_dim3A_42 : vector<1024x8xi1>, vector<1024x8xi32>
    %reduce_min3A = arith.constant dense<2147483647> : vector<1024xi32>
    %reduce_min3A_44 = vector.multi_reduction <minsi>, %select_n3A_43, %reduce_min3A [1] : vector<1024x8xi32> to vector<1024xi32>
    %broadcast_in_dim3A_45 = vector.shape_cast %reduce_min3A_44 : vector<1024xi32> to vector<1024x1xi32>
    %eq3A_46 = vector.broadcast %broadcast_in_dim3A_45 : vector<1024x1xi32> to vector<1024x8xi32>
    %eq3A_47 = arith.cmpi eq, %iota3A, %eq3A_46 : vector<1024x8xi32>
    %jit3A_48 = arith.constant 0xFF800000 : f32
    %broadcast_in_dim3A_49 = vector.broadcast %jit3A_48 : f32 to vector<1024x8xf32>
    %select_n3A_50 = arith.select %eq3A_47, %broadcast_in_dim3A_49, %add3A_39 : vector<1024x8xi1>, vector<1024x8xf32>
    %reduce_max3A_51 = arith.constant dense<0xFF800000> : vector<1024xf32>
    %reduce_max3A_52 = vector.multi_reduction <maximumf>, %select_n3A_50, %reduce_max3A_51 [1] : vector<1024x8xf32> to vector<1024xf32>
    %broadcast_in_dim3A_53 = vector.shape_cast %reduce_max3A_52 : vector<1024xf32> to vector<1024x1xf32>
    %eq3A_54 = vector.broadcast %broadcast_in_dim3A_53 : vector<1024x1xf32> to vector<1024x8xf32>
    %eq3A_55 = arith.cmpf oeq, %select_n3A_50, %eq3A_54 : vector<1024x8xf32>
    %jit3A_56 = arith.constant 8 : i32
    %broadcast_in_dim3A_57 = vector.broadcast %jit3A_56 : i32 to vector<1024x8xi32>
    %select_n3A_58 = arith.select %eq3A_55, %iota3A, %broadcast_in_dim3A_57 : vector<1024x8xi1>, vector<1024x8xi32>
    %reduce_min3A_59 = arith.constant dense<2147483647> : vector<1024xi32>
    %reduce_min3A_60 = vector.multi_reduction <minsi>, %select_n3A_58, %reduce_min3A_59 [1] : vector<1024x8xi32> to vector<1024xi32>
    %broadcast_in_dim3A_61 = vector.shape_cast %reduce_min3A_60 : vector<1024xi32> to vector<1024x1xi32>
    %eq3A_62 = vector.broadcast %broadcast_in_dim3A_61 : vector<1024x1xi32> to vector<1024x8xi32>
    %eq3A_63 = arith.cmpi eq, %iota3A, %eq3A_62 : vector<1024x8xi32>
    %jit3A_64 = arith.constant 0xFF800000 : f32
    %broadcast_in_dim3A_65 = vector.broadcast %jit3A_64 : f32 to vector<1024x8xf32>
    %select_n3A_66 = arith.select %eq3A_63, %broadcast_in_dim3A_65, %select_n3A_50 : vector<1024x8xi1>, vector<1024x8xf32>
    %reduce_max3A_67 = arith.constant dense<0xFF800000> : vector<1024xf32>
    %reduce_max3A_68 = vector.multi_reduction <maximumf>, %select_n3A_66, %reduce_max3A_67 [1] : vector<1024x8xf32> to vector<1024xf32>
    %broadcast_in_dim3A_69 = vector.shape_cast %reduce_max3A_68 : vector<1024xf32> to vector<1024x1xf32>
    %sub3A_70 = arith.subf %broadcast_in_dim3A_53, %broadcast_in_dim3A : vector<1024x1xf32>
    %exp3A_71 = math.exp %sub3A_70 : vector<1024x1xf32>
    %add3A_72 = arith.constant 1.000000e+00 : f32
    %add3A_73 = vector.broadcast %add3A_72 : f32 to vector<1024x1xf32>
    %add3A_74 = arith.addf %add3A_73, %exp3A_71 : vector<1024x1xf32>
    %div3A = arith.constant 1.000000e+00 : f32
    %div3A_75 = vector.broadcast %div3A : f32 to vector<1024x1xf32>
    %div3A_76 = arith.divf %div3A_75, %add3A_74 : vector<1024x1xf32>
    %div3A_77 = arith.divf %exp3A_71, %add3A_74 : vector<1024x1xf32>
    %jit3A_78 = arith.constant 0.000000e+00 : f32
    %broadcast_in_dim3A_79 = vector.shape_cast %div3A_76 : vector<1024x1xf32> to vector<1024x1xf32>
    %broadcast_in_dim3A_80 = vector.broadcast %broadcast_in_dim3A_79 : vector<1024x1xf32> to vector<1024x8xf32>
    %broadcast_in_dim3A_81 = vector.broadcast %jit3A_78 : f32 to vector<1024x8xf32>
    %select_n3A_82 = arith.select %eq3A_47, %broadcast_in_dim3A_80, %broadcast_in_dim3A_81 : vector<1024x8xi1>, vector<1024x8xf32>
    %jit3A_83 = arith.constant 0.000000e+00 : f32
    %broadcast_in_dim3A_84 = vector.shape_cast %div3A_77 : vector<1024x1xf32> to vector<1024x1xf32>
    %broadcast_in_dim3A_85 = vector.broadcast %broadcast_in_dim3A_84 : vector<1024x1xf32> to vector<1024x8xf32>
    %broadcast_in_dim3A_86 = vector.broadcast %jit3A_83 : f32 to vector<1024x8xf32>
    %select_n3A_87 = arith.select %eq3A_63, %broadcast_in_dim3A_85, %broadcast_in_dim3A_86 : vector<1024x8xi1>, vector<1024x8xf32>
    %add3A_88 = arith.addf %select_n3A_82, %select_n3A_87 : vector<1024x8xf32>
    %concatenate3A = tpu.concatenate %broadcast_in_dim3A_45, %broadcast_in_dim3A_61 in 1 : vector<1024x1xi32>, vector<1024x1xi32> -> vector<1024x2xi32>
    %swap3A_89 = arith.constant 0 : index
    %swap3A_90 = arith.constant 0 : index
    %swap3A_91 = vector.load %arg7[%swap3A_89, %swap3A_90] : memref<1024x2xi32, #tpu.memory_space<vmem>>, vector<1024x2xi32>
    tpu.vector_store %arg7[%swap3A_89, %swap3A_90], %concatenate3A {strides = array<i32>} : memref<1024x2xi32, #tpu.memory_space<vmem>>, vector<1024x2xi32>,
    %concatenate3A_92 = tpu.concatenate %div3A_76, %div3A_77 in 1 : vector<1024x1xf32>, vector<1024x1xf32> -> vector<1024x2xf32>
    %swap3A_93 = arith.constant 0 : index
    %swap3A_94 = arith.constant 0 : index
    %swap3A_95 = vector.load %arg8[%swap3A_93, %swap3A_94] : memref<1024x2xf32, #tpu.memory_space<vmem>>, vector<1024x2xf32>
    tpu.vector_store %arg8[%swap3A_93, %swap3A_94], %concatenate3A_92 {strides = array<i32>} : memref<1024x2xf32, #tpu.memory_space<vmem>>, vector<1024x2xf32>,
    %gt3A = vector.broadcast %broadcast_in_dim3A_53 : vector<1024x1xf32> to vector<1024x8xf32>
    %gt3A_96 = arith.cmpf ogt, %add3A_39, %gt3A : vector<1024x8xf32>
    %le3A = vector.broadcast %broadcast_in_dim3A_69 : vector<1024x1xf32> to vector<1024x8xf32>
    %le3A_97 = arith.cmpf ole, %add3A_39, %le3A : vector<1024x8xf32>
    %broadcast_in_dim3A_98 = vector.shape_cast %broadcast_in_dim3A_69 : vector<1024x1xf32> to vector<1024x1xf32>
    %broadcast_in_dim3A_99 = vector.broadcast %broadcast_in_dim3A_98 : vector<1024x1xf32> to vector<1024x8xf32>
    %select_n3A_100 = arith.select %le3A_97, %broadcast_in_dim3A_99, %add3A_39 : vector<1024x8xi1>, vector<1024x8xf32>
    %broadcast_in_dim3A_101 = vector.shape_cast %broadcast_in_dim3A_53 : vector<1024x1xf32> to vector<1024x1xf32>
    %broadcast_in_dim3A_102 = vector.broadcast %broadcast_in_dim3A_101 : vector<1024x1xf32> to vector<1024x8xf32>
    %select_n3A_103 = arith.select %gt3A_96, %broadcast_in_dim3A_102, %select_n3A_100 : vector<1024x8xi1>, vector<1024x8xf32>
    %sub3A_104 = arith.subf %add3A_18, %select_n3A_103 : vector<1024x8xf32>
    %div3A_105 = arith.divf %sub3A_104, %select_n3A : vector<1024x8xf32>
    %mul3A_106 = arith.constant 0.707106769 : f32
    %mul3A_107 = vector.broadcast %mul3A_106 : f32 to vector<1024x8xf32>
    %mul3A_108 = arith.mulf %div3A_105, %mul3A_107 : vector<1024x8xf32>
    %erf3A = math.erf %mul3A_108 : vector<1024x8xf32>
    %add3A_109 = arith.constant 1.000000e+00 : f32
    %add3A_110 = vector.broadcast %add3A_109 : f32 to vector<1024x8xf32>
    %add3A_111 = arith.addf %add3A_110, %erf3A : vector<1024x8xf32>
    %mul3A_112 = arith.constant 5.000000e-01 : f32
    %mul3A_113 = vector.broadcast %mul3A_112 : f32 to vector<1024x8xf32>
    %mul3A_114 = arith.mulf %mul3A_113, %add3A_111 : vector<1024x8xf32>
    %reduce_sum3A = arith.constant dense<0.000000e+00> : vector<8xf32>
    %reduce_sum3A_115 = vector.multi_reduction <add>, %add3A_88, %reduce_sum3A [0] : vector<1024x8xf32> to vector<8xf32>
    %broadcast_in_dim3A_116 = vector.shape_cast %reduce_sum3A_115 : vector<8xf32> to vector<1x8xf32>
    %reduce_sum3A_117 = arith.constant dense<0.000000e+00> : vector<8xf32>
    %reduce_sum3A_118 = vector.multi_reduction <add>, %mul3A_114, %reduce_sum3A_117 [0] : vector<1024x8xf32> to vector<8xf32>
    %broadcast_in_dim3A_119 = vector.shape_cast %reduce_sum3A_118 : vector<8xf32> to vector<1x8xf32>
    %eq3A_120 = arith.constant 0 : i32
    %eq3A_121 = arith.cmpi eq, %arg0, %eq3A_120 : i32
    %convert_element_type3A_122 = arith.extui %eq3A_121 : i1 to i32
    %cond3A = arith.constant 0 : i32
    %cond3A_123 = arith.cmpi ne, %convert_element_type3A_122, %cond3A : i32
    scf.if %cond3A_123 {
      %swap3A_129 = arith.constant 0 : index
      %swap3A_130 = arith.constant 0 : index
      %swap3A_131 = vector.load %arg9[%swap3A_129, %swap3A_130] : memref<1x8xf32, #tpu.memory_space<vmem>>, vector<1x8xf32>
      tpu.vector_store %arg9[%swap3A_129, %swap3A_130], %broadcast_in_dim3A_116 {strides = array<i32>} : memref<1x8xf32, #tpu.memory_space<vmem>>, vector<1x8xf32>,
      %swap3A_132 = arith.constant 0 : index
      %swap3A_133 = arith.constant 0 : index
      %swap3A_134 = vector.load %arg10[%swap3A_132, %swap3A_133] : memref<1x8xf32, #tpu.memory_space<vmem>>, vector<1x8xf32>
      tpu.vector_store %arg10[%swap3A_132, %swap3A_133], %broadcast_in_dim3A_119 {strides = array<i32>} : memref<1x8xf32, #tpu.memory_space<vmem>>, vector<1x8xf32>,
    } else {
    }
    %ne3A_124 = arith.constant 0 : i32
    %ne3A_125 = arith.cmpi ne, %arg0, %ne3A_124 : i32
    %convert_element_type3A_126 = arith.extui %ne3A_125 : i1 to i32
    %cond3A_127 = arith.constant 0 : i32
    %cond3A_128 = arith.cmpi ne, %convert_element_type3A_126, %cond3A_127 : i32
    scf.if %cond3A_128 {
      %get3A_129 = arith.constant 0 : index
      %get3A_130 = arith.constant 0 : index
      %get3A_131 = vector.load %arg9[%get3A_129, %get3A_130] : memref<1x8xf32, #tpu.memory_space<vmem>>, vector<1x8xf32>
      %add3A_132 = arith.addf %get3A_131, %broadcast_in_dim3A_116 : vector<1x8xf32>
      %swap3A_133 = arith.constant 0 : index
      %swap3A_134 = arith.constant 0 : index
      %swap3A_135 = vector.load %arg9[%swap3A_133, %swap3A_134] : memref<1x8xf32, #tpu.memory_space<vmem>>, vector<1x8xf32>
      tpu.vector_store %arg9[%swap3A_133, %swap3A_134], %add3A_132 {strides = array<i32>} : memref<1x8xf32, #tpu.memory_space<vmem>>, vector<1x8xf32>,
      %get3A_136 = arith.constant 0 : index
      %get3A_137 = arith.constant 0 : index
      %get3A_138 = vector.load %arg10[%get3A_136, %get3A_137] : memref<1x8xf32, #tpu.memory_space<vmem>>, vector<1x8xf32>
      %add3A_139 = arith.addf %get3A_138, %broadcast_in_dim3A_119 : vector<1x8xf32>
      %swap3A_140 = arith.constant 0 : index
      %swap3A_141 = arith.constant 0 : index
      %swap3A_142 = vector.load %arg10[%swap3A_140, %swap3A_141] : memref<1x8xf32, #tpu.memory_space<vmem>>, vector<1x8xf32>
      tpu.vector_store %arg10[%swap3A_140, %swap3A_141], %add3A_139 {strides = array<i32>} : memref<1x8xf32, #tpu.memory_space<vmem>>, vector<1x8xf32>,
    } else {
    }
    return
  }
  func.func @transform_0(%arg0: i32) -> (i32, i32) {
    %c0_i32 = arith.constant 0 : i32
    %c0_i32_0 = arith.constant 0 : i32
    return %arg0, %c0_i32 : i32, i32
  }
  func.func @transform_1(%arg0: i32) -> (i32, i32) {
    %c0_i32 = arith.constant 0 : i32
    %c0_i32_0 = arith.constant 0 : i32
    %c0_i32_1 = arith.constant 0 : i32
    return %c0_i32, %c0_i32_0 : i32, i32
  }
  func.func @transform_2(%arg0: i32) -> (i32, i32) {
    %c0_i32 = arith.constant 0 : i32
    %c0_i32_0 = arith.constant 0 : i32
    %c0_i32_1 = arith.constant 0 : i32
    return %c0_i32, %c0_i32_0 : i32, i32
  }
  func.func @transform_3(%arg0: i32) -> (i32, i32) {
    %c0_i32 = arith.constant 0 : i32
    %c0_i32_0 = arith.constant 0 : i32
    %c0_i32_1 = arith.constant 0 : i32
    return %c0_i32, %c0_i32_0 : i32, i32
  }
  func.func @transform_4(%arg0: i32) -> (i32, i32) {
    %c0_i32 = arith.constant 0 : i32
    %c0_i32_0 = arith.constant 0 : i32
    %c0_i32_1 = arith.constant 0 : i32
    return %c0_i32, %c0_i32_0 : i32, i32
  }
  func.func @transform_5(%arg0: i32) -> (i32, i32) {
    %c0_i32 = arith.constant 0 : i32
    %c0_i32_0 = arith.constant 0 : i32
    return %arg0, %c0_i32 : i32, i32
  }
  func.func @transform_6(%arg0: i32) -> (i32, i32) {
    %c0_i32 = arith.constant 0 : i32
    %c0_i32_0 = arith.constant 0 : i32
    return %arg0, %c0_i32 : i32, i32
  }
  func.func @transform_7(%arg0: i32) -> (i32, i32) {
    %c0_i32 = arith.constant 0 : i32
    %c0_i32_0 = arith.constant 0 : i32
    return %arg0, %c0_i32 : i32, i32
  }
  func.func @transform_8(%arg0: i32) -> (i32, i32) {
    %c0_i32 = arith.constant 0 : i32
    %c0_i32_0 = arith.constant 0 : i32
    %c0_i32_1 = arith.constant 0 : i32
    return %c0_i32, %c0_i32_0 : i32, i32
  }
  func.func @transform_9(%arg0: i32) -> (i32, i32) {
    %c0_i32 = arith.constant 0 : i32
    %c0_i32_0 = arith.constant 0 : i32
    %c0_i32_1 = arith.constant 0 : i32
    return %c0_i32, %c0_i32_0 : i32, i32
  }
  func.func @transform_10(%arg0: i32) -> (i32, i32) {
    %c0_i32 = arith.constant 0 : i32
    %c0_i32_0 = arith.constant 0 : i32
    return %arg0, %c0_i32 : i32, i32
  }
}

module attributes {stable_mosaic.version = 14 : i64} {
  func.func @_expert_body(%arg0: i32, %arg1: memref<20xi32, #tpu.memory_space<smem>>, %arg2: memref<256x512xi32, #tpu.memory_space<vmem>>, %arg3: memref<1x1x256xf32, #tpu.memory_space<vmem>>, %arg4: memref<1x2048x1024xbf16, #tpu.memory_space<vmem>>, %arg5: memref<1x1x2048xf32, #tpu.memory_space<vmem>>, %arg6: memref<2048x1024xbf16, #tpu.memory_space<vmem>>, %arg7: memref<1x2048xf32, #tpu.memory_space<vmem>>, %arg8: memref<1024x2048xbf16, #tpu.memory_space<vmem>>, %arg9: memref<1x1024xf32, #tpu.memory_space<vmem>>, %arg10: memref<256x1024xf32, #tpu.memory_space<vmem>>) attributes {dimension_semantics = [#tpu.dimension_semantics<arbitrary>], iteration_bounds = array<i64: 20>, scalar_prefetch = 1 : i64, scratch_operands = 0 : i64, tpu.core_type = #tpu.core_type<tc>, window_params = [{transform_indices = @transform_0, window_bounds = array<i64: 256, 512>}, {transform_indices = @transform_1, window_bounds = array<i64: 1, 1, 256>}, {transform_indices = @transform_2, window_bounds = array<i64: 1, 2048, 1024>}, {transform_indices = @transform_3, window_bounds = array<i64: 1, 1, 2048>}, {pipeline_mode = #tpu.pipeline_mode<synchronous>, transform_indices = @transform_4, window_bounds = array<i64: 2048, 1024>}, {pipeline_mode = #tpu.pipeline_mode<synchronous>, transform_indices = @transform_5, window_bounds = array<i64: 1, 2048>}, {pipeline_mode = #tpu.pipeline_mode<synchronous>, transform_indices = @transform_6, window_bounds = array<i64: 1024, 2048>}, {pipeline_mode = #tpu.pipeline_mode<synchronous>, transform_indices = @transform_7, window_bounds = array<i64: 1, 1024>}, {transform_indices = @transform_8, window_bounds = array<i64: 256, 1024>}]} {
    %get3A = arith.constant 0 : index
    %get3A_0 = arith.constant 0 : index
    %get3A_1 = vector.load %arg2[%get3A, %get3A_0] : memref<256x512xi32, #tpu.memory_space<vmem>>, vector<256x512xi32>
    %bitcast_convert_type3A = tpu.bitcast %get3A_1 : vector<256x512xi32> -> vector<256x512xi32>
    %and3A = arith.constant 65535 : i32
    %and3A_2 = vector.broadcast %and3A : i32 to vector<256x512xi32>
    %and3A_3 = arith.andi %bitcast_convert_type3A, %and3A_2 : vector<256x512xi32>
    %convert_element_type3A = arith.trunci %and3A_3 : vector<256x512xi32> to vector<256x512xi16>
    %bitcast_convert_type3A_4 = tpu.bitcast %convert_element_type3A : vector<256x512xi16> -> vector<256x512xbf16>
    %shift_right_logical3A = arith.constant 16 : i32
    %shift_right_logical3A_5 = vector.broadcast %shift_right_logical3A : i32 to vector<256x512xi32>
    %shift_right_logical3A_6 = arith.shrui %bitcast_convert_type3A, %shift_right_logical3A_5 : vector<256x512xi32>
    %convert_element_type3A_7 = arith.trunci %shift_right_logical3A_6 : vector<256x512xi32> to vector<256x512xi16>
    %bitcast_convert_type3A_8 = tpu.bitcast %convert_element_type3A_7 : vector<256x512xi16> -> vector<256x512xbf16>
    %concatenate3A = tpu.concatenate %bitcast_convert_type3A_4, %bitcast_convert_type3A_8 in 1 : vector<256x512xbf16>, vector<256x512xbf16> -> vector<256x1024xbf16>
    %get3A_9 = arith.constant 0 : index
    %get3A_10 = arith.constant 0 : index
    %get3A_11 = vector.load %arg6[%get3A_9, %get3A_10] : memref<2048x1024xbf16, #tpu.memory_space<vmem>>, vector<2048x1024xbf16>
    %dot_general3A = arith.constant dense<0.000000e+00> : vector<256x2048xf32>
    %dot_general3A_12 = tpu.matmul %concatenate3A, %get3A_11, %dot_general3A {dimension_numbers = #tpu.dot_dimension_numbers<[1], [1], [0], [0], [0, 0, 1, 0], [], []>, transpose_lhs_hint = false} : vector<256x1024xbf16>, vector<2048x1024xbf16>, vector<256x2048xf32> -> vector<256x2048xf32>
    %get3A_13 = arith.constant 0 : index
    %get3A_14 = arith.constant 0 : index
    %get3A_15 = vector.load %arg7[%get3A_13, %get3A_14] : memref<1x2048xf32, #tpu.memory_space<vmem>>, vector<1x2048xf32>
    %add3A = vector.broadcast %get3A_15 : vector<1x2048xf32> to vector<256x2048xf32>
    %add3A_16 = arith.addf %dot_general3A_12, %add3A : vector<256x2048xf32>
    %get3A_17 = arith.constant 0 : index
    %get3A_18 = arith.constant 0 : index
    %get3A_19 = arith.constant 0 : index
    %get3A_20 = vector.load %arg4[%get3A_17, %get3A_18, %get3A_19] : memref<1x2048x1024xbf16, #tpu.memory_space<vmem>>, vector<1x2048x1024xbf16>
    %get3A_21 = vector.shape_cast %get3A_20 : vector<1x2048x1024xbf16> to vector<2048x1024xbf16>
    %dot_general3A_22 = arith.constant dense<0.000000e+00> : vector<256x2048xf32>
    %dot_general3A_23 = tpu.matmul %concatenate3A, %get3A_21, %dot_general3A_22 {dimension_numbers = #tpu.dot_dimension_numbers<[1], [1], [0], [0], [0, 0, 1, 0], [], []>, transpose_lhs_hint = false} : vector<256x1024xbf16>, vector<2048x1024xbf16>, vector<256x2048xf32> -> vector<256x2048xf32>
    %get3A_24 = arith.constant 0 : index
    %get3A_25 = arith.constant 0 : index
    %get3A_26 = arith.constant 0 : index
    %get3A_27 = vector.load %arg5[%get3A_24, %get3A_25, %get3A_26] : memref<1x1x2048xf32, #tpu.memory_space<vmem>>, vector<1x1x2048xf32>
    %get3A_28 = vector.shape_cast %get3A_27 : vector<1x1x2048xf32> to vector<1x2048xf32>
    %add3A_29 = vector.broadcast %get3A_28 : vector<1x2048xf32> to vector<256x2048xf32>
    %add3A_30 = arith.addf %dot_general3A_23, %add3A_29 : vector<256x2048xf32>
    %logistic3A = arith.negf %add3A_30 : vector<256x2048xf32>
    %logistic3A_31 = math.exp %logistic3A : vector<256x2048xf32>
    %logistic3A_32 = arith.constant 1.000000e+00 : f32
    %logistic3A_33 = vector.broadcast %logistic3A_32 : f32 to vector<256x2048xf32>
    %logistic3A_34 = arith.addf %logistic3A_33, %logistic3A_31 : vector<256x2048xf32>
    %logistic3A_35 = arith.divf %logistic3A_33, %logistic3A_34 : vector<256x2048xf32>
    %mul3A = arith.mulf %add3A_30, %logistic3A_35 : vector<256x2048xf32>
    %mul3A_36 = arith.mulf %mul3A, %add3A_16 : vector<256x2048xf32>
    %convert_element_type3A_37 = arith.truncf %mul3A_36 : vector<256x2048xf32> to vector<256x2048xbf16>
    %get3A_38 = arith.constant 0 : index
    %get3A_39 = arith.constant 0 : index
    %get3A_40 = vector.load %arg8[%get3A_38, %get3A_39] : memref<1024x2048xbf16, #tpu.memory_space<vmem>>, vector<1024x2048xbf16>
    %dot_general3A_41 = arith.constant dense<0.000000e+00> : vector<256x1024xf32>
    %dot_general3A_42 = tpu.matmul %convert_element_type3A_37, %get3A_40, %dot_general3A_41 {dimension_numbers = #tpu.dot_dimension_numbers<[1], [1], [0], [0], [0, 0, 1, 0], [], []>, transpose_lhs_hint = false} : vector<256x2048xbf16>, vector<1024x2048xbf16>, vector<256x1024xf32> -> vector<256x1024xf32>
    %get3A_43 = arith.constant 0 : index
    %get3A_44 = arith.constant 0 : index
    %get3A_45 = vector.load %arg9[%get3A_43, %get3A_44] : memref<1x1024xf32, #tpu.memory_space<vmem>>, vector<1x1024xf32>
    %add3A_46 = vector.broadcast %get3A_45 : vector<1x1024xf32> to vector<256x1024xf32>
    %add3A_47 = arith.addf %dot_general3A_42, %add3A_46 : vector<256x1024xf32>
    %get3A_48 = arith.constant 0 : index
    %get3A_49 = arith.constant 0 : index
    %get3A_50 = arith.constant 0 : index
    %get3A_51 = vector.load %arg3[%get3A_48, %get3A_49, %get3A_50] : memref<1x1x256xf32, #tpu.memory_space<vmem>>, vector<1x1x256xf32>
    %get3A_52 = vector.shape_cast %get3A_51 : vector<1x1x256xf32> to vector<256xf32>
    %reshape3A = vector.shape_cast %get3A_52 : vector<256xf32> to vector<256x1xf32>
    %mul3A_53 = vector.broadcast %reshape3A : vector<256x1xf32> to vector<256x1024xf32>
    %mul3A_54 = arith.mulf %mul3A_53, %add3A_47 : vector<256x1024xf32>
    %swap3A = arith.constant 0 : index
    %swap3A_55 = arith.constant 0 : index
    %swap3A_56 = vector.load %arg10[%swap3A, %swap3A_55] : memref<256x1024xf32, #tpu.memory_space<vmem>>, vector<256x1024xf32>
    tpu.vector_store %arg10[%swap3A, %swap3A_55], %mul3A_54 {strides = array<i32>} : memref<256x1024xf32, #tpu.memory_space<vmem>>, vector<256x1024xf32>,
    return
  }
  func.func @transform_0(%arg0: i32, %arg1: memref<20xi32, #tpu.memory_space<smem>>) -> (i32, i32) {
    %c0_i32 = arith.constant 0 : i32
    %c0_i32_0 = arith.constant 0 : i32
    return %arg0, %c0_i32 : i32, i32
  }
  func.func @transform_1(%arg0: i32, %arg1: memref<20xi32, #tpu.memory_space<smem>>) -> (i32, i32, i32) {
    %c0_i32 = arith.constant 0 : i32
    %c0_i32_0 = arith.constant 0 : i32
    %c0_i32_1 = arith.constant 0 : i32
    return %arg0, %c0_i32, %c0_i32_0 : i32, i32, i32
  }
  func.func @transform_2(%arg0: i32, %arg1: memref<20xi32, #tpu.memory_space<smem>>) -> (i32, i32, i32) {
    %get3A = arith.index_cast %arg0 : i32 to index
    %get3A_0 = memref.load %arg1[%get3A] : memref<20xi32, #tpu.memory_space<smem>>
    %c0_i32 = arith.constant 0 : i32
    %c0_i32_1 = arith.constant 0 : i32
    %c0_i32_2 = arith.constant 0 : i32
    return %get3A_0, %c0_i32, %c0_i32_1 : i32, i32, i32
  }
  func.func @transform_3(%arg0: i32, %arg1: memref<20xi32, #tpu.memory_space<smem>>) -> (i32, i32, i32) {
    %get3A = arith.index_cast %arg0 : i32 to index
    %get3A_0 = memref.load %arg1[%get3A] : memref<20xi32, #tpu.memory_space<smem>>
    %c0_i32 = arith.constant 0 : i32
    %c0_i32_1 = arith.constant 0 : i32
    %c0_i32_2 = arith.constant 0 : i32
    return %get3A_0, %c0_i32, %c0_i32_1 : i32, i32, i32
  }
  func.func @transform_4(%arg0: i32, %arg1: memref<20xi32, #tpu.memory_space<smem>>) -> (i32, i32) {
    %c0_i32 = arith.constant 0 : i32
    %c0_i32_0 = arith.constant 0 : i32
    %c0_i32_1 = arith.constant 0 : i32
    return %c0_i32, %c0_i32_0 : i32, i32
  }
  func.func @transform_5(%arg0: i32, %arg1: memref<20xi32, #tpu.memory_space<smem>>) -> (i32, i32) {
    %c0_i32 = arith.constant 0 : i32
    %c0_i32_0 = arith.constant 0 : i32
    %c0_i32_1 = arith.constant 0 : i32
    return %c0_i32, %c0_i32_0 : i32, i32
  }
  func.func @transform_6(%arg0: i32, %arg1: memref<20xi32, #tpu.memory_space<smem>>) -> (i32, i32) {
    %c0_i32 = arith.constant 0 : i32
    %c0_i32_0 = arith.constant 0 : i32
    %c0_i32_1 = arith.constant 0 : i32
    return %c0_i32, %c0_i32_0 : i32, i32
  }
  func.func @transform_7(%arg0: i32, %arg1: memref<20xi32, #tpu.memory_space<smem>>) -> (i32, i32) {
    %c0_i32 = arith.constant 0 : i32
    %c0_i32_0 = arith.constant 0 : i32
    %c0_i32_1 = arith.constant 0 : i32
    return %c0_i32, %c0_i32_0 : i32, i32
  }
  func.func @transform_8(%arg0: i32, %arg1: memref<20xi32, #tpu.memory_space<smem>>) -> (i32, i32) {
    %add3A = arith.constant 0 : i32
    %add3A_0 = arith.addi %arg0, %add3A : i32
    %c0_i32 = arith.constant 0 : i32
    %c0_i32_1 = arith.constant 0 : i32
    return %add3A_0, %c0_i32 : i32, i32
  }
}

module attributes {stable_mosaic.version = 14 : i64} {
  func.func @_expert_body(%arg0: i32, %arg1: memref<20xi32, #tpu.memory_space<smem>>, %arg2: memref<256x512xi32, #tpu.memory_space<vmem>>, %arg3: memref<1x1x256xf32, #tpu.memory_space<vmem>>, %arg4: memref<1x2048x1024xbf16, #tpu.memory_space<vmem>>, %arg5: memref<1x1x2048xf32, #tpu.memory_space<vmem>>, %arg6: memref<2048x1024xbf16, #tpu.memory_space<vmem>>, %arg7: memref<1x2048xf32, #tpu.memory_space<vmem>>, %arg8: memref<1024x2048xbf16, #tpu.memory_space<vmem>>, %arg9: memref<1x1024xf32, #tpu.memory_space<vmem>>, %arg10: memref<10240x1024xf32, #tpu.memory_space<any>>, %arg11: memref<256x1024xf32, #tpu.memory_space<vmem>>) attributes {dimension_semantics = [#tpu.dimension_semantics<arbitrary>], iteration_bounds = array<i64: 20>, scalar_prefetch = 1 : i64, scratch_operands = 0 : i64, tpu.core_type = #tpu.core_type<tc>, window_params = [{transform_indices = @transform_0, window_bounds = array<i64: 256, 512>}, {transform_indices = @transform_1, window_bounds = array<i64: 1, 1, 256>}, {transform_indices = @transform_2, window_bounds = array<i64: 1, 2048, 1024>}, {transform_indices = @transform_3, window_bounds = array<i64: 1, 1, 2048>}, {pipeline_mode = #tpu.pipeline_mode<synchronous>, transform_indices = @transform_4, window_bounds = array<i64: 2048, 1024>}, {pipeline_mode = #tpu.pipeline_mode<synchronous>, transform_indices = @transform_5, window_bounds = array<i64: 1, 2048>}, {pipeline_mode = #tpu.pipeline_mode<synchronous>, transform_indices = @transform_6, window_bounds = array<i64: 1024, 2048>}, {pipeline_mode = #tpu.pipeline_mode<synchronous>, transform_indices = @transform_7, window_bounds = array<i64: 1, 1024>}, {}, {transform_indices = @transform_9, window_bounds = array<i64: 256, 1024>}]} {
    %get3A = arith.constant 0 : index
    %get3A_0 = arith.constant 0 : index
    %get3A_1 = vector.load %arg2[%get3A, %get3A_0] : memref<256x512xi32, #tpu.memory_space<vmem>>, vector<256x512xi32>
    %bitcast_convert_type3A = tpu.bitcast %get3A_1 : vector<256x512xi32> -> vector<256x512xi32>
    %and3A = arith.constant 65535 : i32
    %and3A_2 = vector.broadcast %and3A : i32 to vector<256x512xi32>
    %and3A_3 = arith.andi %bitcast_convert_type3A, %and3A_2 : vector<256x512xi32>
    %convert_element_type3A = arith.trunci %and3A_3 : vector<256x512xi32> to vector<256x512xi16>
    %bitcast_convert_type3A_4 = tpu.bitcast %convert_element_type3A : vector<256x512xi16> -> vector<256x512xbf16>
    %shift_right_logical3A = arith.constant 16 : i32
    %shift_right_logical3A_5 = vector.broadcast %shift_right_logical3A : i32 to vector<256x512xi32>
    %shift_right_logical3A_6 = arith.shrui %bitcast_convert_type3A, %shift_right_logical3A_5 : vector<256x512xi32>
    %convert_element_type3A_7 = arith.trunci %shift_right_logical3A_6 : vector<256x512xi32> to vector<256x512xi16>
    %bitcast_convert_type3A_8 = tpu.bitcast %convert_element_type3A_7 : vector<256x512xi16> -> vector<256x512xbf16>
    %concatenate3A = tpu.concatenate %bitcast_convert_type3A_4, %bitcast_convert_type3A_8 in 1 : vector<256x512xbf16>, vector<256x512xbf16> -> vector<256x1024xbf16>
    %get3A_9 = arith.constant 0 : index
    %get3A_10 = arith.constant 0 : index
    %get3A_11 = vector.load %arg6[%get3A_9, %get3A_10] : memref<2048x1024xbf16, #tpu.memory_space<vmem>>, vector<2048x1024xbf16>
    %dot_general3A = arith.constant dense<0.000000e+00> : vector<256x2048xf32>
    %dot_general3A_12 = tpu.matmul %concatenate3A, %get3A_11, %dot_general3A {dimension_numbers = #tpu.dot_dimension_numbers<[1], [1], [0], [0], [0, 0, 1, 0], [], []>, transpose_lhs_hint = false} : vector<256x1024xbf16>, vector<2048x1024xbf16>, vector<256x2048xf32> -> vector<256x2048xf32>
    %get3A_13 = arith.constant 0 : index
    %get3A_14 = arith.constant 0 : index
    %get3A_15 = vector.load %arg7[%get3A_13, %get3A_14] : memref<1x2048xf32, #tpu.memory_space<vmem>>, vector<1x2048xf32>
    %add3A = vector.broadcast %get3A_15 : vector<1x2048xf32> to vector<256x2048xf32>
    %add3A_16 = arith.addf %dot_general3A_12, %add3A : vector<256x2048xf32>
    %get3A_17 = arith.constant 0 : index
    %get3A_18 = arith.constant 0 : index
    %get3A_19 = arith.constant 0 : index
    %get3A_20 = vector.load %arg4[%get3A_17, %get3A_18, %get3A_19] : memref<1x2048x1024xbf16, #tpu.memory_space<vmem>>, vector<1x2048x1024xbf16>
    %get3A_21 = vector.shape_cast %get3A_20 : vector<1x2048x1024xbf16> to vector<2048x1024xbf16>
    %dot_general3A_22 = arith.constant dense<0.000000e+00> : vector<256x2048xf32>
    %dot_general3A_23 = tpu.matmul %concatenate3A, %get3A_21, %dot_general3A_22 {dimension_numbers = #tpu.dot_dimension_numbers<[1], [1], [0], [0], [0, 0, 1, 0], [], []>, transpose_lhs_hint = false} : vector<256x1024xbf16>, vector<2048x1024xbf16>, vector<256x2048xf32> -> vector<256x2048xf32>
    %get3A_24 = arith.constant 0 : index
    %get3A_25 = arith.constant 0 : index
    %get3A_26 = arith.constant 0 : index
    %get3A_27 = vector.load %arg5[%get3A_24, %get3A_25, %get3A_26] : memref<1x1x2048xf32, #tpu.memory_space<vmem>>, vector<1x1x2048xf32>
    %get3A_28 = vector.shape_cast %get3A_27 : vector<1x1x2048xf32> to vector<1x2048xf32>
    %add3A_29 = vector.broadcast %get3A_28 : vector<1x2048xf32> to vector<256x2048xf32>
    %add3A_30 = arith.addf %dot_general3A_23, %add3A_29 : vector<256x2048xf32>
    %logistic3A = arith.negf %add3A_30 : vector<256x2048xf32>
    %logistic3A_31 = math.exp %logistic3A : vector<256x2048xf32>
    %logistic3A_32 = arith.constant 1.000000e+00 : f32
    %logistic3A_33 = vector.broadcast %logistic3A_32 : f32 to vector<256x2048xf32>
    %logistic3A_34 = arith.addf %logistic3A_33, %logistic3A_31 : vector<256x2048xf32>
    %logistic3A_35 = arith.divf %logistic3A_33, %logistic3A_34 : vector<256x2048xf32>
    %mul3A = arith.mulf %add3A_30, %logistic3A_35 : vector<256x2048xf32>
    %mul3A_36 = arith.mulf %mul3A, %add3A_16 : vector<256x2048xf32>
    %convert_element_type3A_37 = arith.truncf %mul3A_36 : vector<256x2048xf32> to vector<256x2048xbf16>
    %get3A_38 = arith.constant 0 : index
    %get3A_39 = arith.constant 0 : index
    %get3A_40 = vector.load %arg8[%get3A_38, %get3A_39] : memref<1024x2048xbf16, #tpu.memory_space<vmem>>, vector<1024x2048xbf16>
    %dot_general3A_41 = arith.constant dense<0.000000e+00> : vector<256x1024xf32>
    %dot_general3A_42 = tpu.matmul %convert_element_type3A_37, %get3A_40, %dot_general3A_41 {dimension_numbers = #tpu.dot_dimension_numbers<[1], [1], [0], [0], [0, 0, 1, 0], [], []>, transpose_lhs_hint = false} : vector<256x2048xbf16>, vector<1024x2048xbf16>, vector<256x1024xf32> -> vector<256x1024xf32>
    %get3A_43 = arith.constant 0 : index
    %get3A_44 = arith.constant 0 : index
    %get3A_45 = vector.load %arg9[%get3A_43, %get3A_44] : memref<1x1024xf32, #tpu.memory_space<vmem>>, vector<1x1024xf32>
    %add3A_46 = vector.broadcast %get3A_45 : vector<1x1024xf32> to vector<256x1024xf32>
    %add3A_47 = arith.addf %dot_general3A_42, %add3A_46 : vector<256x1024xf32>
    %get3A_48 = arith.constant 0 : index
    %get3A_49 = arith.constant 0 : index
    %get3A_50 = arith.constant 0 : index
    %get3A_51 = vector.load %arg3[%get3A_48, %get3A_49, %get3A_50] : memref<1x1x256xf32, #tpu.memory_space<vmem>>, vector<1x1x256xf32>
    %get3A_52 = vector.shape_cast %get3A_51 : vector<1x1x256xf32> to vector<256xf32>
    %reshape3A = vector.shape_cast %get3A_52 : vector<256xf32> to vector<256x1xf32>
    %mul3A_53 = vector.broadcast %reshape3A : vector<256x1xf32> to vector<256x1024xf32>
    %mul3A_54 = arith.mulf %mul3A_53, %add3A_47 : vector<256x1024xf32>
    %swap3A = arith.constant 0 : index
    %swap3A_55 = arith.constant 0 : index
    %swap3A_56 = vector.load %arg11[%swap3A, %swap3A_55] : memref<256x1024xf32, #tpu.memory_space<vmem>>, vector<256x1024xf32>
    tpu.vector_store %arg11[%swap3A, %swap3A_55], %mul3A_54 {strides = array<i32>} : memref<256x1024xf32, #tpu.memory_space<vmem>>, vector<256x1024xf32>,
    return
  }
  func.func @transform_0(%arg0: i32, %arg1: memref<20xi32, #tpu.memory_space<smem>>) -> (i32, i32) {
    %c0_i32 = arith.constant 0 : i32
    %c0_i32_0 = arith.constant 0 : i32
    return %arg0, %c0_i32 : i32, i32
  }
  func.func @transform_1(%arg0: i32, %arg1: memref<20xi32, #tpu.memory_space<smem>>) -> (i32, i32, i32) {
    %c0_i32 = arith.constant 0 : i32
    %c0_i32_0 = arith.constant 0 : i32
    %c0_i32_1 = arith.constant 0 : i32
    return %arg0, %c0_i32, %c0_i32_0 : i32, i32, i32
  }
  func.func @transform_2(%arg0: i32, %arg1: memref<20xi32, #tpu.memory_space<smem>>) -> (i32, i32, i32) {
    %get3A = arith.index_cast %arg0 : i32 to index
    %get3A_0 = memref.load %arg1[%get3A] : memref<20xi32, #tpu.memory_space<smem>>
    %c0_i32 = arith.constant 0 : i32
    %c0_i32_1 = arith.constant 0 : i32
    %c0_i32_2 = arith.constant 0 : i32
    return %get3A_0, %c0_i32, %c0_i32_1 : i32, i32, i32
  }
  func.func @transform_3(%arg0: i32, %arg1: memref<20xi32, #tpu.memory_space<smem>>) -> (i32, i32, i32) {
    %get3A = arith.index_cast %arg0 : i32 to index
    %get3A_0 = memref.load %arg1[%get3A] : memref<20xi32, #tpu.memory_space<smem>>
    %c0_i32 = arith.constant 0 : i32
    %c0_i32_1 = arith.constant 0 : i32
    %c0_i32_2 = arith.constant 0 : i32
    return %get3A_0, %c0_i32, %c0_i32_1 : i32, i32, i32
  }
  func.func @transform_4(%arg0: i32, %arg1: memref<20xi32, #tpu.memory_space<smem>>) -> (i32, i32) {
    %c0_i32 = arith.constant 0 : i32
    %c0_i32_0 = arith.constant 0 : i32
    %c0_i32_1 = arith.constant 0 : i32
    return %c0_i32, %c0_i32_0 : i32, i32
  }
  func.func @transform_5(%arg0: i32, %arg1: memref<20xi32, #tpu.memory_space<smem>>) -> (i32, i32) {
    %c0_i32 = arith.constant 0 : i32
    %c0_i32_0 = arith.constant 0 : i32
    %c0_i32_1 = arith.constant 0 : i32
    return %c0_i32, %c0_i32_0 : i32, i32
  }
  func.func @transform_6(%arg0: i32, %arg1: memref<20xi32, #tpu.memory_space<smem>>) -> (i32, i32) {
    %c0_i32 = arith.constant 0 : i32
    %c0_i32_0 = arith.constant 0 : i32
    %c0_i32_1 = arith.constant 0 : i32
    return %c0_i32, %c0_i32_0 : i32, i32
  }
  func.func @transform_7(%arg0: i32, %arg1: memref<20xi32, #tpu.memory_space<smem>>) -> (i32, i32) {
    %c0_i32 = arith.constant 0 : i32
    %c0_i32_0 = arith.constant 0 : i32
    %c0_i32_1 = arith.constant 0 : i32
    return %c0_i32, %c0_i32_0 : i32, i32
  }
  func.func @transform_9(%arg0: i32, %arg1: memref<20xi32, #tpu.memory_space<smem>>) -> (i32, i32) {
    %add3A = arith.constant 20 : i32
    %add3A_0 = arith.addi %arg0, %add3A : i32
    %c0_i32 = arith.constant 0 : i32
    %c0_i32_1 = arith.constant 0 : i32
    return %add3A_0, %c0_i32 : i32, i32
  }
}

</mosaic_0001>

<sc_bundles>
// kernel: kernel.11.cloned.1.call-start
scs
__scs_entry_jumppad:
0x0: {  	(pc) =	sbr.rel $0x88, $3  }
0x1: {  	(tag) =	ssettag $0x0;
	lr =	simm.s32 $0x1  }
0x2: {  	[smem:$0x3F96] =	sst lr;
	_ =	strace $0xD0000000  }
0x3: {  	_ = 	snop  }
0x4: {  	_ = 	snop  }
0x5: {  	_ = 	snop  }
0x6: {  	_ = 	snop  }
0x7: {  	_ = 	snop  }
__scs_overlays_trampoline_lowered:
0x8: {  	[smem:$0x3FA5] =	sst s0  }
0x9: {  	[smem:$0x3FA6] =	sst s1  }
0xa: {  	[smem:$0x3FA7] =	sst s2  }
0xb: {  	[smem:$0x3FA8] =	sst s3  }
0xc: {  	[smem:$0x3FA9] =	sst s4  }
0xd: {  	[smem:$0x3FAA] =	sst s5  }
0xe: {  	[smem:$0x3FAB] =	sst s6  }
0xf: {  	[smem:$0x3FAC] =	sst s7  }
0x10: {  	[smem:$0x3FAD] =	sst s8  }
0x11: {  	[smem:$0x3FAE] =	sst s9;
	s0 =	simm.s32 @!p0 $0x0  }
0x12: {  	s1 =	sld [smem:$0x3F94];
	s0 =	simm.s32 @p0 $0x1  }
0x13: {  	[smem:$0x3FAF] =	sst s0;
	s0 =	simm.s32 @!p1 $0x0  }
0x14: {  	s2 =	sld [smem:$0x3F93];
	s0 =	simm.s32 @p1 $0x1  }
0x15: {  	[smem:$0x3FB0] =	sst s0;
	s0 =	simm.s32 @!p2 $0x0  }
0x16: {  	s3 =	sld [smem:$0x3FDB];
	s0 =	simm.s32 @p2 $0x1  }
0x17: {  	s4 =	simm.s32 $0x1BF5;
	[smem:$0x3FB2] =	sst s0  }
0x18: {  	s0 =	sld [smem:$0x3F95];
	_ =	swait.ge [sflag:s4], $0x0  }
0x19: {  	s7 =	sld [smem:$0x3F96]  }
0x1a: {  	s8 =	sadd.s32 $0xFFFFE003, lr  }
0x1b: {  	s9 =	sadd.s32 $0xFFFFFEF7, lr;
	s5 =	simm.s32 $0xFFFFFFFF;
	p2 =	slt.u32 s8, $0xFFFFF086  }
0x1c: {  	p1 =	slt.u32 s9, $0xF7A;
	s5 =	simm.s32 @!p2 $0x0  }
0x1d: {  	s5 =	simm.s32 @p1 $0x1;
	p0 =	seq.s32 s7, s2  }
0x1e: {  	s7 =	smul.u32 @!p0 $0xF7A, s2;
	p2 =	seq.s32 @!p0 s5, $0x0  }
0x1f: {  	s9 =	smul.u32 $0xF7A, s1;
	s8 =	simm.s32 @!p0 $0x1BF5;
	p2 =	por !p2, p0  }
0x20: {  	[sflag:s8] =	ssyncset.s32 @!p0 $0xFFFFF086;
	s6 =	sadd.s32 @!p0 s3, s7;
	s7 =	simm.s32 @!p0 $0x108  }
0x21: {  	s3 =	sadd.s32 s3, s9;
	s6 =	sadd.s32 @!p0 $0x88, s6;
	s7 =	simm.s32 @p2 $0x1082  }
0x22: {  	[simem:s7], [sflag:s8] =	dma.local @!p0 [hbm:s6], $0xF7A  }
0x23: {  	s9 =	sor.u32 $0xD0000000, s2;
	s6 =	simm.s32 $0x108;
	_ =	swait.ge @!p0 [sflag:s8], $0x0  }
0x24: {  	s3 =	sadd.s32 $0x88, s3;
	s6 =	simm.s32 @!p1 $0x1082;
	[sflag:s4] =	ssyncset.s32 $0xFFFFF086  }
0x25: {  	[simem:s6], [sflag:s4] =	dma.local [hbm:s3], $0xF7A  }
0x26: {  	[smem:$0x3F96] =	sst s1;
	(tag) =	ssettag s2;
	_ =	strace s9  }
0x27: {  	s1 =	sld [smem:$0x3FA6]  }
0x28: {  	s2 =	sld [smem:$0x3FA7]  }
0x29: {  	s4 =	sld [smem:$0x3FA9]  }
0x2a: {  	p0 =	seq.s32 s5, $0x0;
	s5 =	sld [smem:$0x3FAA]  }
0x2b: {  	s6 =	sld [smem:$0x3FAB]  }
0x2c: {  	s7 =	sld [smem:$0x3FAC]  }
0x2d: {  	s3 =	simm.s32 $0x108;
	s8 =	sld [smem:$0x3FAD]  }
0x2e: {  	s3 =	simm.s32 @!p0 $0x1082;
	s9 =	sld [smem:$0x3FAE]  }
0x2f: {  	lr =	sadd.s32 s0, s3;
	s0 =	sld [smem:$0x3FA5]  }
0x30: {  	s3 =	sld [smem:$0x3FA8]  }
0x31: {  	[smem:$0x3FB1] =	sst s10  }
0x32: {  	s10 =	sld [smem:$0x3FAF];
	_ =	sdelay $0x3  }
0x33: {  	p0 =	seq.s32 s10, $0x1;
	s10 =	sld [smem:$0x3FB1];
	_ =	sdelay $0x3  }
0x34: {  	[smem:$0x3FB1] =	sst s10  }
0x35: {  	s10 =	sld [smem:$0x3FB0];
	_ =	sdelay $0x3  }
0x36: {  	p1 =	seq.s32 s10, $0x1;
	s10 =	sld [smem:$0x3FB1];
	_ =	sdelay $0x3  }
0x37: {  	[smem:$0x3FB1] =	sst s10  }
0x38: {  	s10 =	sld [smem:$0x3FB2]  }
0x39: {  	_ = 	snop;
	(pc) =	sbr.ind lr, $3  }
0x3a: {  	_ = 	snop  }
0x3b: {  	_ = 	snop  }
0x3c: {  	p2 =	seq.s32 s10, $0x1;
	s10 =	sld [smem:$0x3FB1]  }
0x3d: {  	_ =	shalt  }
0x3e: {  	_ =	shalt  }
0x3f: {  	_ =	shalt  }
0x40: {  	_ =	shalt  }
0x41: {  	_ =	shalt  }
0x42: {  	_ =	shalt  }
0x43: {  	_ =	shalt  }
0x44: {  	_ =	shalt  }
0x45: {  	_ =	shalt  }
0x46: {  	_ =	shalt  }
0x47: {  	_ =	shalt  }
0x48: {  	_ =	shalt  }
0x49: {  	_ =	shalt  }
0x4a: {  	_ =	shalt  }
0x4b: {  	_ =	shalt  }
0x4c: {  	_ =	shalt  }
0x4d: {  	_ =	shalt  }
0x4e: {  	_ =	shalt  }
0x4f: {  	_ =	shalt  }
0x50: {  	_ =	shalt  }
0x51: {  	_ =	shalt  }
0x52: {  	_ =	shalt  }
0x53: {  	_ =	shalt  }
0x54: {  	_ =	shalt  }
0x55: {  	_ =	shalt  }
0x56: {  	_ =	shalt  }
0x57: {  	_ =	shalt  }
0x58: {  	_ =	shalt  }
0x59: {  	_ =	shalt  }
0x5a: {  	_ =	shalt  }
0x5b: {  	_ =	shalt  }
0x5c: {  	_ =	shalt  }
0x5d: {  	_ =	shalt  }
0x5e: {  	_ =	shalt  }
0x5f: {  	_ =	shalt  }
0x60: {  	_ =	shalt  }
0x61: {  	_ =	shalt  }
0x62: {  	_ =	shalt  }
0x63: {  	_ =	shalt  }
0x64: {  	_ =	shalt  }
0x65: {  	_ =	shalt  }
0x66: {  	_ =	shalt  }
0x67: {  	_ =	shalt  }
0x68: {  	_ =	shalt  }
0x69: {  	_ =	shalt  }
0x6a: {  	_ =	shalt  }
0x6b: {  	_ =	shalt  }
0x6c: {  	_ =	shalt  }
0x6d: {  	_ =	shalt  }
0x6e: {  	_ =	shalt  }
0x6f: {  	_ =	shalt  }
0x70: {  	_ =	shalt  }
0x71: {  	_ =	shalt  }
0x72: {  	_ =	shalt  }
0x73: {  	_ =	shalt  }
0x74: {  	_ =	shalt  }
0x75: {  	_ =	shalt  }
0x76: {  	_ =	shalt  }
0x77: {  	_ =	shalt  }
0x78: {  	_ =	shalt  }
0x79: {  	_ =	shalt  }
0x7a: {  	_ =	shalt  }
0x7b: {  	_ =	shalt  }
0x7c: {  	_ =	shalt  }
0x7d: {  	_ =	shalt  }
0x7e: {  	_ =	shalt  }
0x7f: {  	_ =	shalt  }
0x80: {  	_ =	shalt  }
0x81: {  	_ =	shalt  }
0x82: {  	_ =	shalt  }
0x83: {  	_ =	shalt  }
0x84: {  	_ =	shalt  }
0x85: {  	_ =	shalt  }
0x86: {  	_ =	shalt  }
0x87: {  	_ =	shalt  }
.Lfunc_end0:
.L_simem_size_0:
called_computation.1_lowered:
.L_overlay_start_0:
0x88: {  	s2 =	sld [smem:$0x3FD9]  }
0x89: {  	s3 =	sld [smem:$0x3FFE];
	_ =	sdelay $0x1  }
0x8a: {  	s1 =	srdreg.scid  }
0x8b: {  	s0 =	sand.u32 $0x1, s1  }
0x8c: {  	s16 =	sshll.u32 s0, $0xA;
	s2 =	sadd.s32 s3, s2  }
0x8d: {  	s2 =	sadd.s32 s2, s16  }
0x8e: {  	[smem:$0x3FBD] =	sst s2  }
0x8f: {  	_ = 	snop  }
0x90: {  	(tm) =	ssettm $0x1  }
0x91: {  	s17 =	sld [smem:$0x3FFB];
	_ =	sdelay $0x3  }
0x92: {  	_ =	strace s17  }
0x93: {  	s2 =	sld [smem:$0x3FFC];
	_ =	sdelay $0x3  }
0x94: {  	_ =	strace s2  }
0x95: {  	s2 =	sld [smem:$0x3FFD];
	_ =	sdelay $0x3  }
0x96: {  	_ =	strace s2  }
0x97: {  	_ =	strace $0x8FFFFFFF  }
0x98: {  	s18 =	sld [smem:$0x3FDB];
	_ =	sdelay $0x1  }
0x99: {  	s19 =	simm.s32 $_scs_section_size  }
0x9a: {  	s4 =	simm.s32 $_size__tile_overlayer_lowered;
	s5 =	simm.s32 $_tile_overlayer_lowered  }
0x9b: {  	s22 =	simm.s32 $0x1BFF;
	s21 =	sshll.u32 s5, $0x1;
	s2 =	sadd.s32 s19, s18  }
0x9c: {  	s6 =	simm.s32 $0x0;
	s20 =	sshll.u32 s4, $0x1;
	s4 =	sadd.s32 s21, s2  }
0x9d: {  	[timem:s6], [sflag:s22] =	dma.local [hbm:s4], s20  }
0x9e: {  	_ =	swait.ge [sflag:s22], s20  }
0x9f: {  	s3 =	ssub.s32 $0x0, s20;
	[sflag:s22] =	ssyncset.done $0x0  }
0xa0: {  	[sflag:s22] =	ssyncadd.s32 s3;
	_ =	sdelay $0x1  }
0xa1: {  	s23 =	simm.s32 $0x1B8B  }
0xa2: {  	_ =	swait.ge [sflag:s23], $0x1  }
0xa3: {  	[sflag:s23] =	ssyncset.done $0x0  }
0xa4: {  	s25 =	simm.s32 $0x1B8E;
	s24 =	sld [smem:$0x3FFE];
	[sflag:s23] =	ssyncadd.s32 $0xFFFFFFFF  }
0xa5: {  	s26 =	simm.s32 $execute0_lowered;
	[smem:$0x3FD2] =	sst s25  }
0xa6: {  	s4 =	sshll.u32 s26, $0x1;
	_ =	strace $0x80000046;
	[dreg:$0x1] =	wrdreg $0xFFFFFFFF  }
0xa7: {  	s28 =	simm.s32 $_size_execute0_lowered;
	s2 =	sadd.s32 s2, s4;
	[dreg:$0x0] =	wrdreg $0x0  }
0xa8: {  	s4 =	sshll.u32 s28, $0x1;
	[dreg:$0x2] =	wrdreg s2  }
0xa9: {  	[dreg:$0x3] =	wrdreg s4  }
0xaa: {  	[dreg:$0x4] =	wrdreg $0xC0  }
0xab: {  	_ =	task [dreg:s6], $0x5FFFF  }
0xac: {  	[dreg:$0x1] =	wrdreg $0xFFFFFFFF  }
0xad: {  	[dreg:$0x0] =	wrdreg $0x60  }
0xae: {  	[dreg:$0x2] =	wrdreg s24  }
0xaf: {  	[dreg:$0x3] =	wrdreg $0xA  }
0xb0: {  	_ =	task.clear_ibuf [dreg:s6], $0x4FFFF;
	_ =	strace $0x90000046  }
0xb1: {  	s29 =	simm.s32 $0xA;
	_ =	strace $0x80000048  }
0xb2: {  	_ =	swait.ge [sflag:s29], $0x1  }
0xb3: {  	[sflag:s29] =	ssyncadd.s32 $0xFFFFFFFF  }
0xb4: {  	_ =	strace $0x90000048  }
0xb5: {  	_ =	sfence  }
0xb6: {  	s30 =	sld [smem:$0x0];
	_ =	sdelay $0x2  }
0xb7: {  	s31 =	sshll.u32 s1, $0xD;
	s1 =	sshrl.u32 s1, $0x2  }
0xb8: {  	s3 =	sand.u32 $0x4000, s31;
	s1 =	sadd.s32 s1, s30  }
0xb9: {  	s0 =	sor.u32 s3, s0;
	s1 =	sshll.u32 s1, $0x11  }
0xba: {  	s0 =	sor.u32 s1, s0  }
0xbb: {  	s0 =	sadd.s32 $0x8F2B, s0  }
0xbc: {  	[sflag:s0] =	ssyncadd.remote.s32 $0x1  }
0xbd: {  	_ =	sfence.sel $0xFFFF  }
0xbe: {  	[dreg:$0x0] =	wrdreg $0xFFFFFFFF;
	(pc) =	sbr.abs _section_cstart, $3  }
0xbf: {  	[dreg:$0x1] =	wrdreg $0xFFFFFFFF  }
0xc0: {  	_ =	task.clear_ibuf [dreg:s6], $0x2FFFF;
	_ =	strace $0x9FFFFFFF  }
0xc1: {  	(tm) =	ssettm $0x7FFFFFFF  }
tec
execute0_lowered:
.L_overlay_start_1:
0x0: {  	(tag) =	ssettag $0x1  }
0x1: {  	s1 =	srdreg.scid;
	s0 =	stileid.u32  }
0x2: {  	s1 =	sand.u32 $0x1, s1;
	s3 =	sshll.u32 s0, $0x1  }
0x3: {  	s2 =	rddreg [dreg:$0x0];
	s4 =	sor.u32 s1, s3;
	s3 =	simm.s32 $0x0  }
0x4: {  	s9 =	simm.s32 $0x900;
	[smem:$0x7FF] =	sst s3  }
0x5: {  	s10 =	simm.s32 $0x1100;
	_ =	strace $0x80000047;
	[dreg:$0x5] =	wrdreg s9  }
0x6: {  	s11 =	simm.s32 $0x1900;
	[dreg:$0x6] =	wrdreg s10  }
0x7: {  	s12 =	simm.s32 $0x2100;
	[dreg:$0x7] =	wrdreg s11  }
0x8: {  	s13 =	simm.s32 $0x2900;
	[dreg:$0x8] =	wrdreg s12  }
0x9: {  	s14 =	simm.s32 $0x3100;
	[dreg:$0x9] =	wrdreg s13  }
0xa: {  	s15 =	simm.s32 $0x3900;
	s16 =	simm.s32 $0x4100;
	[dreg:$0xa] =	wrdreg s14  }
0xb: {  	s17 =	simm.s32 $0x4900;
	s18 =	simm.s32 $0x5100;
	[dreg:$0xb] =	wrdreg s15  }
0xc: {  	s19 =	simm.s32 $0x5900;
	s20 =	simm.s32 $0x6100;
	[dreg:$0xc] =	wrdreg s16  }
0xd: {  	s21 =	simm.s32 $0x6900;
	s23 =	simm.s32 $0x7100;
	[dreg:$0xd] =	wrdreg s17  }
0xe: {  	s24 =	simm.s32 $0x7900;
	s25 =	simm.s32 $0x8100;
	[dreg:$0xe] =	wrdreg s18  }
0xf: {  	s26 =	simm.s32 $0x8900;
	s28 =	simm.s32 $0x12900;
	[dreg:$0xf] =	wrdreg s19  }
0x10: {  	s29 =	simm.s32 $0x13100;
	s30 =	simm.s32 $0x13900;
	[dreg:$0x10] =	wrdreg s20  }
0x11: {  	s31 =	simm.s32 $0x1;
	s7 =	sadd.s32 $0x40A00, s2;
	[dreg:$0x11] =	wrdreg s21  }
0x12: {  	s1 =	ssub.s32 $0x2, s1;
	s5 =	smul.u32 $0x14, s4;
	[dreg:$0x12] =	wrdreg s23  }
0x13: {  	s6 =	smul.u32 $0x14000, s4;
	s22 =	sshrl.u32 s1, $0x1;
	[dreg:$0x13] =	wrdreg s24  }
0x14: {  	s4 =	smul.u32 $0x2800, s4;
	s1 =	ssub.s32 s1, s22;
	[dreg:$0x14] =	wrdreg s25  }
0x15: {  	[dreg:$0x15] =	wrdreg s26;
	s9 =	simm.s32 $0x9900;
	s10 =	simm.s32 $0xA100  }
0x16: {  	s11 =	simm.s32 $0xA900;
	s12 =	simm.s32 $0xB100;
	s13 =	simm.s32 $0xB900  }
0x17: {  	s14 =	simm.s32 $0xC100;
	s15 =	simm.s32 $0xC900;
	s16 =	simm.s32 $0xD100  }
0x18: {  	s17 =	simm.s32 $0xD900;
	s18 =	simm.s32 $0xE100;
	s19 =	simm.s32 $0xE900  }
0x19: {  	s20 =	simm.s32 $0xF100;
	s21 =	simm.s32 $0xF900;
	s22 =	simm.s32 $0x10100  }
0x1a: {  	s23 =	simm.s32 $0x10900;
	s24 =	simm.s32 $0x11100;
	s25 =	simm.s32 $0x11900  }
0x1b: {  	s26 =	simm.s32 $0x12100;
	s5 =	sadd.s32 s5, s2;
	s6 =	sshrl.u32 s6, $0x3  }
0x1c: {  	s4 =	sadd.s32 s7, s4;
	s5 =	sadd.s32 $0x40200, s5;
	s7 =	sadd.s32 s7, s6  }
0x1d: {  	v2 =	vlaneseq.u32;
	[dreg:$0x3] =	wrdreg s4;
	s4 =	sadd.s32 $0x100, s2;
	s6 =	simm.s32 $0x3  }
0x1e: {  	vm0 =	vmmov $0xffff;
	v1 =	vshrl.u32 v2, $0x3;
	[dreg:$0x2] =	wrdreg s5;
	s8 =	sadd.s32 $0x1400, s7;
	s5 =	smax.u32 s1, $0x1  }
0x1f: {  	v0 =	vand.u32 $0x7, v2;
	v2 =	vor.u32 $0x8, v2;
	v1 =	vmul.u32 $0x8, v1;
	s7 =	simm.s32 $0x100;
	s1 =	simm.s32 $0x2;
	[dreg:$0x4] =	wrdreg s8  }
.LBB2_1:
0x20: {  	s0 =	rddreg [dreg:$0x2]  }
0x21: {  	[tilespmem:s3], [sflag:$0x3] =	stream.linear.gather [hbm4b:s0+s3], $0xA0, $0x38;
	[tilespmem:$0x14100] =	vst v63  }
0x22: {  	_ =	swait.ge [sflag:s6], $0xA0  }
0x23: {  	[sflag:s6] =	ssyncset.done $0x0  }
0x24: {  	[sflag:s6] =	ssyncadd.s32 $0xFFFFFF60  }
0x25: {  	v3 =	vld [tilespmem:$0x0];
	_ =	sdelay $0x4  }
0x26: {  	v4 =	vshll.u32 v3, $0x2  }
0x27: {  	v3 =	vand.u32 $0x7, v3;
	v4 =	vand.u32 $0xFFFFFFE0, v4  }
0x28: {  	v3 =	vor.u32 v3, v4  }
0x29: {  	v4 =	vperm.xlane v3, v0;
	_ =	sdelay $0x1  }
0x2a: {  	v4 =	vadd.s32 v1, v4;
	_ =	sdelay $0x1  }
0x2b: {  	v3 =	vperm.xlane v3, v2;
	_ =	sdelay $0x1  }
0x2c: {  	v3 =	vadd.s32 v1, v3  }
0x2d: {  	[tilespmem:s7], [sflag:$0x1] =	stream.indirect_vreg.gather [hbm4b:s2+s3], $0x80, v4, vm0, $0xb8;
	[tilespmem:$0x14100] =	vst v63  }
0x2e: {  	s0 =	rddreg [dreg:$0x5]  }
0x2f: {  	[tilespmem:s0], [sflag:$0x1] =	stream.indirect_vreg.gather [hbm4b:s4+s3], $0x80, v4, vm0, $0xb8;
	[tilespmem:$0x14100] =	vst v63  }
0x30: {  	s8 =	rddreg [dreg:$0x6]  }
0x31: {  	[tilespmem:s8], [sflag:$0x1] =	stream.indirect_vreg.gather [hbm4b:s2+s3], $0x80, v3, vm0, $0xb8;
	[tilespmem:$0x14100] =	vst v63  }
0x32: {  	s0 =	rddreg [dreg:$0x7]  }
0x33: {  	[tilespmem:s0], [sflag:$0x1] =	stream.indirect_vreg.gather [hbm4b:s4+s3], $0x80, v3, vm0, $0xb8;
	[tilespmem:$0x14100] =	vst v63  }
0x34: {  	v3 =	vld [tilespmem:$0x10];
	_ =	sdelay $0x4  }
0x35: {  	v55 =	vshll.u32 v3, $0x2  }
0x36: {  	v3 =	vand.u32 $0x7, v3;
	v4 =	vand.u32 $0xFFFFFFE0, v55  }
0x37: {  	v3 =	vor.u32 v3, v4  }
0x38: {  	v4 =	vperm.xlane v3, v0;
	_ =	sdelay $0x1  }
0x39: {  	v4 =	vadd.s32 v1, v4;
	_ =	sdelay $0x1  }
0x3a: {  	v3 =	vperm.xlane v3, v2;
	_ =	sdelay $0x1  }
0x3b: {  	s0 =	rddreg [dreg:$0x8];
	v3 =	vadd.s32 v1, v3  }
0x3c: {  	[tilespmem:s0], [sflag:$0x1] =	stream.indirect_vreg.gather [hbm4b:s2+s3], $0x80, v4, vm0, $0xb8;
	[tilespmem:$0x14100] =	vst v63  }
0x3d: {  	s8 =	rddreg [dreg:$0x9]  }
0x3e: {  	[tilespmem:s8], [sflag:$0x1] =	stream.indirect_vreg.gather [hbm4b:s4+s3], $0x80, v4, vm0, $0xb8;
	[tilespmem:$0x14100] =	vst v63  }
0x3f: {  	s0 =	rddreg [dreg:$0xa]  }
0x40: {  	[tilespmem:s0], [sflag:$0x1] =	stream.indirect_vreg.gather [hbm4b:s2+s3], $0x80, v3, vm0, $0xb8;
	[tilespmem:$0x14100] =	vst v63  }
0x41: {  	s8 =	rddreg [dreg:$0xb]  }
0x42: {  	[tilespmem:s8], [sflag:$0x1] =	stream.indirect_vreg.gather [hbm4b:s4+s3], $0x80, v3, vm0, $0xb8;
	[tilespmem:$0x14100] =	vst v63  }
0x43: {  	v3 =	vld [tilespmem:$0x20];
	_ =	sdelay $0x4  }
0x44: {  	v56 =	vshll.u32 v3, $0x2  }
0x45: {  	v3 =	vand.u32 $0x7, v3;
	v4 =	vand.u32 $0xFFFFFFE0, v56  }
0x46: {  	v3 =	vor.u32 v3, v4  }
0x47: {  	v4 =	vperm.xlane v3, v0;
	_ =	sdelay $0x1  }
0x48: {  	v4 =	vadd.s32 v1, v4;
	_ =	sdelay $0x1  }
0x49: {  	v3 =	vperm.xlane v3, v2;
	_ =	sdelay $0x1  }
0x4a: {  	s0 =	rddreg [dreg:$0xc];
	v3 =	vadd.s32 v1, v3  }
0x4b: {  	[tilespmem:s0], [sflag:$0x1] =	stream.indirect_vreg.gather [hbm4b:s2+s3], $0x80, v4, vm0, $0xb8;
	[tilespmem:$0x14100] =	vst v63  }
0x4c: {  	s8 =	rddreg [dreg:$0xd]  }
0x4d: {  	[tilespmem:s8], [sflag:$0x1] =	stream.indirect_vreg.gather [hbm4b:s4+s3], $0x80, v4, vm0, $0xb8;
	[tilespmem:$0x14100] =	vst v63  }
0x4e: {  	s0 =	rddreg [dreg:$0xe]  }
0x4f: {  	[tilespmem:s0], [sflag:$0x1] =	stream.indirect_vreg.gather [hbm4b:s2+s3], $0x80, v3, vm0, $0xb8;
	[tilespmem:$0x14100] =	vst v63  }
0x50: {  	s8 =	rddreg [dreg:$0xf]  }
0x51: {  	[tilespmem:s8], [sflag:$0x1] =	stream.indirect_vreg.gather [hbm4b:s4+s3], $0x80, v3, vm0, $0xb8;
	[tilespmem:$0x14100] =	vst v63  }
0x52: {  	v3 =	vld [tilespmem:$0x30];
	_ =	sdelay $0x4  }
0x53: {  	v57 =	vshll.u32 v3, $0x2  }
0x54: {  	v3 =	vand.u32 $0x7, v3;
	v4 =	vand.u32 $0xFFFFFFE0, v57  }
0x55: {  	v3 =	vor.u32 v3, v4  }
0x56: {  	v4 =	vperm.xlane v3, v0;
	_ =	sdelay $0x1  }
0x57: {  	v4 =	vadd.s32 v1, v4;
	_ =	sdelay $0x1  }
0x58: {  	v3 =	vperm.xlane v3, v2;
	_ =	sdelay $0x1  }
0x59: {  	s0 =	rddreg [dreg:$0x10];
	v3 =	vadd.s32 v1, v3  }
0x5a: {  	[tilespmem:s0], [sflag:$0x1] =	stream.indirect_vreg.gather [hbm4b:s2+s3], $0x80, v4, vm0, $0xb8;
	[tilespmem:$0x14100] =	vst v63  }
0x5b: {  	s8 =	rddreg [dreg:$0x11]  }
0x5c: {  	[tilespmem:s8], [sflag:$0x1] =	stream.indirect_vreg.gather [hbm4b:s4+s3], $0x80, v4, vm0, $0xb8;
	[tilespmem:$0x14100] =	vst v63  }
0x5d: {  	s0 =	rddreg [dreg:$0x12]  }
0x5e: {  	[tilespmem:s0], [sflag:$0x1] =	stream.indirect_vreg.gather [hbm4b:s2+s3], $0x80, v3, vm0, $0xb8;
	[tilespmem:$0x14100] =	vst v63  }
0x5f: {  	s8 =	rddreg [dreg:$0x13]  }
0x60: {  	[tilespmem:s8], [sflag:$0x1] =	stream.indirect_vreg.gather [hbm4b:s4+s3], $0x80, v3, vm0, $0xb8;
	[tilespmem:$0x14100] =	vst v63  }
0x61: {  	v3 =	vld [tilespmem:$0x40];
	_ =	sdelay $0x4  }
0x62: {  	v58 =	vshll.u32 v3, $0x2  }
0x63: {  	v3 =	vand.u32 $0x7, v3;
	v4 =	vand.u32 $0xFFFFFFE0, v58  }
0x64: {  	v3 =	vor.u32 v3, v4  }
0x65: {  	v4 =	vperm.xlane v3, v0;
	_ =	sdelay $0x1  }
0x66: {  	v4 =	vadd.s32 v1, v4;
	_ =	sdelay $0x1  }
0x67: {  	v3 =	vperm.xlane v3, v2;
	_ =	sdelay $0x1  }
0x68: {  	s0 =	rddreg [dreg:$0x14];
	v3 =	vadd.s32 v1, v3  }
0x69: {  	[tilespmem:s0], [sflag:$0x1] =	stream.indirect_vreg.gather [hbm4b:s2+s3], $0x80, v4, vm0, $0xb8;
	[tilespmem:$0x14100] =	vst v63  }
0x6a: {  	s8 =	rddreg [dreg:$0x15]  }
0x6b: {  	[tilespmem:s8], [sflag:$0x1] =	stream.indirect_vreg.gather [hbm4b:s4+s3], $0x80, v4, vm0, $0xb8;
	[tilespmem:$0x14100] =	vst v63  }
0x6c: {  	s8 =	simm.s32 $0x9100  }
0x6d: {  	[tilespmem:s8], [sflag:$0x1] =	stream.indirect_vreg.gather [hbm4b:s2+s3], $0x80, v3, vm0, $0xb8;
	[tilespmem:$0x14100] =	vst v63  }
0x6e: {  	_ = 	snop  }
0x6f: {  	[tilespmem:s9], [sflag:$0x1] =	stream.indirect_vreg.gather [hbm4b:s4+s3], $0x80, v3, vm0, $0xb8;
	[tilespmem:$0x14100] =	vst v63  }
0x70: {  	v3 =	vld [tilespmem:$0x50];
	_ =	sdelay $0x4  }
0x71: {  	v59 =	vshll.u32 v3, $0x2  }
0x72: {  	v3 =	vand.u32 $0x7, v3;
	v4 =	vand.u32 $0xFFFFFFE0, v59  }
0x73: {  	v3 =	vor.u32 v3, v4  }
0x74: {  	v4 =	vperm.xlane v3, v0;
	_ =	sdelay $0x1  }
0x75: {  	v4 =	vadd.s32 v1, v4;
	_ =	sdelay $0x1  }
0x76: {  	v3 =	vperm.xlane v3, v2;
	_ =	sdelay $0x1  }
0x77: {  	v3 =	vadd.s32 v1, v3  }
0x78: {  	[tilespmem:s10], [sflag:$0x2] =	stream.indirect_vreg.gather [hbm4b:s2+s3], $0x80, v4, vm0, $0xb8;
	[tilespmem:$0x14100] =	vst v63  }
0x79: {  	_ = 	snop  }
0x7a: {  	[tilespmem:s11], [sflag:$0x2] =	stream.indirect_vreg.gather [hbm4b:s4+s3], $0x80, v4, vm0, $0xb8;
	[tilespmem:$0x14100] =	vst v63  }
0x7b: {  	_ = 	snop  }
0x7c: {  	[tilespmem:s12], [sflag:$0x2] =	stream.indirect_vreg.gather [hbm4b:s2+s3], $0x80, v3, vm0, $0xb8;
	[tilespmem:$0x14100] =	vst v63  }
0x7d: {  	_ = 	snop  }
0x7e: {  	[tilespmem:s13], [sflag:$0x2] =	stream.indirect_vreg.gather [hbm4b:s4+s3], $0x80, v3, vm0, $0xb8;
	[tilespmem:$0x14100] =	vst v63  }
0x7f: {  	v3 =	vld [tilespmem:$0x60];
	_ =	sdelay $0x4  }
0x80: {  	v60 =	vshll.u32 v3, $0x2  }
0x81: {  	v3 =	vand.u32 $0x7, v3;
	v4 =	vand.u32 $0xFFFFFFE0, v60  }
0x82: {  	v3 =	vor.u32 v3, v4  }
0x83: {  	v4 =	vperm.xlane v3, v0;
	_ =	sdelay $0x1  }
0x84: {  	v4 =	vadd.s32 v1, v4;
	_ =	sdelay $0x1  }
0x85: {  	v3 =	vperm.xlane v3, v2;
	_ =	sdelay $0x1  }
0x86: {  	v3 =	vadd.s32 v1, v3  }
0x87: {  	[tilespmem:s14], [sflag:$0x2] =	stream.indirect_vreg.gather [hbm4b:s2+s3], $0x80, v4, vm0, $0xb8;
	[tilespmem:$0x14100] =	vst v63  }
0x88: {  	_ = 	snop  }
0x89: {  	[tilespmem:s15], [sflag:$0x2] =	stream.indirect_vreg.gather [hbm4b:s4+s3], $0x80, v4, vm0, $0xb8;
	[tilespmem:$0x14100] =	vst v63  }
0x8a: {  	_ = 	snop  }
0x8b: {  	[tilespmem:s16], [sflag:$0x2] =	stream.indirect_vreg.gather [hbm4b:s2+s3], $0x80, v3, vm0, $0xb8;
	[tilespmem:$0x14100] =	vst v63  }
0x8c: {  	_ = 	snop  }
0x8d: {  	[tilespmem:s17], [sflag:$0x2] =	stream.indirect_vreg.gather [hbm4b:s4+s3], $0x80, v3, vm0, $0xb8;
	[tilespmem:$0x14100] =	vst v63  }
0x8e: {  	v3 =	vld [tilespmem:$0x70];
	_ =	sdelay $0x4  }
0x8f: {  	v61 =	vshll.u32 v3, $0x2  }
0x90: {  	v3 =	vand.u32 $0x7, v3;
	v4 =	vand.u32 $0xFFFFFFE0, v61  }
0x91: {  	v3 =	vor.u32 v3, v4  }
0x92: {  	v4 =	vperm.xlane v3, v0;
	_ =	sdelay $0x1  }
0x93: {  	v4 =	vadd.s32 v1, v4;
	_ =	sdelay $0x1  }
0x94: {  	v3 =	vperm.xlane v3, v2;
	_ =	sdelay $0x1  }
0x95: {  	v3 =	vadd.s32 v1, v3  }
0x96: {  	[tilespmem:s18], [sflag:$0x2] =	stream.indirect_vreg.gather [hbm4b:s2+s3], $0x80, v4, vm0, $0xb8;
	[tilespmem:$0x14100] =	vst v63  }
0x97: {  	_ = 	snop  }
0x98: {  	[tilespmem:s19], [sflag:$0x2] =	stream.indirect_vreg.gather [hbm4b:s4+s3], $0x80, v4, vm0, $0xb8;
	[tilespmem:$0x14100] =	vst v63  }
0x99: {  	_ = 	snop  }
0x9a: {  	[tilespmem:s20], [sflag:$0x2] =	stream.indirect_vreg.gather [hbm4b:s2+s3], $0x80, v3, vm0, $0xb8;
	[tilespmem:$0x14100] =	vst v63  }
0x9b: {  	_ = 	snop  }
0x9c: {  	[tilespmem:s21], [sflag:$0x2] =	stream.indirect_vreg.gather [hbm4b:s4+s3], $0x80, v3, vm0, $0xb8;
	[tilespmem:$0x14100] =	vst v63  }
0x9d: {  	v3 =	vld [tilespmem:$0x80];
	_ =	sdelay $0x4  }
0x9e: {  	v62 =	vshll.u32 v3, $0x2  }
0x9f: {  	v3 =	vand.u32 $0x7, v3;
	v4 =	vand.u32 $0xFFFFFFE0, v62  }
0xa0: {  	v3 =	vor.u32 v3, v4  }
0xa1: {  	v4 =	vperm.xlane v3, v0;
	_ =	sdelay $0x1  }
0xa2: {  	v4 =	vadd.s32 v1, v4;
	_ =	sdelay $0x1  }
0xa3: {  	v3 =	vperm.xlane v3, v2;
	_ =	sdelay $0x1  }
0xa4: {  	v3 =	vadd.s32 v1, v3  }
0xa5: {  	[tilespmem:s22], [sflag:$0x2] =	stream.indirect_vreg.gather [hbm4b:s2+s3], $0x80, v4, vm0, $0xb8;
	[tilespmem:$0x14100] =	vst v63  }
0xa6: {  	_ = 	snop  }
0xa7: {  	[tilespmem:s23], [sflag:$0x2] =	stream.indirect_vreg.gather [hbm4b:s4+s3], $0x80, v4, vm0, $0xb8;
	[tilespmem:$0x14100] =	vst v63  }
0xa8: {  	_ = 	snop  }
0xa9: {  	[tilespmem:s24], [sflag:$0x2] =	stream.indirect_vreg.gather [hbm4b:s2+s3], $0x80, v3, vm0, $0xb8;
	[tilespmem:$0x14100] =	vst v63  }
0xaa: {  	_ = 	snop  }
0xab: {  	[tilespmem:s25], [sflag:$0x2] =	stream.indirect_vreg.gather [hbm4b:s4+s3], $0x80, v3, vm0, $0xb8;
	[tilespmem:$0x14100] =	vst v63  }
0xac: {  	v3 =	vld [tilespmem:$0x90];
	_ =	sdelay $0x4  }
0xad: {  	v63 =	vshll.u32 v3, $0x2  }
0xae: {  	v3 =	vand.u32 $0x7, v3;
	v4 =	vand.u32 $0xFFFFFFE0, v63  }
0xaf: {  	v3 =	vor.u32 v3, v4  }
0xb0: {  	v4 =	vperm.xlane v3, v0;
	_ =	sdelay $0x1  }
0xb1: {  	v4 =	vadd.s32 v1, v4;
	_ =	sdelay $0x1  }
0xb2: {  	v3 =	vperm.xlane v3, v2;
	_ =	sdelay $0x1  }
0xb3: {  	v3 =	vadd.s32 v1, v3  }
0xb4: {  	[tilespmem:s26], [sflag:$0x2] =	stream.indirect_vreg.gather [hbm4b:s2+s3], $0x80, v4, vm0, $0xb8;
	[tilespmem:$0x14100] =	vst v63  }
0xb5: {  	_ = 	snop  }
0xb6: {  	[tilespmem:s28], [sflag:$0x2] =	stream.indirect_vreg.gather [hbm4b:s4+s3], $0x80, v4, vm0, $0xb8;
	[tilespmem:$0x14100] =	vst v63  }
0xb7: {  	_ = 	snop  }
0xb8: {  	[tilespmem:s29], [sflag:$0x2] =	stream.indirect_vreg.gather [hbm4b:s2+s3], $0x80, v3, vm0, $0xb8;
	[tilespmem:$0x14100] =	vst v63  }
0xb9: {  	_ = 	snop  }
0xba: {  	[tilespmem:s30], [sflag:$0x2] =	stream.indirect_vreg.gather [hbm4b:s4+s3], $0x80, v3, vm0, $0xb8;
	[tilespmem:$0x14100] =	vst v63  }
0xbb: {  	_ =	swait.ge [sflag:s31], $0xA000  }
0xbc: {  	[sflag:s31] =	ssyncset.done $0x0  }
0xbd: {  	s8 =	rddreg [dreg:$0x3];
	[sflag:s31] =	ssyncadd.s32 $0xFFFF6000  }
0xbe: {  	[hbm4b:s8+s3] =	stream.linear.scatter [tilespmem:s7], [sflag:$0x3], $0xA000, $0x38;
	[tilespmem:$0x14100] =	vst v63  }
0xbf: {  	_ =	swait.ge [sflag:s6], $0xA000  }
0xc0: {  	[sflag:s6] =	ssyncset.done $0x0  }
0xc1: {  	[sflag:s6] =	ssyncadd.s32 $0xFFFF6000  }
0xc2: {  	_ =	swait.ge [sflag:s1], $0xA000  }
0xc3: {  	p0 =	sne.s32 s5, $0x1;
	[sflag:s1] =	ssyncset.done $0x0  }
.Ltmp0:
0xc4: {  	s8 =	rddreg [dreg:$0x4];
	[sflag:s1] =	ssyncadd.s32 $0xFFFF6000;
	(pc) =	sbr.rel @p0 .LBB2_1-.Ltmp0, $4  }
0xc5: {  	[hbm4b:s8+s3] =	stream.linear.scatter [tilespmem:s10], [sflag:$0x3], $0xA000, $0x38;
	[tilespmem:$0x14100] =	vst v63  }
0xc6: {  	_ =	swait.ge [sflag:s6], $0xA000  }
0xc7: {  	[sflag:s6] =	ssyncset.done $0x0  }
0xc8: {  	s5 =	sadd.s32 $0xFFFFFFFF, s5;
	[sflag:s6] =	ssyncadd.s32 $0xFFFF6000  }
0xc9: {  	_ =	sfence.sel $0x180000  }
0xca: {  	[bflag:$0x0] =	sbarrier.arrive $0xFFFF  }
0xcb: {  	_ =	strace $0x90000047  }
0xcc: {  	s0 =	stileid.u32;
	[bflag:$0x2] =	sbarrier.arrive $0xFFFF  }
0xcd: {  	p0 =	sne.s32 s0, $0x0;
	s0 =	rddreg [dreg:$0x1]  }
0xce: {  	s0 =	sadd.s32 @!p0 $0x100000, s0  }
0xcf: {  	[sflag:s0] =	ssyncadd.tile.s32 @!p0 $0x1;
	_ =	shalt  }
.Lfunc_end2:
_tile_overlayer_lowered:
.L_overlay_start_2:
0xd0: {  	(tag) =	ssettag $0x2  }
0xd1: {  	s0 =	rddreg [dreg:$0x0];
	s2 =	stileid.u32  }
0xd2: {  	s1 =	rddreg [dreg:$0x1];
	p0 =	sne.s32 s2, $0x0  }
0xd3: {  	s3 =	rddreg [dreg:$0x2];
	[bflag:$0x3] =	sbarrier.arrive $0xFFFF;
	s2 =	simm.s32 @!p0 $0x1C03  }
0xd4: {  	[timem:s3], [sflag:s2] =	dma.local @!p0 [hbm:s0], s1  }
0xd5: {  	s0 =	simm.s32 @!p0 $0x3  }
0xd6: {  	_ =	swait.ge @!p0 [sflag:s0], s1  }
0xd7: {  	s1 =	ssub.s32 @!p0 $0x0, s1;
	[sflag:s0] =	ssyncset.done @!p0 $0x0  }
0xd8: {  	[sflag:s0] =	ssyncadd.s32 @!p0 s1  }
0xd9: {  	[bflag:$0x3] =	sbarrier.arrive $0xFFFF  }
0xda: {  	_ =	shalt  }

// kernel: kernel.14.cloned.1.call-start
scs
__scs_entry_jumppad:
0x0: {  	(pc) =	sbr.rel $0x88, $3  }
0x1: {  	(tag) =	ssettag $0x0;
	lr =	simm.s32 $0x1  }
0x2: {  	[smem:$0x3F96] =	sst lr;
	_ =	strace $0xD0000000  }
0x3: {  	_ = 	snop  }
0x4: {  	_ = 	snop  }
0x5: {  	_ = 	snop  }
0x6: {  	_ = 	snop  }
0x7: {  	_ = 	snop  }
__scs_overlays_trampoline_lowered:
0x8: {  	[smem:$0x3FA5] =	sst s0  }
0x9: {  	[smem:$0x3FA6] =	sst s1  }
0xa: {  	[smem:$0x3FA7] =	sst s2  }
0xb: {  	[smem:$0x3FA8] =	sst s3  }
0xc: {  	[smem:$0x3FA9] =	sst s4  }
0xd: {  	[smem:$0x3FAA] =	sst s5  }
0xe: {  	[smem:$0x3FAB] =	sst s6  }
0xf: {  	[smem:$0x3FAC] =	sst s7  }
0x10: {  	[smem:$0x3FAD] =	sst s8  }
0x11: {  	[smem:$0x3FAE] =	sst s9;
	s0 =	simm.s32 @!p0 $0x0  }
0x12: {  	s1 =	sld [smem:$0x3F94];
	s0 =	simm.s32 @p0 $0x1  }
0x13: {  	[smem:$0x3FAF] =	sst s0;
	s0 =	simm.s32 @!p1 $0x0  }
0x14: {  	s2 =	sld [smem:$0x3F93];
	s0 =	simm.s32 @p1 $0x1  }
0x15: {  	[smem:$0x3FB0] =	sst s0;
	s0 =	simm.s32 @!p2 $0x0  }
0x16: {  	s3 =	sld [smem:$0x3FDB];
	s0 =	simm.s32 @p2 $0x1  }
0x17: {  	s4 =	simm.s32 $0x1BF5;
	[smem:$0x3FB2] =	sst s0  }
0x18: {  	s0 =	sld [smem:$0x3F95];
	_ =	swait.ge [sflag:s4], $0x0  }
0x19: {  	s7 =	sld [smem:$0x3F96]  }
0x1a: {  	s8 =	sadd.s32 $0xFFFFE003, lr  }
0x1b: {  	s9 =	sadd.s32 $0xFFFFFEF7, lr;
	s5 =	simm.s32 $0xFFFFFFFF;
	p2 =	slt.u32 s8, $0xFFFFF086  }
0x1c: {  	p1 =	slt.u32 s9, $0xF7A;
	s5 =	simm.s32 @!p2 $0x0  }
0x1d: {  	s5 =	simm.s32 @p1 $0x1;
	p0 =	seq.s32 s7, s2  }
0x1e: {  	s7 =	smul.u32 @!p0 $0xF7A, s2;
	p2 =	seq.s32 @!p0 s5, $0x0  }
0x1f: {  	s9 =	smul.u32 $0xF7A, s1;
	s8 =	simm.s32 @!p0 $0x1BF5;
	p2 =	por !p2, p0  }
0x20: {  	[sflag:s8] =	ssyncset.s32 @!p0 $0xFFFFF086;
	s6 =	sadd.s32 @!p0 s3, s7;
	s7 =	simm.s32 @!p0 $0x108  }
0x21: {  	s3 =	sadd.s32 s3, s9;
	s6 =	sadd.s32 @!p0 $0x88, s6;
	s7 =	simm.s32 @p2 $0x1082  }
0x22: {  	[simem:s7], [sflag:s8] =	dma.local @!p0 [hbm:s6], $0xF7A  }
0x23: {  	s9 =	sor.u32 $0xD0000000, s2;
	s6 =	simm.s32 $0x108;
	_ =	swait.ge @!p0 [sflag:s8], $0x0  }
0x24: {  	s3 =	sadd.s32 $0x88, s3;
	s6 =	simm.s32 @!p1 $0x1082;
	[sflag:s4] =	ssyncset.s32 $0xFFFFF086  }
0x25: {  	[simem:s6], [sflag:s4] =	dma.local [hbm:s3], $0xF7A  }
0x26: {  	[smem:$0x3F96] =	sst s1;
	(tag) =	ssettag s2;
	_ =	strace s9  }
0x27: {  	s1 =	sld [smem:$0x3FA6]  }
0x28: {  	s2 =	sld [smem:$0x3FA7]  }
0x29: {  	s4 =	sld [smem:$0x3FA9]  }
0x2a: {  	p0 =	seq.s32 s5, $0x0;
	s5 =	sld [smem:$0x3FAA]  }
0x2b: {  	s6 =	sld [smem:$0x3FAB]  }
0x2c: {  	s7 =	sld [smem:$0x3FAC]  }
0x2d: {  	s3 =	simm.s32 $0x108;
	s8 =	sld [smem:$0x3FAD]  }
0x2e: {  	s3 =	simm.s32 @!p0 $0x1082;
	s9 =	sld [smem:$0x3FAE]  }
0x2f: {  	lr =	sadd.s32 s0, s3;
	s0 =	sld [smem:$0x3FA5]  }
0x30: {  	s3 =	sld [smem:$0x3FA8]  }
0x31: {  	[smem:$0x3FB1] =	sst s10  }
0x32: {  	s10 =	sld [smem:$0x3FAF];
	_ =	sdelay $0x3  }
0x33: {  	p0 =	seq.s32 s10, $0x1;
	s10 =	sld [smem:$0x3FB1];
	_ =	sdelay $0x3  }
0x34: {  	[smem:$0x3FB1] =	sst s10  }
0x35: {  	s10 =	sld [smem:$0x3FB0];
	_ =	sdelay $0x3  }
0x36: {  	p1 =	seq.s32 s10, $0x1;
	s10 =	sld [smem:$0x3FB1];
	_ =	sdelay $0x3  }
0x37: {  	[smem:$0x3FB1] =	sst s10  }
0x38: {  	s10 =	sld [smem:$0x3FB2]  }
0x39: {  	_ = 	snop;
	(pc) =	sbr.ind lr, $3  }
0x3a: {  	_ = 	snop  }
0x3b: {  	_ = 	snop  }
0x3c: {  	p2 =	seq.s32 s10, $0x1;
	s10 =	sld [smem:$0x3FB1]  }
0x3d: {  	_ =	shalt  }
0x3e: {  	_ =	shalt  }
0x3f: {  	_ =	shalt  }
0x40: {  	_ =	shalt  }
0x41: {  	_ =	shalt  }
0x42: {  	_ =	shalt  }
0x43: {  	_ =	shalt  }
0x44: {  	_ =	shalt  }
0x45: {  	_ =	shalt  }
0x46: {  	_ =	shalt  }
0x47: {  	_ =	shalt  }
0x48: {  	_ =	shalt  }
0x49: {  	_ =	shalt  }
0x4a: {  	_ =	shalt  }
0x4b: {  	_ =	shalt  }
0x4c: {  	_ =	shalt  }
0x4d: {  	_ =	shalt  }
0x4e: {  	_ =	shalt  }
0x4f: {  	_ =	shalt  }
0x50: {  	_ =	shalt  }
0x51: {  	_ =	shalt  }
0x52: {  	_ =	shalt  }
0x53: {  	_ =	shalt  }
0x54: {  	_ =	shalt  }
0x55: {  	_ =	shalt  }
0x56: {  	_ =	shalt  }
0x57: {  	_ =	shalt  }
0x58: {  	_ =	shalt  }
0x59: {  	_ =	shalt  }
0x5a: {  	_ =	shalt  }
0x5b: {  	_ =	shalt  }
0x5c: {  	_ =	shalt  }
0x5d: {  	_ =	shalt  }
0x5e: {  	_ =	shalt  }
0x5f: {  	_ =	shalt  }
0x60: {  	_ =	shalt  }
0x61: {  	_ =	shalt  }
0x62: {  	_ =	shalt  }
0x63: {  	_ =	shalt  }
0x64: {  	_ =	shalt  }
0x65: {  	_ =	shalt  }
0x66: {  	_ =	shalt  }
0x67: {  	_ =	shalt  }
0x68: {  	_ =	shalt  }
0x69: {  	_ =	shalt  }
0x6a: {  	_ =	shalt  }
0x6b: {  	_ =	shalt  }
0x6c: {  	_ =	shalt  }
0x6d: {  	_ =	shalt  }
0x6e: {  	_ =	shalt  }
0x6f: {  	_ =	shalt  }
0x70: {  	_ =	shalt  }
0x71: {  	_ =	shalt  }
0x72: {  	_ =	shalt  }
0x73: {  	_ =	shalt  }
0x74: {  	_ =	shalt  }
0x75: {  	_ =	shalt  }
0x76: {  	_ =	shalt  }
0x77: {  	_ =	shalt  }
0x78: {  	_ =	shalt  }
0x79: {  	_ =	shalt  }
0x7a: {  	_ =	shalt  }
0x7b: {  	_ =	shalt  }
0x7c: {  	_ =	shalt  }
0x7d: {  	_ =	shalt  }
0x7e: {  	_ =	shalt  }
0x7f: {  	_ =	shalt  }
0x80: {  	_ =	shalt  }
0x81: {  	_ =	shalt  }
0x82: {  	_ =	shalt  }
0x83: {  	_ =	shalt  }
0x84: {  	_ =	shalt  }
0x85: {  	_ =	shalt  }
0x86: {  	_ =	shalt  }
0x87: {  	_ =	shalt  }
.Lfunc_end0:
.L_simem_size_0:
called_computation.2_lowered:
.L_overlay_start_0:
0x88: {  	s2 =	sld [smem:$0x3FD9]  }
0x89: {  	s3 =	sld [smem:$0x3FFE];
	_ =	sdelay $0x1  }
0x8a: {  	s1 =	srdreg.scid  }
0x8b: {  	s0 =	sand.u32 $0x1, s1  }
0x8c: {  	s14 =	sshll.u32 s0, $0xA;
	s2 =	sadd.s32 s3, s2  }
0x8d: {  	s2 =	sadd.s32 s2, s14  }
0x8e: {  	[smem:$0x3FBD] =	sst s2  }
0x8f: {  	_ = 	snop  }
0x90: {  	s2 =	sld [smem:$0x3FD0];
	_ =	sdelay $0x2  }
0x91: {  	s15 =	simm.s32 $0xB;
	s4 =	simm.s32 $0x10  }
0x92: {  	[smem:s4], [sflag:s15] =	dma.local [hbm:s2], $0x1  }
0x93: {  	_ =	swait.eq [sflag:s15], $0x1  }
0x94: {  	[sflag:s15] =	ssyncset.done $0x0  }
0x95: {  	[sflag:s15] =	ssyncadd.s32 $0xFFFFFFFF  }
0x96: {  	s16 =	sld [smem:$0x10];
	(tm) =	ssettm $0x1  }
0x97: {  	s17 =	sld [smem:$0x3FFB];
	_ =	sdelay $0x3  }
0x98: {  	_ =	strace s17  }
0x99: {  	s3 =	sld [smem:$0x3FFC];
	_ =	sdelay $0x3  }
0x9a: {  	_ =	strace s3  }
0x9b: {  	s3 =	sld [smem:$0x3FFD];
	_ =	sdelay $0x3  }
0x9c: {  	_ =	strace s3  }
0x9d: {  	_ =	strace $0x8FFFFFFF  }
0x9e: {  	s18 =	sld [smem:$0x3FDB];
	_ =	sdelay $0x1  }
0x9f: {  	s19 =	simm.s32 $_scs_section_size  }
0xa0: {  	s5 =	simm.s32 $_size__tile_overlayer_lowered;
	s6 =	simm.s32 $_tile_overlayer_lowered  }
0xa1: {  	s22 =	simm.s32 $0x1BFF;
	s21 =	sshll.u32 s6, $0x1;
	s3 =	sadd.s32 s19, s18  }
0xa2: {  	s7 =	simm.s32 $0x0;
	s20 =	sshll.u32 s5, $0x1;
	s5 =	sadd.s32 s21, s3  }
0xa3: {  	[timem:s7], [sflag:s22] =	dma.local [hbm:s5], s20  }
0xa4: {  	_ =	swait.ge [sflag:s22], s20  }
0xa5: {  	s4 =	ssub.s32 $0x0, s20;
	[sflag:s22] =	ssyncset.done $0x0  }
0xa6: {  	[sflag:s22] =	ssyncadd.s32 s4;
	_ =	sdelay $0x1  }
0xa7: {  	s23 =	simm.s32 $0x1B8B  }
0xa8: {  	_ =	swait.ge [sflag:s23], $0x1  }
0xa9: {  	[sflag:s23] =	ssyncset.done $0x0  }
0xaa: {  	s25 =	simm.s32 $0x1B8E;
	s24 =	sld [smem:$0x3FFE];
	[sflag:s23] =	ssyncadd.s32 $0xFFFFFFFF  }
0xab: {  	s26 =	simm.s32 $execute0_lowered;
	[smem:$0x3FD2] =	sst s25  }
0xac: {  	s5 =	sshll.u32 s26, $0x1;
	_ =	strace $0x8000004C;
	[dreg:$0x1] =	wrdreg $0xFFFFFFFF  }
0xad: {  	s28 =	simm.s32 $_size_execute0_lowered;
	s3 =	sadd.s32 s3, s5;
	[dreg:$0x0] =	wrdreg $0x0  }
0xae: {  	s5 =	sshll.u32 s28, $0x1;
	[dreg:$0x2] =	wrdreg s3  }
0xaf: {  	[dreg:$0x3] =	wrdreg s5  }
0xb0: {  	[dreg:$0x4] =	wrdreg $0xC0  }
0xb1: {  	_ =	task [dreg:s7], $0x5FFFF  }
0xb2: {  	[dreg:$0x1] =	wrdreg $0xFFFFFFFF  }
0xb3: {  	[dreg:$0x0] =	wrdreg $0x60  }
0xb4: {  	[dreg:$0x2] =	wrdreg s24  }
0xb5: {  	[dreg:$0x3] =	wrdreg s16  }
0xb6: {  	[dreg:$0x4] =	wrdreg $0x9  }
0xb7: {  	_ =	task.clear_ibuf [dreg:s7], $0x5FFFF;
	_ =	strace $0x9000004C  }
0xb8: {  	s29 =	simm.s32 $0x9;
	_ =	strace $0x8000004E  }
0xb9: {  	_ =	swait.ge [sflag:s29], $0x1  }
0xba: {  	[sflag:s29] =	ssyncadd.s32 $0xFFFFFFFF  }
0xbb: {  	_ =	strace $0x9000004E  }
0xbc: {  	_ =	sfence  }
0xbd: {  	s30 =	sld [smem:$0x0];
	_ =	sdelay $0x2  }
0xbe: {  	s31 =	sshll.u32 s1, $0xD;
	s1 =	sshrl.u32 s1, $0x2  }
0xbf: {  	s3 =	sand.u32 $0x4000, s31;
	s1 =	sadd.s32 s1, s30  }
0xc0: {  	s0 =	sor.u32 s3, s0;
	s1 =	sshll.u32 s1, $0x11  }
0xc1: {  	s0 =	sor.u32 s1, s0  }
0xc2: {  	s0 =	sadd.s32 $0x8F2B, s0  }
0xc3: {  	[sflag:s0] =	ssyncadd.remote.s32 $0x1  }
0xc4: {  	_ =	sfence.sel $0xFFFF  }
0xc5: {  	[dreg:$0x0] =	wrdreg $0xFFFFFFFF;
	(pc) =	sbr.abs _section_cstart, $3  }
0xc6: {  	[dreg:$0x1] =	wrdreg $0xFFFFFFFF  }
0xc7: {  	_ =	task.clear_ibuf [dreg:s7], $0x2FFFF;
	_ =	strace $0x9FFFFFFF  }
0xc8: {  	(tm) =	ssettm $0x7FFFFFFF  }
0xc9: {  	_ =	shalt  }
tec
execute0_lowered:
.L_overlay_start_1:
0x0: {  	(tag) =	ssettag $0x1  }
0x1: {  	s0 =	rddreg [dreg:$0x0]  }
0x2: {  	s1 =	simm.s32 $0x0;
	s29 =	srdreg.scid;
	s7 =	stileid.u32  }
0x3: {  	s12 =	simm.s32 $0x3;
	s14 =	simm.s32 $0x100;
	s13 =	simm.s32 $0xB100  }
0x4: {  	s15 =	simm.s32 $0xB900;
	s16 =	simm.s32 $0xC100;
	s17 =	simm.s32 $0xC900  }
0x5: {  	s18 =	simm.s32 $0xD100;
	s19 =	simm.s32 $0xD900;
	s20 =	simm.s32 $0xE100  }
0x6: {  	s21 =	simm.s32 $0xE900;
	s22 =	simm.s32 $0xF100;
	s23 =	simm.s32 $0xF900  }
0x7: {  	s24 =	simm.s32 $0x1;
	s25 =	simm.s32 $0x2;
	[smem:$0x7FF] =	sst s1  }
0x8: {  	s1 =	sand.u32 $0x1, s29;
	s4 =	sadd.s32 $0x190E00, s0;
	s5 =	sadd.s32 $0x190C00, s0  }
0x9: {  	s6 =	sadd.s32 $0x190A00, s0;
	s30 =	sshll.u32 s7, $0x8;
	s2 =	ssub.s32 $0x2, s1  }
0xa: {  	s8 =	sadd.s32 $0x190F00, s0;
	s9 =	sadd.s32 $0x191000, s0;
	s3 =	sshrl.u32 s2, $0x1  }
0xb: {  	v2 =	vlaneseq.u32;
	s10 =	sadd.s32 $0x191100, s0;
	s1 =	sshll.u32 s1, $0x7;
	s2 =	ssub.s32 s2, s3  }
0xc: {  	vm0 =	vmmov $0xffff;
	v1 =	vshrl.u32 v2, $0x3;
	_ =	strace $0x8000004D;
	s7 =	sor.u32 s1, s30;
	s31 =	smax.u32 s2, $0x1  }
0xd: {  	v0 =	vand.u32 $0x7, v2;
	v2 =	vor.u32 $0x8, v2;
	v1 =	vmul.u32 $0x8, v1;
	s1 =	simm.s32 $0x0;
	s2 =	simm.s32 $0xA900;
	[dreg:$0x3] =	wrdreg s31  }
.LBB2_1:
0xe: {  	[dreg:$0x4] =	wrdreg s1;
	s26 =	simm.s32 $0x0  }
.LBB2_2:
0xf: {  	s0 =	sshll.u32 s26, $0x5  }
0x10: {  	s28 =	sadd.s32 s7, s0  }
0x11: {  	s0 =	sshrl.u32 s28, $0x3  }
0x12: {  	s29 =	simm.s32 $0x0;
	s3 =	sadd.s32 s5, s0  }
0x13: {  	[tilespmem:s29], [sflag:$0x3] =	stream.linear.gather [hbm4b:s3+s29], $0x20, $0x38;
	[tilespmem:$0x10100] =	vst v63  }
0x14: {  	_ =	swait.ge [sflag:s12], $0x20  }
0x15: {  	[sflag:s12] =	ssyncset.done $0x0  }
0x16: {  	s1 =	simm.s32 $0x80;
	s0 =	sadd.s32 s6, s0;
	[sflag:s12] =	ssyncadd.s32 $0xFFFFFFE0  }
0x17: {  	[tilespmem:s1], [sflag:$0x3] =	stream.linear.gather [hbm4b:s0+s29], $0x20, $0x38;
	[tilespmem:$0x10100] =	vst v63  }
0x18: {  	_ =	swait.ge [sflag:s12], $0x20  }
0x19: {  	[sflag:s12] =	ssyncset.done $0x0  }
0x1a: {  	[sflag:s12] =	ssyncadd.s32 $0xFFFFFFE0  }
0x1b: {  	v3 =	vld [tilespmem:$0x0];
	_ =	sdelay $0x4  }
0x1c: {  	v4 =	vshll.u32 v3, $0x3  }
0x1d: {  	v3 =	vand.u32 $0x7, v3;
	v4 =	vand.u32 $0xFFFFFFC0, v4  }
0x1e: {  	v3 =	vor.u32 v3, v4  }
0x1f: {  	v4 =	vperm.xlane v3, v0;
	_ =	sdelay $0x1  }
0x20: {  	v4 =	vadd.s32 v1, v4;
	_ =	sdelay $0x4  }
0x21: {  	[tilespmem:s14], [sflag:$0x1] =	stream.indirect_vreg.gather [hbm4b:s4+s29], $0x80, v4, vm0, $0xb8;
	[tilespmem:$0x10100] =	vst v63  }
0x22: {  	s3 =	simm.s32 $0x900;
	v3 =	vperm.xlane v3, v2  }
0x23: {  	[tilespmem:s3], [sflag:$0x1] =	stream.indirect_vreg.gather [hbm4b:s8+s29], $0x80, v4, vm0, $0xb8;
	[tilespmem:$0x10100] =	vst v63  }
0x24: {  	s11 =	simm.s32 $0x1100;
	v3 =	vadd.s32 v1, v3  }
0x25: {  	[tilespmem:s11], [sflag:$0x1] =	stream.indirect_vreg.gather [hbm4b:s9+s29], $0x80, v4, vm0, $0xb8;
	[tilespmem:$0x10100] =	vst v63  }
0x26: {  	s1 =	simm.s32 $0x1900  }
0x27: {  	[tilespmem:s1], [sflag:$0x1] =	stream.indirect_vreg.gather [hbm4b:s10+s29], $0x80, v4, vm0, $0xb8;
	[tilespmem:$0x10100] =	vst v63  }
0x28: {  	s3 =	simm.s32 $0x2100  }
0x29: {  	[tilespmem:s3], [sflag:$0x1] =	stream.indirect_vreg.gather [hbm4b:s4+s29], $0x80, v3, vm0, $0xb8;
	[tilespmem:$0x10100] =	vst v63  }
0x2a: {  	s11 =	simm.s32 $0x2900  }
0x2b: {  	[tilespmem:s11], [sflag:$0x1] =	stream.indirect_vreg.gather [hbm4b:s8+s29], $0x80, v3, vm0, $0xb8;
	[tilespmem:$0x10100] =	vst v63  }
0x2c: {  	s1 =	simm.s32 $0x3100  }
0x2d: {  	[tilespmem:s1], [sflag:$0x1] =	stream.indirect_vreg.gather [hbm4b:s9+s29], $0x80, v3, vm0, $0xb8;
	[tilespmem:$0x10100] =	vst v63  }
0x2e: {  	s3 =	simm.s32 $0x3900  }
0x2f: {  	[tilespmem:s3], [sflag:$0x1] =	stream.indirect_vreg.gather [hbm4b:s10+s29], $0x80, v3, vm0, $0xb8;
	[tilespmem:$0x10100] =	vst v63  }
0x30: {  	v3 =	vld [tilespmem:$0x10];
	_ =	sdelay $0x4  }
0x31: {  	v61 =	vshll.u32 v3, $0x3  }
0x32: {  	v3 =	vand.u32 $0x7, v3;
	v4 =	vand.u32 $0xFFFFFFC0, v61  }
0x33: {  	v3 =	vor.u32 v3, v4  }
0x34: {  	v4 =	vperm.xlane v3, v0;
	_ =	sdelay $0x1  }
0x35: {  	v4 =	vadd.s32 v1, v4;
	_ =	sdelay $0x3  }
0x36: {  	s11 =	simm.s32 $0x4100  }
0x37: {  	[tilespmem:s11], [sflag:$0x1] =	stream.indirect_vreg.gather [hbm4b:s4+s29], $0x80, v4, vm0, $0xb8;
	[tilespmem:$0x10100] =	vst v63  }
0x38: {  	s1 =	simm.s32 $0x4900;
	v3 =	vperm.xlane v3, v2  }
0x39: {  	[tilespmem:s1], [sflag:$0x1] =	stream.indirect_vreg.gather [hbm4b:s8+s29], $0x80, v4, vm0, $0xb8;
	[tilespmem:$0x10100] =	vst v63  }
0x3a: {  	s3 =	simm.s32 $0x5100;
	v3 =	vadd.s32 v1, v3  }
0x3b: {  	[tilespmem:s3], [sflag:$0x1] =	stream.indirect_vreg.gather [hbm4b:s9+s29], $0x80, v4, vm0, $0xb8;
	[tilespmem:$0x10100] =	vst v63  }
0x3c: {  	s11 =	simm.s32 $0x5900  }
0x3d: {  	[tilespmem:s11], [sflag:$0x1] =	stream.indirect_vreg.gather [hbm4b:s10+s29], $0x80, v4, vm0, $0xb8;
	[tilespmem:$0x10100] =	vst v63  }
0x3e: {  	s1 =	simm.s32 $0x6100  }
0x3f: {  	[tilespmem:s1], [sflag:$0x1] =	stream.indirect_vreg.gather [hbm4b:s4+s29], $0x80, v3, vm0, $0xb8;
	[tilespmem:$0x10100] =	vst v63  }
0x40: {  	s3 =	simm.s32 $0x6900  }
0x41: {  	[tilespmem:s3], [sflag:$0x1] =	stream.indirect_vreg.gather [hbm4b:s8+s29], $0x80, v3, vm0, $0xb8;
	[tilespmem:$0x10100] =	vst v63  }
0x42: {  	s11 =	simm.s32 $0x7100  }
0x43: {  	[tilespmem:s11], [sflag:$0x1] =	stream.indirect_vreg.gather [hbm4b:s9+s29], $0x80, v3, vm0, $0xb8;
	[tilespmem:$0x10100] =	vst v63  }
0x44: {  	s1 =	simm.s32 $0x7900  }
0x45: {  	[tilespmem:s1], [sflag:$0x1] =	stream.indirect_vreg.gather [hbm4b:s10+s29], $0x80, v3, vm0, $0xb8;
	[tilespmem:$0x10100] =	vst v63  }
0x46: {  	v3 =	vld [tilespmem:$0x80];
	_ =	sdelay $0x4  }
0x47: {  	v62 =	vshll.u32 v3, $0x3  }
0x48: {  	v3 =	vand.u32 $0x7, v3;
	v4 =	vand.u32 $0xFFFFFFC0, v62  }
0x49: {  	v3 =	vor.u32 v3, v4  }
0x4a: {  	v4 =	vperm.xlane v3, v0;
	_ =	sdelay $0x1  }
0x4b: {  	v4 =	vadd.s32 v1, v4;
	_ =	sdelay $0x3  }
0x4c: {  	s3 =	simm.s32 $0x8100  }
0x4d: {  	[tilespmem:s3], [sflag:$0x2] =	stream.indirect_vreg.gather [hbm4b:s4+s29], $0x80, v4, vm0, $0xb8;
	[tilespmem:$0x10100] =	vst v63  }
0x4e: {  	s11 =	simm.s32 $0x8900;
	v3 =	vperm.xlane v3, v2  }
0x4f: {  	[tilespmem:s11], [sflag:$0x2] =	stream.indirect_vreg.gather [hbm4b:s8+s29], $0x80, v4, vm0, $0xb8;
	[tilespmem:$0x10100] =	vst v63  }
0x50: {  	s1 =	simm.s32 $0x9100;
	v3 =	vadd.s32 v1, v3  }
0x51: {  	[tilespmem:s1], [sflag:$0x2] =	stream.indirect_vreg.gather [hbm4b:s9+s29], $0x80, v4, vm0, $0xb8;
	[tilespmem:$0x10100] =	vst v63  }
0x52: {  	s3 =	simm.s32 $0x9900  }
0x53: {  	[tilespmem:s3], [sflag:$0x2] =	stream.indirect_vreg.gather [hbm4b:s10+s29], $0x80, v4, vm0, $0xb8;
	[tilespmem:$0x10100] =	vst v63  }
0x54: {  	s11 =	simm.s32 $0xA100  }
0x55: {  	[tilespmem:s11], [sflag:$0x2] =	stream.indirect_vreg.gather [hbm4b:s4+s29], $0x80, v3, vm0, $0xb8;
	[tilespmem:$0x10100] =	vst v63  }
0x56: {  	_ = 	snop  }
0x57: {  	[tilespmem:s2], [sflag:$0x2] =	stream.indirect_vreg.gather [hbm4b:s8+s29], $0x80, v3, vm0, $0xb8;
	[tilespmem:$0x10100] =	vst v63  }
0x58: {  	_ = 	snop  }
0x59: {  	[tilespmem:s13], [sflag:$0x2] =	stream.indirect_vreg.gather [hbm4b:s9+s29], $0x80, v3, vm0, $0xb8;
	[tilespmem:$0x10100] =	vst v63  }
0x5a: {  	_ = 	snop  }
0x5b: {  	[tilespmem:s15], [sflag:$0x2] =	stream.indirect_vreg.gather [hbm4b:s10+s29], $0x80, v3, vm0, $0xb8;
	[tilespmem:$0x10100] =	vst v63  }
0x5c: {  	v3 =	vld [tilespmem:$0x90];
	_ =	sdelay $0x4  }
0x5d: {  	v63 =	vshll.u32 v3, $0x3  }
0x5e: {  	v3 =	vand.u32 $0x7, v3;
	v4 =	vand.u32 $0xFFFFFFC0, v63  }
0x5f: {  	v3 =	vor.u32 v3, v4  }
0x60: {  	v4 =	vperm.xlane v3, v0;
	_ =	sdelay $0x1  }
0x61: {  	v4 =	vadd.s32 v1, v4;
	_ =	sdelay $0x4  }
0x62: {  	[tilespmem:s16], [sflag:$0x2] =	stream.indirect_vreg.gather [hbm4b:s4+s29], $0x80, v4, vm0, $0xb8;
	[tilespmem:$0x10100] =	vst v63  }
0x63: {  	v3 =	vperm.xlane v3, v2  }
0x64: {  	[tilespmem:s17], [sflag:$0x2] =	stream.indirect_vreg.gather [hbm4b:s8+s29], $0x80, v4, vm0, $0xb8;
	[tilespmem:$0x10100] =	vst v63  }
0x65: {  	v3 =	vadd.s32 v1, v3  }
0x66: {  	[tilespmem:s18], [sflag:$0x2] =	stream.indirect_vreg.gather [hbm4b:s9+s29], $0x80, v4, vm0, $0xb8;
	[tilespmem:$0x10100] =	vst v63  }
0x67: {  	_ = 	snop  }
0x68: {  	[tilespmem:s19], [sflag:$0x2] =	stream.indirect_vreg.gather [hbm4b:s10+s29], $0x80, v4, vm0, $0xb8;
	[tilespmem:$0x10100] =	vst v63  }
0x69: {  	_ = 	snop  }
0x6a: {  	[tilespmem:s20], [sflag:$0x2] =	stream.indirect_vreg.gather [hbm4b:s4+s29], $0x80, v3, vm0, $0xb8;
	[tilespmem:$0x10100] =	vst v63  }
0x6b: {  	_ = 	snop  }
0x6c: {  	[tilespmem:s21], [sflag:$0x2] =	stream.indirect_vreg.gather [hbm4b:s8+s29], $0x80, v3, vm0, $0xb8;
	[tilespmem:$0x10100] =	vst v63  }
0x6d: {  	_ = 	snop  }
0x6e: {  	[tilespmem:s22], [sflag:$0x2] =	stream.indirect_vreg.gather [hbm4b:s9+s29], $0x80, v3, vm0, $0xb8;
	[tilespmem:$0x10100] =	vst v63  }
0x6f: {  	_ = 	snop  }
0x70: {  	[tilespmem:s23], [sflag:$0x2] =	stream.indirect_vreg.gather [hbm4b:s10+s29], $0x80, v3, vm0, $0xb8;
	[tilespmem:$0x10100] =	vst v63  }
0x71: {  	_ =	swait.ge [sflag:s24], $0x8000  }
0x72: {  	[sflag:s24] =	ssyncset.done $0x0  }
0x73: {  	[sflag:s24] =	ssyncadd.s32 $0xFFFF8000  }
0x74: {  	_ =	swait.ge [sflag:s25], $0x8000  }
0x75: {  	s30 =	simm.s32 $0xFFFF8000;
	[sflag:s25] =	ssyncset.done $0x0  }
0x76: {  	s31 =	simm.s32 $0x0;
	s0 =	simm.s32 $0x0;
	[sflag:s25] =	ssyncadd.s32 $0xFFFF8000  }
.LBB2_3:
0x77: {  	s3 =	sadd.s32 $0x8000, s30  }
0x78: {  	s11 =	sand.u32 $0x380, s0;
	s3 =	sand.u32 $0x6000, s3  }
0x79: {  	s3 =	sor.u32 s11, s3  }
0x7a: {  	v3 =	vld [tilespmem:s3+$0x100]  }
0x7b: {  	v4 =	vld [tilespmem:s3+$0x8100]  }
0x7c: {  	v5 =	vld [tilespmem:s3+$0x110]  }
0x7d: {  	v6 =	vld [tilespmem:s3+$0x8110]  }
0x7e: {  	v7 =	vld [tilespmem:s3+$0x120]  }
0x7f: {  	v8 =	vld [tilespmem:s3+$0x8120]  }
0x80: {  	v9 =	vld [tilespmem:s3+$0x130]  }
0x81: {  	v10 =	vld [tilespmem:s3+$0x8130]  }
0x82: {  	v11 =	vld [tilespmem:s3+$0x140]  }
0x83: {  	v12 =	vld [tilespmem:s3+$0x8140]  }
0x84: {  	v13 =	vld [tilespmem:s3+$0x150]  }
0x85: {  	v14 =	vld [tilespmem:s3+$0x8150]  }
0x86: {  	v15 =	vld [tilespmem:s3+$0x160]  }
0x87: {  	v16 =	vld [tilespmem:s3+$0x8160]  }
0x88: {  	v17 =	vld [tilespmem:s3+$0x170]  }
0x89: {  	v18 =	vld [tilespmem:s3+$0x8170]  }
0x8a: {  	v19 =	vld [tilespmem:s3+$0x500]  }
0x8b: {  	v20 =	vld [tilespmem:s3+$0x8500]  }
0x8c: {  	v21 =	vld [tilespmem:s3+$0x510]  }
0x8d: {  	v22 =	vld [tilespmem:s3+$0x8510]  }
0x8e: {  	v23 =	vld [tilespmem:s3+$0x520]  }
0x8f: {  	v24 =	vld [tilespmem:s3+$0x8520]  }
0x90: {  	v25 =	vld [tilespmem:s3+$0x530]  }
0x91: {  	v26 =	vld [tilespmem:s3+$0x8530]  }
0x92: {  	v27 =	vld [tilespmem:s3+$0x540]  }
0x93: {  	v28 =	vld [tilespmem:s3+$0x8540]  }
0x94: {  	v29 =	vld [tilespmem:s3+$0x550]  }
0x95: {  	v30 =	vld [tilespmem:s3+$0x8550]  }
0x96: {  	v31 =	vld [tilespmem:s3+$0x560]  }
0x97: {  	v32 =	vld [tilespmem:s3+$0x8560]  }
0x98: {  	v33 =	vld [tilespmem:s3+$0x570]  }
0x99: {  	v34 =	vld [tilespmem:s3+$0x8570]  }
0x9a: {  	v35 =	vld [tilespmem:s3+$0x900]  }
0x9b: {  	v36 =	vld [tilespmem:s3+$0x8900]  }
0x9c: {  	v37 =	vld [tilespmem:s3+$0x910]  }
0x9d: {  	v38 =	vld [tilespmem:s3+$0x8910]  }
0x9e: {  	v39 =	vld [tilespmem:s3+$0x920]  }
0x9f: {  	v40 =	vld [tilespmem:s3+$0x8920]  }
0xa0: {  	v41 =	vld [tilespmem:s3+$0x930]  }
0xa1: {  	v42 =	vld [tilespmem:s3+$0x8930]  }
0xa2: {  	v43 =	vld [tilespmem:s3+$0x940]  }
0xa3: {  	v44 =	vld [tilespmem:s3+$0x8940]  }
0xa4: {  	v45 =	vld [tilespmem:s3+$0x950]  }
0xa5: {  	v46 =	vld [tilespmem:s3+$0x8950]  }
0xa6: {  	v47 =	vld [tilespmem:s3+$0x960]  }
0xa7: {  	v48 =	vld [tilespmem:s3+$0x8960]  }
0xa8: {  	v49 =	vld [tilespmem:s3+$0x970]  }
0xa9: {  	v50 =	vld [tilespmem:s3+$0x8970]  }
0xaa: {  	v51 =	vld [tilespmem:s3+$0xD00]  }
0xab: {  	v52 =	vld [tilespmem:s3+$0x8D00]  }
0xac: {  	v53 =	vld [tilespmem:s3+$0xD10]  }
0xad: {  	v54 =	vld [tilespmem:s3+$0x8D10]  }
0xae: {  	v55 =	vld [tilespmem:s3+$0xD20]  }
0xaf: {  	v56 =	vld [tilespmem:s3+$0x8D20]  }
0xb0: {  	v57 =	vld [tilespmem:s3+$0xD30]  }
0xb1: {  	v58 =	vld [tilespmem:s3+$0x8D30]  }
0xb2: {  	v59 =	vld [tilespmem:s3+$0xD40]  }
0xb3: {  	v60 =	vld [tilespmem:s3+$0x8D40]  }
0xb4: {  	v61 =	vld [tilespmem:s3+$0xD50]  }
0xb5: {  	v62 =	vld [tilespmem:s3+$0x8D50]  }
0xb6: {  	v63 =	vld [tilespmem:s3+$0xD60]  }
0xb7: {  	v3 =	vadd.f32 v4, v3;
	v4 =	vld [tilespmem:s3+$0x8D60]  }
0xb8: {  	v5 =	vadd.f32 v6, v5;
	v6 =	vld [tilespmem:s3+$0xD70]  }
0xb9: {  	v14 =	vadd.f32 v14, v13;
	v13 =	vld [tilespmem:s3+$0x9120];
	[tilespmem:s3+$0x100] =	vst v3;
	v3 =	vadd.f32 v8, v7  }
0xba: {  	v18 =	vadd.f32 v18, v17;
	v17 =	vld [tilespmem:s3+$0x9140];
	[tilespmem:s3+$0x110] =	vst v5  }
0xbb: {  	v22 =	vadd.f32 v22, v21;
	v21 =	vld [tilespmem:s3+$0x9160];
	[tilespmem:s3+$0x120] =	vst v3;
	v3 =	vadd.f32 v12, v11  }
0xbc: {  	v7 =	vld [tilespmem:s3+$0x8D70];
	[tilespmem:s3+$0x150] =	vst v14  }
0xbd: {  	v8 =	vld [tilespmem:s3+$0x1100];
	[tilespmem:s3+$0x140] =	vst v3;
	v3 =	vadd.f32 v16, v15  }
0xbe: {  	v5 =	vadd.f32 v10, v9;
	v9 =	vld [tilespmem:s3+$0x9100];
	[tilespmem:s3+$0x170] =	vst v18  }
0xbf: {  	v10 =	vld [tilespmem:s3+$0x1110];
	[tilespmem:s3+$0x160] =	vst v3;
	v3 =	vadd.f32 v20, v19  }
0xc0: {  	v26 =	vadd.f32 v26, v25;
	v14 =	vld [tilespmem:s3+$0x1130];
	[tilespmem:s3+$0x510] =	vst v22  }
0xc1: {  	v18 =	vld [tilespmem:s3+$0x1150];
	[tilespmem:s3+$0x500] =	vst v3;
	v3 =	vadd.f32 v24, v23  }
0xc2: {  	v30 =	vadd.f32 v30, v29;
	[tilespmem:s3+$0x530] =	vst v26;
	v22 =	vld [tilespmem:s3+$0x1170]  }
0xc3: {  	v19 =	vld [tilespmem:s3+$0x9150];
	[tilespmem:s3+$0x520] =	vst v3;
	v3 =	vadd.f32 v28, v27  }
0xc4: {  	v34 =	vadd.f32 v34, v33;
	[tilespmem:s3+$0x550] =	vst v30;
	v11 =	vld [tilespmem:s3+$0x9110]  }
0xc5: {  	v12 =	vld [tilespmem:s3+$0x1120];
	[tilespmem:s3+$0x540] =	vst v3;
	v3 =	vadd.f32 v32, v31  }
0xc6: {  	[tilespmem:s3+$0x570] =	vst v34;
	v15 =	vld [tilespmem:s3+$0x9130]  }
0xc7: {  	v16 =	vld [tilespmem:s3+$0x1140];
	[tilespmem:s3+$0x560] =	vst v3;
	v3 =	vadd.f32 v36, v35  }
0xc8: {  	[tilespmem:s3+$0x130] =	vst v5;
	v20 =	vld [tilespmem:s3+$0x1160];
	v19 =	vadd.f32 v19, v18  }
0xc9: {  	v24 =	vld [tilespmem:s3+$0x1500];
	[tilespmem:s3+$0x900] =	vst v3;
	v3 =	vadd.f32 v40, v39  }
0xca: {  	[tilespmem:s3+$0x1150] =	vst v19;
	v36 =	vadd.f32 v38, v37;
	v37 =	vld [tilespmem:s3+$0x9170]  }
0xcb: {  	v38 =	vadd.f32 v42, v41;
	v41 =	vld [tilespmem:s3+$0x1510];
	[tilespmem:s3+$0x920] =	vst v3;
	v3 =	vadd.f32 v44, v43  }
0xcc: {  	v42 =	vld [tilespmem:s3+$0x9510];
	[tilespmem:s3+$0x910] =	vst v36  }
0xcd: {  	v35 =	vld [tilespmem:s3+$0x1910];
	[tilespmem:s3+$0x940] =	vst v3;
	v3 =	vadd.f32 v48, v47  }
0xce: {  	v39 =	vld [tilespmem:s3+$0x9500];
	[tilespmem:s3+$0x930] =	vst v38;
	v40 =	vadd.f32 v46, v45  }
0xcf: {  	v45 =	vld [tilespmem:s3+$0x9520];
	[tilespmem:s3+$0x960] =	vst v3;
	v3 =	vadd.f32 v52, v51  }
0xd0: {  	v46 =	vadd.f32 v54, v53;
	v53 =	vld [tilespmem:s3+$0x1550];
	[tilespmem:s3+$0x950] =	vst v40  }
0xd1: {  	v54 =	vld [tilespmem:s3+$0x9550];
	[tilespmem:s3+$0xD00] =	vst v3;
	v3 =	vadd.f32 v56, v55  }
0xd2: {  	v36 =	vld [tilespmem:s3+$0x9910];
	v43 =	vadd.f32 v50, v49;
	[tilespmem:s3+$0xD10] =	vst v46  }
0xd3: {  	v38 =	vld [tilespmem:s3+$0x1920];
	[tilespmem:s3+$0xD20] =	vst v3;
	v3 =	vadd.f32 v60, v59  }
0xd4: {  	v44 =	vld [tilespmem:s3+$0x1520];
	v49 =	vadd.f32 v58, v57;
	[tilespmem:s3+$0x970] =	vst v43  }
0xd5: {  	v50 =	vld [tilespmem:s3+$0x1540];
	[tilespmem:s3+$0xD40] =	vst v3;
	v3 =	vadd.f32 v4, v63  }
0xd6: {  	v57 =	vld [tilespmem:s3+$0x9560];
	v58 =	vadd.f32 v11, v10;
	[tilespmem:s3+$0xD30] =	vst v49  }
0xd7: {  	v46 =	vld [tilespmem:s3+$0x9950];
	[tilespmem:s3+$0xD60] =	vst v3;
	v3 =	vadd.f32 v9, v8  }
0xd8: {  	v37 =	vadd.f32 v37, v22;
	v40 =	vadd.f32 v42, v41;
	v41 =	vld [tilespmem:s3+$0x1930];
	[tilespmem:s3+$0x1110] =	vst v58  }
0xd9: {  	v42 =	vld [tilespmem:s3+$0x9930];
	[tilespmem:s3+$0x1100] =	vst v3;
	v3 =	vadd.f32 v13, v12  }
0xda: {  	v47 =	vld [tilespmem:s3+$0x1530];
	[tilespmem:s3+$0x1170] =	vst v37  }
0xdb: {  	v48 =	vld [tilespmem:s3+$0x9530];
	[tilespmem:s3+$0x1120] =	vst v3;
	v3 =	vadd.f32 v17, v16  }
0xdc: {  	v49 =	vld [tilespmem:s3+$0x9960];
	[tilespmem:s3+$0x1510] =	vst v40;
	v52 =	vadd.f32 v62, v61  }
0xdd: {  	v51 =	vld [tilespmem:s3+$0x9540];
	[tilespmem:s3+$0x1140] =	vst v3;
	v3 =	vadd.f32 v21, v20  }
0xde: {  	v61 =	vadd.f32 v15, v14;
	v62 =	vld [tilespmem:s3+$0x1900];
	[tilespmem:s3+$0xD50] =	vst v52  }
0xdf: {  	v56 =	vld [tilespmem:s3+$0x1560];
	[tilespmem:s3+$0x1160] =	vst v3;
	v3 =	vadd.f32 v39, v24  }
0xe0: {  	v55 =	vadd.f32 v7, v6;
	[tilespmem:s3+$0x1130] =	vst v61;
	v52 =	vld [tilespmem:s3+$0x9970]  }
0xe1: {  	v43 =	vadd.f32 v48, v47;
	v47 =	vld [tilespmem:s3+$0x1960];
	[tilespmem:s3+$0x1500] =	vst v3;
	v3 =	vadd.f32 v45, v44  }
0xe2: {  	[tilespmem:s3+$0xD70] =	vst v55;
	v63 =	vld [tilespmem:s3+$0x9900]  }
0xe3: {  	v59 =	vld [tilespmem:s3+$0x1570];
	[tilespmem:s3+$0x1520] =	vst v3;
	v3 =	vadd.f32 v51, v50  }
0xe4: {  	[tilespmem:s3+$0x1530] =	vst v43;
	v4 =	vadd.f32 v54, v53;
	v39 =	vld [tilespmem:s3+$0x9920]  }
0xe5: {  	v60 =	vld [tilespmem:s3+$0x9570];
	[tilespmem:s3+$0x1540] =	vst v3;
	v3 =	vadd.f32 v57, v56  }
0xe6: {  	v54 =	vadd.f32 v42, v41;
	[tilespmem:s3+$0x1550] =	vst v4;
	v45 =	vld [tilespmem:s3+$0x1950]  }
0xe7: {  	v53 =	vld [tilespmem:s3+$0x9940];
	[tilespmem:s3+$0x1560] =	vst v3;
	v3 =	vadd.f32 v63, v62  }
0xe8: {  	[tilespmem:s3+$0x1930] =	vst v54;
	v55 =	vadd.f32 v49, v47;
	v50 =	vld [tilespmem:s3+$0x1970]  }
0xe9: {  	v44 =	vld [tilespmem:s3+$0x1940];
	[tilespmem:s3+$0x1900] =	vst v3;
	v3 =	vadd.f32 v39, v38  }
0xea: {  	v48 =	vadd.f32 v60, v59;
	[tilespmem:s3+$0x1960] =	vst v55  }
0xeb: {  	[tilespmem:s3+$0x1920] =	vst v3;
	v3 =	vadd.f32 v46, v45  }
0xec: {  	s1 =	sand.u32 $0x7, s29;
	[tilespmem:s3+$0x1570] =	vst v48;
	v51 =	vadd.f32 v36, v35  }
0xed: {  	s11 =	sshll.u32 s1, $0x7;
	[tilespmem:s3+$0x1950] =	vst v3;
	v3 =	vadd.f32 v52, v50  }
0xee: {  	s11 =	sadd.s32 s11, s31;
	[tilespmem:s3+$0x1910] =	vst v51;
	v56 =	vadd.f32 v53, v44  }
0xef: {  	s1 =	sor.u32 $0x1C00, s11;
	[tilespmem:s3+$0x1970] =	vst v3  }
0xf0: {  	[tilespmem:s3+$0x1940] =	vst v56;
	v3 =	vld [tilespmem:s1+$0x100]  }
0xf1: {  	v4 =	vld [tilespmem:s1+$0x8100];
	_ =	sdelay $0x4  }
0xf2: {  	v3 =	vadd.f32 v4, v3;
	_ =	sdelay $0x1  }
0xf3: {  	s3 =	sor.u32 $0x1C10, s11;
	[tilespmem:s1+$0x100] =	vst v3  }
0xf4: {  	v3 =	vld [tilespmem:s3+$0x100]  }
0xf5: {  	v57 =	vld [tilespmem:s3+$0x8100];
	_ =	sdelay $0x4  }
0xf6: {  	v3 =	vadd.f32 v57, v3;
	_ =	sdelay $0x1  }
0xf7: {  	[tilespmem:s3+$0x100] =	vst v3;
	s3 =	sor.u32 $0x1C20, s11  }
0xf8: {  	v3 =	vld [tilespmem:s3+$0x100]  }
0xf9: {  	v58 =	vld [tilespmem:s3+$0x8100];
	_ =	sdelay $0x4  }
0xfa: {  	v3 =	vadd.f32 v58, v3;
	_ =	sdelay $0x1  }
0xfb: {  	[tilespmem:s3+$0x100] =	vst v3;
	s3 =	sor.u32 $0x1C30, s11  }
0xfc: {  	v3 =	vld [tilespmem:s3+$0x100]  }
0xfd: {  	v59 =	vld [tilespmem:s3+$0x8100];
	_ =	sdelay $0x4  }
0xfe: {  	v3 =	vadd.f32 v59, v3;
	_ =	sdelay $0x1  }
0xff: {  	[tilespmem:s3+$0x100] =	vst v3;
	s3 =	sor.u32 $0x1C40, s11  }
0x100: {  	v3 =	vld [tilespmem:s3+$0x100]  }
0x101: {  	v60 =	vld [tilespmem:s3+$0x8100];
	_ =	sdelay $0x4  }
0x102: {  	v3 =	vadd.f32 v60, v3;
	_ =	sdelay $0x1  }
0x103: {  	[tilespmem:s3+$0x100] =	vst v3;
	s3 =	sor.u32 $0x1C50, s11  }
0x104: {  	v3 =	vld [tilespmem:s3+$0x100]  }
0x105: {  	v61 =	vld [tilespmem:s3+$0x8100];
	_ =	sdelay $0x4  }
0x106: {  	v3 =	vadd.f32 v61, v3;
	_ =	sdelay $0x1  }
0x107: {  	[tilespmem:s3+$0x100] =	vst v3;
	s3 =	sor.u32 $0x1C60, s11  }
0x108: {  	v3 =	vld [tilespmem:s3+$0x100]  }
0x109: {  	v62 =	vld [tilespmem:s3+$0x8100];
	_ =	sdelay $0x4  }
0x10a: {  	v3 =	vadd.f32 v62, v3;
	_ =	sdelay $0x1  }
0x10b: {  	s11 =	sor.u32 $0x1C70, s11;
	[tilespmem:s3+$0x100] =	vst v3  }
0x10c: {  	v3 =	vld [tilespmem:s11+$0x100]  }
0x10d: {  	v63 =	vld [tilespmem:s11+$0x8100];
	_ =	sdelay $0x1  }
0x10e: {  	p0 =	sne.s32 s0, $0xF80  }
.Ltmp0:
0x10f: {  	_ = 	snop;
	(pc) =	sbr.rel @p0 .LBB2_3-.Ltmp0, $4  }
0x110: {  	_ = 	snop  }
0x111: {  	v3 =	vadd.f32 v63, v3  }
0x112: {  	s29 =	sadd.s32 $0x1, s29  }
0x113: {  	s30 =	sadd.s32 $0x400, s30;
	s0 =	sadd.s32 $0x80, s0;
	s31 =	sadd.s32 $0x400, s31;
	[tilespmem:s11+$0x100] =	vst v3  }
0x114: {  	s26 =	sadd.s32 $0x1, s26  }
0x115: {  	s0 =	sshll.u32 s28, $0x7;
	s1 =	rddreg [dreg:$0x1];
	p0 =	sne.s32 s26, $0x4  }
.Ltmp1:
0x116: {  	s31 =	simm.s32 $0x0;
	s0 =	sadd.s32 s1, s0;
	(pc) =	sbr.rel @p0 .LBB2_2-.Ltmp1, $4  }
0x117: {  	[hbm4b:s0+s31] =	stream.linear.scatter [tilespmem:s14], [sflag:$0x3], $0x8000, $0x38;
	[tilespmem:$0x10100] =	vst v63  }
0x118: {  	_ =	swait.ge [sflag:s12], $0x8000  }
0x119: {  	[sflag:s12] =	ssyncset.done $0x0  }
0x11a: {  	[sflag:s12] =	ssyncadd.s32 $0xFFFF8000  }
0x11b: {  	s1 =	rddreg [dreg:$0x4]  }
0x11c: {  	s0 =	rddreg [dreg:$0x3];
	s1 =	sadd.s32 $0x1, s1  }
0x11d: {  	p0 =	sne.s32 s1, s0  }
.Ltmp2:
0x11e: {  	_ = 	snop;
	(pc) =	sbr.rel @p0 .LBB2_1-.Ltmp2, $1  }
0x11f: {  	_ =	sdelay $0x3  }
0x120: {  	_ =	sfence.sel $0x180000  }
0x121: {  	[bflag:$0x0] =	sbarrier.arrive $0xFFFF  }
0x122: {  	_ =	strace $0x9000004D  }
0x123: {  	s0 =	stileid.u32;
	[bflag:$0x2] =	sbarrier.arrive $0xFFFF  }
0x124: {  	p0 =	sne.s32 s0, $0x0;
	s0 =	rddreg [dreg:$0x2]  }
0x125: {  	s0 =	sadd.s32 @!p0 $0x100000, s0  }
0x126: {  	[sflag:s0] =	ssyncadd.tile.s32 @!p0 $0x1;
	_ =	shalt  }
.Lfunc_end2:
_tile_overlayer_lowered:
.L_overlay_start_2:
0x127: {  	(tag) =	ssettag $0x2  }
0x128: {  	s0 =	rddreg [dreg:$0x0];
	s2 =	stileid.u32  }
0x129: {  	s1 =	rddreg [dreg:$0x1];
	p0 =	sne.s32 s2, $0x0  }
0x12a: {  	s3 =	rddreg [dreg:$0x2];
	[bflag:$0x3] =	sbarrier.arrive $0xFFFF;
	s2 =	simm.s32 @!p0 $0x1C03  }
0x12b: {  	[timem:s3], [sflag:s2] =	dma.local @!p0 [hbm:s0], s1  }
0x12c: {  	s0 =	simm.s32 @!p0 $0x3  }
0x12d: {  	_ =	swait.ge @!p0 [sflag:s0], s1  }
0x12e: {  	s1 =	ssub.s32 @!p0 $0x0, s1;
	[sflag:s0] =	ssyncset.done @!p0 $0x0  }
0x12f: {  	[sflag:s0] =	ssyncadd.s32 @!p0 s1  }
0x130: {  	[bflag:$0x3] =	sbarrier.arrive $0xFFFF  }
0x131: {  	_ =	shalt  }

// kernel: kernel.8.cloned.1.call-start
scs
__scs_entry_jumppad:
0x0: {  	(pc) =	sbr.rel $0x88, $3  }
0x1: {  	(tag) =	ssettag $0x0;
	lr =	simm.s32 $0x1  }
0x2: {  	[smem:$0x3F96] =	sst lr;
	_ =	strace $0xD0000000  }
0x3: {  	_ = 	snop  }
0x4: {  	_ = 	snop  }
0x5: {  	_ = 	snop  }
0x6: {  	_ = 	snop  }
0x7: {  	_ = 	snop  }
__scs_overlays_trampoline_lowered:
0x8: {  	[smem:$0x3FA5] =	sst s0  }
0x9: {  	[smem:$0x3FA6] =	sst s1  }
0xa: {  	[smem:$0x3FA7] =	sst s2  }
0xb: {  	[smem:$0x3FA8] =	sst s3  }
0xc: {  	[smem:$0x3FA9] =	sst s4  }
0xd: {  	[smem:$0x3FAA] =	sst s5  }
0xe: {  	[smem:$0x3FAB] =	sst s6  }
0xf: {  	[smem:$0x3FAC] =	sst s7  }
0x10: {  	[smem:$0x3FAD] =	sst s8  }
0x11: {  	[smem:$0x3FAE] =	sst s9;
	s0 =	simm.s32 @!p0 $0x0  }
0x12: {  	s1 =	sld [smem:$0x3F94];
	s0 =	simm.s32 @p0 $0x1  }
0x13: {  	[smem:$0x3FAF] =	sst s0;
	s0 =	simm.s32 @!p1 $0x0  }
0x14: {  	s2 =	sld [smem:$0x3F93];
	s0 =	simm.s32 @p1 $0x1  }
0x15: {  	[smem:$0x3FB0] =	sst s0;
	s0 =	simm.s32 @!p2 $0x0  }
0x16: {  	s3 =	sld [smem:$0x3FDB];
	s0 =	simm.s32 @p2 $0x1  }
0x17: {  	s4 =	simm.s32 $0x1BF5;
	[smem:$0x3FB2] =	sst s0  }
0x18: {  	s0 =	sld [smem:$0x3F95];
	_ =	swait.ge [sflag:s4], $0x0  }
0x19: {  	s7 =	sld [smem:$0x3F96]  }
0x1a: {  	s8 =	sadd.s32 $0xFFFFE003, lr  }
0x1b: {  	s9 =	sadd.s32 $0xFFFFFEF7, lr;
	s5 =	simm.s32 $0xFFFFFFFF;
	p2 =	slt.u32 s8, $0xFFFFF086  }
0x1c: {  	p1 =	slt.u32 s9, $0xF7A;
	s5 =	simm.s32 @!p2 $0x0  }
0x1d: {  	s5 =	simm.s32 @p1 $0x1;
	p0 =	seq.s32 s7, s2  }
0x1e: {  	s7 =	smul.u32 @!p0 $0xF7A, s2;
	p2 =	seq.s32 @!p0 s5, $0x0  }
0x1f: {  	s9 =	smul.u32 $0xF7A, s1;
	s8 =	simm.s32 @!p0 $0x1BF5;
	p2 =	por !p2, p0  }
0x20: {  	[sflag:s8] =	ssyncset.s32 @!p0 $0xFFFFF086;
	s6 =	sadd.s32 @!p0 s3, s7;
	s7 =	simm.s32 @!p0 $0x108  }
0x21: {  	s3 =	sadd.s32 s3, s9;
	s6 =	sadd.s32 @!p0 $0x88, s6;
	s7 =	simm.s32 @p2 $0x1082  }
0x22: {  	[simem:s7], [sflag:s8] =	dma.local @!p0 [hbm:s6], $0xF7A  }
0x23: {  	s9 =	sor.u32 $0xD0000000, s2;
	s6 =	simm.s32 $0x108;
	_ =	swait.ge @!p0 [sflag:s8], $0x0  }
0x24: {  	s3 =	sadd.s32 $0x88, s3;
	s6 =	simm.s32 @!p1 $0x1082;
	[sflag:s4] =	ssyncset.s32 $0xFFFFF086  }
0x25: {  	[simem:s6], [sflag:s4] =	dma.local [hbm:s3], $0xF7A  }
0x26: {  	[smem:$0x3F96] =	sst s1;
	(tag) =	ssettag s2;
	_ =	strace s9  }
0x27: {  	s1 =	sld [smem:$0x3FA6]  }
0x28: {  	s2 =	sld [smem:$0x3FA7]  }
0x29: {  	s4 =	sld [smem:$0x3FA9]  }
0x2a: {  	p0 =	seq.s32 s5, $0x0;
	s5 =	sld [smem:$0x3FAA]  }
0x2b: {  	s6 =	sld [smem:$0x3FAB]  }
0x2c: {  	s7 =	sld [smem:$0x3FAC]  }
0x2d: {  	s3 =	simm.s32 $0x108;
	s8 =	sld [smem:$0x3FAD]  }
0x2e: {  	s3 =	simm.s32 @!p0 $0x1082;
	s9 =	sld [smem:$0x3FAE]  }
0x2f: {  	lr =	sadd.s32 s0, s3;
	s0 =	sld [smem:$0x3FA5]  }
0x30: {  	s3 =	sld [smem:$0x3FA8]  }
0x31: {  	[smem:$0x3FB1] =	sst s10  }
0x32: {  	s10 =	sld [smem:$0x3FAF];
	_ =	sdelay $0x3  }
0x33: {  	p0 =	seq.s32 s10, $0x1;
	s10 =	sld [smem:$0x3FB1];
	_ =	sdelay $0x3  }
0x34: {  	[smem:$0x3FB1] =	sst s10  }
0x35: {  	s10 =	sld [smem:$0x3FB0];
	_ =	sdelay $0x3  }
0x36: {  	p1 =	seq.s32 s10, $0x1;
	s10 =	sld [smem:$0x3FB1];
	_ =	sdelay $0x3  }
0x37: {  	[smem:$0x3FB1] =	sst s10  }
0x38: {  	s10 =	sld [smem:$0x3FB2]  }
0x39: {  	_ = 	snop;
	(pc) =	sbr.ind lr, $3  }
0x3a: {  	_ = 	snop  }
0x3b: {  	_ = 	snop  }
0x3c: {  	p2 =	seq.s32 s10, $0x1;
	s10 =	sld [smem:$0x3FB1]  }
0x3d: {  	_ =	shalt  }
0x3e: {  	_ =	shalt  }
0x3f: {  	_ =	shalt  }
0x40: {  	_ =	shalt  }
0x41: {  	_ =	shalt  }
0x42: {  	_ =	shalt  }
0x43: {  	_ =	shalt  }
0x44: {  	_ =	shalt  }
0x45: {  	_ =	shalt  }
0x46: {  	_ =	shalt  }
0x47: {  	_ =	shalt  }
0x48: {  	_ =	shalt  }
0x49: {  	_ =	shalt  }
0x4a: {  	_ =	shalt  }
0x4b: {  	_ =	shalt  }
0x4c: {  	_ =	shalt  }
0x4d: {  	_ =	shalt  }
0x4e: {  	_ =	shalt  }
0x4f: {  	_ =	shalt  }
0x50: {  	_ =	shalt  }
0x51: {  	_ =	shalt  }
0x52: {  	_ =	shalt  }
0x53: {  	_ =	shalt  }
0x54: {  	_ =	shalt  }
0x55: {  	_ =	shalt  }
0x56: {  	_ =	shalt  }
0x57: {  	_ =	shalt  }
0x58: {  	_ =	shalt  }
0x59: {  	_ =	shalt  }
0x5a: {  	_ =	shalt  }
0x5b: {  	_ =	shalt  }
0x5c: {  	_ =	shalt  }
0x5d: {  	_ =	shalt  }
0x5e: {  	_ =	shalt  }
0x5f: {  	_ =	shalt  }
0x60: {  	_ =	shalt  }
0x61: {  	_ =	shalt  }
0x62: {  	_ =	shalt  }
0x63: {  	_ =	shalt  }
0x64: {  	_ =	shalt  }
0x65: {  	_ =	shalt  }
0x66: {  	_ =	shalt  }
0x67: {  	_ =	shalt  }
0x68: {  	_ =	shalt  }
0x69: {  	_ =	shalt  }
0x6a: {  	_ =	shalt  }
0x6b: {  	_ =	shalt  }
0x6c: {  	_ =	shalt  }
0x6d: {  	_ =	shalt  }
0x6e: {  	_ =	shalt  }
0x6f: {  	_ =	shalt  }
0x70: {  	_ =	shalt  }
0x71: {  	_ =	shalt  }
0x72: {  	_ =	shalt  }
0x73: {  	_ =	shalt  }
0x74: {  	_ =	shalt  }
0x75: {  	_ =	shalt  }
0x76: {  	_ =	shalt  }
0x77: {  	_ =	shalt  }
0x78: {  	_ =	shalt  }
0x79: {  	_ =	shalt  }
0x7a: {  	_ =	shalt  }
0x7b: {  	_ =	shalt  }
0x7c: {  	_ =	shalt  }
0x7d: {  	_ =	shalt  }
0x7e: {  	_ =	shalt  }
0x7f: {  	_ =	shalt  }
0x80: {  	_ =	shalt  }
0x81: {  	_ =	shalt  }
0x82: {  	_ =	shalt  }
0x83: {  	_ =	shalt  }
0x84: {  	_ =	shalt  }
0x85: {  	_ =	shalt  }
0x86: {  	_ =	shalt  }
0x87: {  	_ =	shalt  }
.Lfunc_end0:
.L_simem_size_0:
called_computation_lowered:
.L_overlay_start_0:
0x88: {  	s2 =	sld [smem:$0x3FD9]  }
0x89: {  	s3 =	sld [smem:$0x3FFE];
	_ =	sdelay $0x1  }
0x8a: {  	s1 =	srdreg.scid  }
0x8b: {  	s0 =	sand.u32 $0x1, s1  }
0x8c: {  	s15 =	sshll.u32 s0, $0xA;
	s2 =	sadd.s32 s3, s2  }
0x8d: {  	s2 =	sadd.s32 s2, s15  }
0x8e: {  	[smem:$0x3FBD] =	sst s2  }
0x8f: {  	_ = 	snop  }
0x90: {  	s2 =	sld [smem:$0x3FD0];
	_ =	sdelay $0x2  }
0x91: {  	s16 =	simm.s32 $0xB;
	s4 =	simm.s32 $0x10  }
0x92: {  	[smem:s4], [sflag:s16] =	dma.local [hbm:s2], $0x1  }
0x93: {  	_ =	swait.eq [sflag:s16], $0x1  }
0x94: {  	[sflag:s16] =	ssyncset.done $0x0  }
0x95: {  	[sflag:s16] =	ssyncadd.s32 $0xFFFFFFFF  }
0x96: {  	s17 =	sld [smem:$0x10];
	(tm) =	ssettm $0x1  }
0x97: {  	s18 =	sld [smem:$0x3FFB];
	_ =	sdelay $0x3  }
0x98: {  	_ =	strace s18  }
0x99: {  	s2 =	sld [smem:$0x3FFC];
	_ =	sdelay $0x3  }
0x9a: {  	_ =	strace s2  }
0x9b: {  	s2 =	sld [smem:$0x3FFD];
	_ =	sdelay $0x3  }
0x9c: {  	_ =	strace s2  }
0x9d: {  	_ =	strace $0x8FFFFFFF  }
0x9e: {  	s19 =	sld [smem:$0x3FDB];
	_ =	sdelay $0x1  }
0x9f: {  	s20 =	simm.s32 $_scs_section_size  }
0xa0: {  	s5 =	simm.s32 $_size__tile_overlayer_lowered;
	s6 =	simm.s32 $_tile_overlayer_lowered  }
0xa1: {  	s7 =	simm.s32 $0x1BFF;
	s21 =	sshll.u32 s6, $0x1;
	s4 =	sadd.s32 s20, s19  }
0xa2: {  	s22 =	simm.s32 $0x0;
	s5 =	sshll.u32 s5, $0x1;
	s6 =	sadd.s32 s21, s4  }
0xa3: {  	[timem:s22], [sflag:s7] =	dma.local [hbm:s6], s5  }
0xa4: {  	_ =	swait.ge [sflag:s7], s5  }
0xa5: {  	s5 =	ssub.s32 $0x0, s5;
	[sflag:s7] =	ssyncset.done $0x0  }
0xa6: {  	[sflag:s7] =	ssyncadd.s32 s5;
	_ =	sdelay $0x1  }
0xa7: {  	s23 =	simm.s32 $0x1B8B  }
0xa8: {  	_ =	swait.ge [sflag:s23], $0x1  }
0xa9: {  	[sflag:s23] =	ssyncset.done $0x0  }
0xaa: {  	[sflag:s23] =	ssyncadd.s32 $0xFFFFFFFF  }
0xab: {  	s5 =	sld [smem:$0x0]  }
0xac: {  	s6 =	sand.u32 $0xFFFFFFFE, s1  }
0xad: {  	p0 =	sne.s32 s1, s6  }
0xae: {  	s6 =	sshll.u32 @p0 s6, $0xE  }
0xaf: {  	s6 =	sadd.s32 @p0 $0x11B8D, s6;
	s7 =	sshll.u32 @p0 s5, $0x11  }
0xb0: {  	s6 =	sor.u32 @p0 s7, s6  }
0xb1: {  	[sflag:s6] =	ssyncadd.remote.s32 @p0 $0x1;
	_ =	sdelay $0x1  }
0xb2: {  	s6 =	simm.s32 @p0 $0x1B8D  }
0xb3: {  	_ =	swait.eq @p0 [sflag:s6], $0x1  }
0xb4: {  	[sflag:s6] =	ssyncadd.s32 @p0 $0xFFFFFFFF  }
0xb5: {  	s7 =	sshll.u32 @!p0 s1, $0xE  }
0xb6: {  	s7 =	sor.u32 @!p0 $0x4000, s7;
	s6 =	simm.s32 @!p0 $0x1B8D  }
0xb7: {  	s5 =	sshll.u32 @!p0 s5, $0x11;
	s7 =	sadd.s32 @!p0 $0x11B8D, s7;
	_ =	swait.eq @!p0 [sflag:s6], $0x1  }
0xb8: {  	s5 =	sor.u32 @!p0 s5, s7;
	[sflag:s6] =	ssyncadd.s32 @!p0 $0xFFFFFFFF  }
0xb9: {  	s25 =	simm.s32 $0x1B8E;
	s24 =	sld [smem:$0x3FFE];
	[sflag:s5] =	ssyncadd.remote.s32 @!p0 $0x1  }
0xba: {  	s26 =	simm.s32 $execute0_lowered;
	[smem:$0x3FD2] =	sst s25  }
0xbb: {  	s6 =	sshll.u32 s26, $0x1;
	_ =	strace $0x80000049;
	[dreg:$0x1] =	wrdreg $0xFFFFFFFF  }
0xbc: {  	s28 =	simm.s32 $_size_execute0_lowered;
	s4 =	sadd.s32 s4, s6;
	[dreg:$0x0] =	wrdreg $0x0  }
0xbd: {  	s6 =	sshll.u32 s28, $0x1;
	[dreg:$0x2] =	wrdreg s4  }
0xbe: {  	[dreg:$0x3] =	wrdreg s6  }
0xbf: {  	[dreg:$0x4] =	wrdreg $0xC0  }
0xc0: {  	_ =	task [dreg:s22], $0x5FFFF  }
0xc1: {  	[dreg:$0x1] =	wrdreg $0xFFFFFFFF  }
0xc2: {  	[dreg:$0x0] =	wrdreg $0x60  }
0xc3: {  	[dreg:$0x2] =	wrdreg s24  }
0xc4: {  	[dreg:$0x3] =	wrdreg s17  }
0xc5: {  	[dreg:$0x4] =	wrdreg $0x9  }
0xc6: {  	_ =	task.clear_ibuf [dreg:s22], $0x5FFFF;
	_ =	strace $0x90000049  }
0xc7: {  	s29 =	simm.s32 $0x9;
	_ =	strace $0x8000004B  }
0xc8: {  	_ =	swait.ge [sflag:s29], $0x1  }
0xc9: {  	[sflag:s29] =	ssyncadd.s32 $0xFFFFFFFF  }
0xca: {  	_ =	strace $0x9000004B  }
0xcb: {  	_ =	sfence  }
0xcc: {  	s30 =	sld [smem:$0x0];
	_ =	sdelay $0x2  }
0xcd: {  	s31 =	sshll.u32 s1, $0xD;
	s1 =	sshrl.u32 s1, $0x2  }
0xce: {  	s4 =	sand.u32 $0x4000, s31;
	s1 =	sadd.s32 s1, s30  }
0xcf: {  	s0 =	sor.u32 s4, s0;
	s1 =	sshll.u32 s1, $0x11  }
0xd0: {  	s0 =	sor.u32 s1, s0  }
0xd1: {  	s0 =	sadd.s32 $0x8F2B, s0  }
0xd2: {  	[sflag:s0] =	ssyncadd.remote.s32 $0x1  }
0xd3: {  	_ =	sfence.sel $0xFFFF  }
0xd4: {  	[dreg:$0x0] =	wrdreg $0xFFFFFFFF;
	(pc) =	sbr.abs _section_cstart, $3  }
0xd5: {  	[dreg:$0x1] =	wrdreg $0xFFFFFFFF  }
0xd6: {  	_ =	task.clear_ibuf [dreg:s22], $0x2FFFF;
	_ =	strace $0x9FFFFFFF  }
0xd7: {  	(tm) =	ssettm $0x7FFFFFFF  }
tec
execute0_lowered:
.L_overlay_start_1:
0x0: {  	(tag) =	ssettag $0x1  }
0x1: {  	s1 =	srdreg.scid;
	s0 =	stileid.u32  }
0x2: {  	s2 =	rddreg [dreg:$0x0];
	s1 =	sand.u32 $0x1, s1;
	s3 =	sshll.u32 s0, $0x1  }
0x3: {  	s5 =	rddreg [dreg:$0x1];
	s4 =	sor.u32 s1, s3;
	s3 =	simm.s32 $0x0  }
0x4: {  	s9 =	simm.s32 $0x900;
	[smem:$0x7FF] =	sst s3  }
0x5: {  	s10 =	simm.s32 $0x1100;
	_ =	strace $0x8000004A;
	[dreg:$0x6] =	wrdreg s9  }
0x6: {  	s11 =	simm.s32 $0x1900;
	[dreg:$0x7] =	wrdreg s10  }
0x7: {  	s12 =	simm.s32 $0x2100;
	[dreg:$0x8] =	wrdreg s11  }
0x8: {  	s13 =	simm.s32 $0x2900;
	[dreg:$0x9] =	wrdreg s12  }
0x9: {  	s14 =	simm.s32 $0x3100;
	[dreg:$0xa] =	wrdreg s13  }
0xa: {  	s15 =	simm.s32 $0x3900;
	[dreg:$0xb] =	wrdreg s14  }
0xb: {  	s16 =	simm.s32 $0x4100;
	s17 =	simm.s32 $0x4900;
	[dreg:$0xc] =	wrdreg s15  }
0xc: {  	s18 =	simm.s32 $0x5100;
	s19 =	simm.s32 $0x5900;
	[dreg:$0xd] =	wrdreg s16  }
0xd: {  	s20 =	simm.s32 $0x6100;
	s21 =	simm.s32 $0x6900;
	[dreg:$0xe] =	wrdreg s17  }
0xe: {  	s23 =	simm.s32 $0x7100;
	s24 =	simm.s32 $0x7900;
	[dreg:$0xf] =	wrdreg s18  }
0xf: {  	s25 =	simm.s32 $0x8100;
	s26 =	simm.s32 $0x8900;
	[dreg:$0x10] =	wrdreg s19  }
0x10: {  	s28 =	simm.s32 $0x12900;
	s29 =	simm.s32 $0x13100;
	[dreg:$0x11] =	wrdreg s20  }
0x11: {  	s30 =	simm.s32 $0x13900;
	s31 =	simm.s32 $0x1;
	[dreg:$0x12] =	wrdreg s21  }
0x12: {  	s1 =	ssub.s32 $0x2, s1;
	s6 =	smul.u32 $0x14, s4;
	[dreg:$0x13] =	wrdreg s23  }
0x13: {  	s7 =	smul.u32 $0x14000, s4;
	s22 =	sshrl.u32 s1, $0x1;
	[dreg:$0x14] =	wrdreg s24  }
0x14: {  	s4 =	smul.u32 $0x2800, s4;
	s1 =	ssub.s32 s1, s22;
	[dreg:$0x15] =	wrdreg s25  }
0x15: {  	[dreg:$0x16] =	wrdreg s26;
	s9 =	simm.s32 $0x9900;
	s10 =	simm.s32 $0xA100  }
0x16: {  	s11 =	simm.s32 $0xA900;
	s12 =	simm.s32 $0xB100;
	s13 =	simm.s32 $0xB900  }
0x17: {  	s14 =	simm.s32 $0xC100;
	s15 =	simm.s32 $0xC900;
	s16 =	simm.s32 $0xD100  }
0x18: {  	s17 =	simm.s32 $0xD900;
	s18 =	simm.s32 $0xE100;
	s19 =	simm.s32 $0xE900  }
0x19: {  	s20 =	simm.s32 $0xF100;
	s21 =	simm.s32 $0xF900;
	s22 =	simm.s32 $0x10100  }
0x1a: {  	s23 =	simm.s32 $0x10900;
	s24 =	simm.s32 $0x11100;
	s25 =	simm.s32 $0x11900  }
0x1b: {  	s26 =	simm.s32 $0x12100;
	s6 =	sadd.s32 s6, s2;
	s7 =	sshrl.u32 s7, $0x3  }
0x1c: {  	s4 =	sadd.s32 s5, s4;
	s6 =	sadd.s32 $0x40600, s6;
	s5 =	sadd.s32 s5, s7  }
0x1d: {  	v2 =	vlaneseq.u32;
	[dreg:$0x4] =	wrdreg s4;
	s4 =	sadd.s32 $0x100, s2;
	s7 =	simm.s32 $0x100  }
0x1e: {  	vm0 =	vmmov $0xffff;
	v1 =	vshrl.u32 v2, $0x3;
	[dreg:$0x3] =	wrdreg s6;
	s8 =	sadd.s32 $0x1400, s5;
	s5 =	smax.u32 s1, $0x1  }
0x1f: {  	v0 =	vand.u32 $0x7, v2;
	v2 =	vor.u32 $0x8, v2;
	v1 =	vmul.u32 $0x8, v1;
	s6 =	simm.s32 $0x3;
	s1 =	simm.s32 $0x2;
	[dreg:$0x5] =	wrdreg s8  }
.LBB2_1:
0x20: {  	s0 =	rddreg [dreg:$0x3]  }
0x21: {  	[tilespmem:s3], [sflag:$0x3] =	stream.linear.gather [hbm4b:s0+s3], $0xA0, $0x38;
	[tilespmem:$0x14100] =	vst v63  }
0x22: {  	_ =	swait.ge [sflag:s6], $0xA0  }
0x23: {  	[sflag:s6] =	ssyncset.done $0x0  }
0x24: {  	[sflag:s6] =	ssyncadd.s32 $0xFFFFFF60  }
0x25: {  	v3 =	vld [tilespmem:$0x0];
	_ =	sdelay $0x4  }
0x26: {  	v4 =	vshll.u32 v3, $0x2  }
0x27: {  	v3 =	vand.u32 $0x7, v3;
	v4 =	vand.u32 $0xFFFFFFE0, v4  }
0x28: {  	v3 =	vor.u32 v3, v4  }
0x29: {  	v4 =	vperm.xlane v3, v0;
	_ =	sdelay $0x1  }
0x2a: {  	v4 =	vadd.s32 v1, v4;
	_ =	sdelay $0x1  }
0x2b: {  	v3 =	vperm.xlane v3, v2;
	_ =	sdelay $0x1  }
0x2c: {  	v3 =	vadd.s32 v1, v3  }
0x2d: {  	[tilespmem:s7], [sflag:$0x1] =	stream.indirect_vreg.gather [hbm4b:s2+s3], $0x80, v4, vm0, $0xb8;
	[tilespmem:$0x14100] =	vst v63  }
0x2e: {  	s0 =	rddreg [dreg:$0x6]  }
0x2f: {  	[tilespmem:s0], [sflag:$0x1] =	stream.indirect_vreg.gather [hbm4b:s4+s3], $0x80, v4, vm0, $0xb8;
	[tilespmem:$0x14100] =	vst v63  }
0x30: {  	s8 =	rddreg [dreg:$0x7]  }
0x31: {  	[tilespmem:s8], [sflag:$0x1] =	stream.indirect_vreg.gather [hbm4b:s2+s3], $0x80, v3, vm0, $0xb8;
	[tilespmem:$0x14100] =	vst v63  }
0x32: {  	s0 =	rddreg [dreg:$0x8]  }
0x33: {  	[tilespmem:s0], [sflag:$0x1] =	stream.indirect_vreg.gather [hbm4b:s4+s3], $0x80, v3, vm0, $0xb8;
	[tilespmem:$0x14100] =	vst v63  }
0x34: {  	v3 =	vld [tilespmem:$0x10];
	_ =	sdelay $0x4  }
0x35: {  	v55 =	vshll.u32 v3, $0x2  }
0x36: {  	v3 =	vand.u32 $0x7, v3;
	v4 =	vand.u32 $0xFFFFFFE0, v55  }
0x37: {  	v3 =	vor.u32 v3, v4  }
0x38: {  	v4 =	vperm.xlane v3, v0;
	_ =	sdelay $0x1  }
0x39: {  	v4 =	vadd.s32 v1, v4;
	_ =	sdelay $0x1  }
0x3a: {  	v3 =	vperm.xlane v3, v2;
	_ =	sdelay $0x1  }
0x3b: {  	s0 =	rddreg [dreg:$0x9];
	v3 =	vadd.s32 v1, v3  }
0x3c: {  	[tilespmem:s0], [sflag:$0x1] =	stream.indirect_vreg.gather [hbm4b:s2+s3], $0x80, v4, vm0, $0xb8;
	[tilespmem:$0x14100] =	vst v63  }
0x3d: {  	s8 =	rddreg [dreg:$0xa]  }
0x3e: {  	[tilespmem:s8], [sflag:$0x1] =	stream.indirect_vreg.gather [hbm4b:s4+s3], $0x80, v4, vm0, $0xb8;
	[tilespmem:$0x14100] =	vst v63  }
0x3f: {  	s0 =	rddreg [dreg:$0xb]  }
0x40: {  	[tilespmem:s0], [sflag:$0x1] =	stream.indirect_vreg.gather [hbm4b:s2+s3], $0x80, v3, vm0, $0xb8;
	[tilespmem:$0x14100] =	vst v63  }
0x41: {  	s8 =	rddreg [dreg:$0xc]  }
0x42: {  	[tilespmem:s8], [sflag:$0x1] =	stream.indirect_vreg.gather [hbm4b:s4+s3], $0x80, v3, vm0, $0xb8;
	[tilespmem:$0x14100] =	vst v63  }
0x43: {  	v3 =	vld [tilespmem:$0x20];
	_ =	sdelay $0x4  }
0x44: {  	v56 =	vshll.u32 v3, $0x2  }
0x45: {  	v3 =	vand.u32 $0x7, v3;
	v4 =	vand.u32 $0xFFFFFFE0, v56  }
0x46: {  	v3 =	vor.u32 v3, v4  }
0x47: {  	v4 =	vperm.xlane v3, v0;
	_ =	sdelay $0x1  }
0x48: {  	v4 =	vadd.s32 v1, v4;
	_ =	sdelay $0x1  }
0x49: {  	v3 =	vperm.xlane v3, v2;
	_ =	sdelay $0x1  }
0x4a: {  	s0 =	rddreg [dreg:$0xd];
	v3 =	vadd.s32 v1, v3  }
0x4b: {  	[tilespmem:s0], [sflag:$0x1] =	stream.indirect_vreg.gather [hbm4b:s2+s3], $0x80, v4, vm0, $0xb8;
	[tilespmem:$0x14100] =	vst v63  }
0x4c: {  	s8 =	rddreg [dreg:$0xe]  }
0x4d: {  	[tilespmem:s8], [sflag:$0x1] =	stream.indirect_vreg.gather [hbm4b:s4+s3], $0x80, v4, vm0, $0xb8;
	[tilespmem:$0x14100] =	vst v63  }
0x4e: {  	s0 =	rddreg [dreg:$0xf]  }
0x4f: {  	[tilespmem:s0], [sflag:$0x1] =	stream.indirect_vreg.gather [hbm4b:s2+s3], $0x80, v3, vm0, $0xb8;
	[tilespmem:$0x14100] =	vst v63  }
0x50: {  	s8 =	rddreg [dreg:$0x10]  }
0x51: {  	[tilespmem:s8], [sflag:$0x1] =	stream.indirect_vreg.gather [hbm4b:s4+s3], $0x80, v3, vm0, $0xb8;
	[tilespmem:$0x14100] =	vst v63  }
0x52: {  	v3 =	vld [tilespmem:$0x30];
	_ =	sdelay $0x4  }
0x53: {  	v57 =	vshll.u32 v3, $0x2  }
0x54: {  	v3 =	vand.u32 $0x7, v3;
	v4 =	vand.u32 $0xFFFFFFE0, v57  }
0x55: {  	v3 =	vor.u32 v3, v4  }
0x56: {  	v4 =	vperm.xlane v3, v0;
	_ =	sdelay $0x1  }
0x57: {  	v4 =	vadd.s32 v1, v4;
	_ =	sdelay $0x1  }
0x58: {  	v3 =	vperm.xlane v3, v2;
	_ =	sdelay $0x1  }
0x59: {  	s0 =	rddreg [dreg:$0x11];
	v3 =	vadd.s32 v1, v3  }
0x5a: {  	[tilespmem:s0], [sflag:$0x1] =	stream.indirect_vreg.gather [hbm4b:s2+s3], $0x80, v4, vm0, $0xb8;
	[tilespmem:$0x14100] =	vst v63  }
0x5b: {  	s8 =	rddreg [dreg:$0x12]  }
0x5c: {  	[tilespmem:s8], [sflag:$0x1] =	stream.indirect_vreg.gather [hbm4b:s4+s3], $0x80, v4, vm0, $0xb8;
	[tilespmem:$0x14100] =	vst v63  }
0x5d: {  	s0 =	rddreg [dreg:$0x13]  }
0x5e: {  	[tilespmem:s0], [sflag:$0x1] =	stream.indirect_vreg.gather [hbm4b:s2+s3], $0x80, v3, vm0, $0xb8;
	[tilespmem:$0x14100] =	vst v63  }
0x5f: {  	s8 =	rddreg [dreg:$0x14]  }
0x60: {  	[tilespmem:s8], [sflag:$0x1] =	stream.indirect_vreg.gather [hbm4b:s4+s3], $0x80, v3, vm0, $0xb8;
	[tilespmem:$0x14100] =	vst v63  }
0x61: {  	v3 =	vld [tilespmem:$0x40];
	_ =	sdelay $0x4  }
0x62: {  	v58 =	vshll.u32 v3, $0x2  }
0x63: {  	v3 =	vand.u32 $0x7, v3;
	v4 =	vand.u32 $0xFFFFFFE0, v58  }
0x64: {  	v3 =	vor.u32 v3, v4  }
0x65: {  	v4 =	vperm.xlane v3, v0;
	_ =	sdelay $0x1  }
0x66: {  	v4 =	vadd.s32 v1, v4;
	_ =	sdelay $0x1  }
0x67: {  	v3 =	vperm.xlane v3, v2;
	_ =	sdelay $0x1  }
0x68: {  	s0 =	rddreg [dreg:$0x15];
	v3 =	vadd.s32 v1, v3  }
0x69: {  	[tilespmem:s0], [sflag:$0x1] =	stream.indirect_vreg.gather [hbm4b:s2+s3], $0x80, v4, vm0, $0xb8;
	[tilespmem:$0x14100] =	vst v63  }
0x6a: {  	s8 =	rddreg [dreg:$0x16]  }
0x6b: {  	[tilespmem:s8], [sflag:$0x1] =	stream.indirect_vreg.gather [hbm4b:s4+s3], $0x80, v4, vm0, $0xb8;
	[tilespmem:$0x14100] =	vst v63  }
0x6c: {  	s8 =	simm.s32 $0x9100  }
0x6d: {  	[tilespmem:s8], [sflag:$0x1] =	stream.indirect_vreg.gather [hbm4b:s2+s3], $0x80, v3, vm0, $0xb8;
	[tilespmem:$0x14100] =	vst v63  }
0x6e: {  	_ = 	snop  }
0x6f: {  	[tilespmem:s9], [sflag:$0x1] =	stream.indirect_vreg.gather [hbm4b:s4+s3], $0x80, v3, vm0, $0xb8;
	[tilespmem:$0x14100] =	vst v63  }
0x70: {  	v3 =	vld [tilespmem:$0x50];
	_ =	sdelay $0x4  }
0x71: {  	v59 =	vshll.u32 v3, $0x2  }
0x72: {  	v3 =	vand.u32 $0x7, v3;
	v4 =	vand.u32 $0xFFFFFFE0, v59  }
0x73: {  	v3 =	vor.u32 v3, v4  }
0x74: {  	v4 =	vperm.xlane v3, v0;
	_ =	sdelay $0x1  }
0x75: {  	v4 =	vadd.s32 v1, v4;
	_ =	sdelay $0x1  }
0x76: {  	v3 =	vperm.xlane v3, v2;
	_ =	sdelay $0x1  }
0x77: {  	v3 =	vadd.s32 v1, v3  }
0x78: {  	[tilespmem:s10], [sflag:$0x2] =	stream.indirect_vreg.gather [hbm4b:s2+s3], $0x80, v4, vm0, $0xb8;
	[tilespmem:$0x14100] =	vst v63  }
0x79: {  	_ = 	snop  }
0x7a: {  	[tilespmem:s11], [sflag:$0x2] =	stream.indirect_vreg.gather [hbm4b:s4+s3], $0x80, v4, vm0, $0xb8;
	[tilespmem:$0x14100] =	vst v63  }
0x7b: {  	_ = 	snop  }
0x7c: {  	[tilespmem:s12], [sflag:$0x2] =	stream.indirect_vreg.gather [hbm4b:s2+s3], $0x80, v3, vm0, $0xb8;
	[tilespmem:$0x14100] =	vst v63  }
0x7d: {  	_ = 	snop  }
0x7e: {  	[tilespmem:s13], [sflag:$0x2] =	stream.indirect_vreg.gather [hbm4b:s4+s3], $0x80, v3, vm0, $0xb8;
	[tilespmem:$0x14100] =	vst v63  }
0x7f: {  	v3 =	vld [tilespmem:$0x60];
	_ =	sdelay $0x4  }
0x80: {  	v60 =	vshll.u32 v3, $0x2  }
0x81: {  	v3 =	vand.u32 $0x7, v3;
	v4 =	vand.u32 $0xFFFFFFE0, v60  }
0x82: {  	v3 =	vor.u32 v3, v4  }
0x83: {  	v4 =	vperm.xlane v3, v0;
	_ =	sdelay $0x1  }
0x84: {  	v4 =	vadd.s32 v1, v4;
	_ =	sdelay $0x1  }
0x85: {  	v3 =	vperm.xlane v3, v2;
	_ =	sdelay $0x1  }
0x86: {  	v3 =	vadd.s32 v1, v3  }
0x87: {  	[tilespmem:s14], [sflag:$0x2] =	stream.indirect_vreg.gather [hbm4b:s2+s3], $0x80, v4, vm0, $0xb8;
	[tilespmem:$0x14100] =	vst v63  }
0x88: {  	_ = 	snop  }
0x89: {  	[tilespmem:s15], [sflag:$0x2] =	stream.indirect_vreg.gather [hbm4b:s4+s3], $0x80, v4, vm0, $0xb8;
	[tilespmem:$0x14100] =	vst v63  }
0x8a: {  	_ = 	snop  }
0x8b: {  	[tilespmem:s16], [sflag:$0x2] =	stream.indirect_vreg.gather [hbm4b:s2+s3], $0x80, v3, vm0, $0xb8;
	[tilespmem:$0x14100] =	vst v63  }
0x8c: {  	_ = 	snop  }
0x8d: {  	[tilespmem:s17], [sflag:$0x2] =	stream.indirect_vreg.gather [hbm4b:s4+s3], $0x80, v3, vm0, $0xb8;
	[tilespmem:$0x14100] =	vst v63  }
0x8e: {  	v3 =	vld [tilespmem:$0x70];
	_ =	sdelay $0x4  }
0x8f: {  	v61 =	vshll.u32 v3, $0x2  }
0x90: {  	v3 =	vand.u32 $0x7, v3;
	v4 =	vand.u32 $0xFFFFFFE0, v61  }
0x91: {  	v3 =	vor.u32 v3, v4  }
0x92: {  	v4 =	vperm.xlane v3, v0;
	_ =	sdelay $0x1  }
0x93: {  	v4 =	vadd.s32 v1, v4;
	_ =	sdelay $0x1  }
0x94: {  	v3 =	vperm.xlane v3, v2;
	_ =	sdelay $0x1  }
0x95: {  	v3 =	vadd.s32 v1, v3  }
0x96: {  	[tilespmem:s18], [sflag:$0x2] =	stream.indirect_vreg.gather [hbm4b:s2+s3], $0x80, v4, vm0, $0xb8;
	[tilespmem:$0x14100] =	vst v63  }
0x97: {  	_ = 	snop  }
0x98: {  	[tilespmem:s19], [sflag:$0x2] =	stream.indirect_vreg.gather [hbm4b:s4+s3], $0x80, v4, vm0, $0xb8;
	[tilespmem:$0x14100] =	vst v63  }
0x99: {  	_ = 	snop  }
0x9a: {  	[tilespmem:s20], [sflag:$0x2] =	stream.indirect_vreg.gather [hbm4b:s2+s3], $0x80, v3, vm0, $0xb8;
	[tilespmem:$0x14100] =	vst v63  }
0x9b: {  	_ = 	snop  }
0x9c: {  	[tilespmem:s21], [sflag:$0x2] =	stream.indirect_vreg.gather [hbm4b:s4+s3], $0x80, v3, vm0, $0xb8;
	[tilespmem:$0x14100] =	vst v63  }
0x9d: {  	v3 =	vld [tilespmem:$0x80];
	_ =	sdelay $0x4  }
0x9e: {  	v62 =	vshll.u32 v3, $0x2  }
0x9f: {  	v3 =	vand.u32 $0x7, v3;
	v4 =	vand.u32 $0xFFFFFFE0, v62  }
0xa0: {  	v3 =	vor.u32 v3, v4  }
0xa1: {  	v4 =	vperm.xlane v3, v0;
	_ =	sdelay $0x1  }
0xa2: {  	v4 =	vadd.s32 v1, v4;
	_ =	sdelay $0x1  }
0xa3: {  	v3 =	vperm.xlane v3, v2;
	_ =	sdelay $0x1  }
0xa4: {  	v3 =	vadd.s32 v1, v3  }
0xa5: {  	[tilespmem:s22], [sflag:$0x2] =	stream.indirect_vreg.gather [hbm4b:s2+s3], $0x80, v4, vm0, $0xb8;
	[tilespmem:$0x14100] =	vst v63  }
0xa6: {  	_ = 	snop  }
0xa7: {  	[tilespmem:s23], [sflag:$0x2] =	stream.indirect_vreg.gather [hbm4b:s4+s3], $0x80, v4, vm0, $0xb8;
	[tilespmem:$0x14100] =	vst v63  }
0xa8: {  	_ = 	snop  }
0xa9: {  	[tilespmem:s24], [sflag:$0x2] =	stream.indirect_vreg.gather [hbm4b:s2+s3], $0x80, v3, vm0, $0xb8;
	[tilespmem:$0x14100] =	vst v63  }
0xaa: {  	_ = 	snop  }
0xab: {  	[tilespmem:s25], [sflag:$0x2] =	stream.indirect_vreg.gather [hbm4b:s4+s3], $0x80, v3, vm0, $0xb8;
	[tilespmem:$0x14100] =	vst v63  }
0xac: {  	v3 =	vld [tilespmem:$0x90];
	_ =	sdelay $0x4  }
0xad: {  	v63 =	vshll.u32 v3, $0x2  }
0xae: {  	v3 =	vand.u32 $0x7, v3;
	v4 =	vand.u32 $0xFFFFFFE0, v63  }
0xaf: {  	v3 =	vor.u32 v3, v4  }
0xb0: {  	v4 =	vperm.xlane v3, v0;
	_ =	sdelay $0x1  }
0xb1: {  	v4 =	vadd.s32 v1, v4;
	_ =	sdelay $0x1  }
0xb2: {  	v3 =	vperm.xlane v3, v2;
	_ =	sdelay $0x1  }
0xb3: {  	v3 =	vadd.s32 v1, v3  }
0xb4: {  	[tilespmem:s26], [sflag:$0x2] =	stream.indirect_vreg.gather [hbm4b:s2+s3], $0x80, v4, vm0, $0xb8;
	[tilespmem:$0x14100] =	vst v63  }
0xb5: {  	_ = 	snop  }
0xb6: {  	[tilespmem:s28], [sflag:$0x2] =	stream.indirect_vreg.gather [hbm4b:s4+s3], $0x80, v4, vm0, $0xb8;
	[tilespmem:$0x14100] =	vst v63  }
0xb7: {  	_ = 	snop  }
0xb8: {  	[tilespmem:s29], [sflag:$0x2] =	stream.indirect_vreg.gather [hbm4b:s2+s3], $0x80, v3, vm0, $0xb8;
	[tilespmem:$0x14100] =	vst v63  }
0xb9: {  	_ = 	snop  }
0xba: {  	[tilespmem:s30], [sflag:$0x2] =	stream.indirect_vreg.gather [hbm4b:s4+s3], $0x80, v3, vm0, $0xb8;
	[tilespmem:$0x14100] =	vst v63  }
0xbb: {  	_ =	swait.ge [sflag:s31], $0xA000  }
0xbc: {  	[sflag:s31] =	ssyncset.done $0x0  }
0xbd: {  	s8 =	rddreg [dreg:$0x4];
	[sflag:s31] =	ssyncadd.s32 $0xFFFF6000  }
0xbe: {  	[hbm4b:s8+s3] =	stream.linear.scatter [tilespmem:s7], [sflag:$0x3], $0xA000, $0x38;
	[tilespmem:$0x14100] =	vst v63  }
0xbf: {  	_ =	swait.ge [sflag:s6], $0xA000  }
0xc0: {  	[sflag:s6] =	ssyncset.done $0x0  }
0xc1: {  	[sflag:s6] =	ssyncadd.s32 $0xFFFF6000  }
0xc2: {  	_ =	swait.ge [sflag:s1], $0xA000  }
0xc3: {  	p0 =	sne.s32 s5, $0x1;
	[sflag:s1] =	ssyncset.done $0x0  }
.Ltmp0:
0xc4: {  	s8 =	rddreg [dreg:$0x5];
	[sflag:s1] =	ssyncadd.s32 $0xFFFF6000;
	(pc) =	sbr.rel @p0 .LBB2_1-.Ltmp0, $4  }
0xc5: {  	[hbm4b:s8+s3] =	stream.linear.scatter [tilespmem:s10], [sflag:$0x3], $0xA000, $0x38;
	[tilespmem:$0x14100] =	vst v63  }
0xc6: {  	_ =	swait.ge [sflag:s6], $0xA000  }
0xc7: {  	[sflag:s6] =	ssyncset.done $0x0  }
0xc8: {  	s5 =	sadd.s32 $0xFFFFFFFF, s5;
	[sflag:s6] =	ssyncadd.s32 $0xFFFF6000  }
0xc9: {  	_ =	sfence.sel $0x180000  }
0xca: {  	[bflag:$0x0] =	sbarrier.arrive $0xFFFF  }
0xcb: {  	_ =	strace $0x9000004A  }
0xcc: {  	s0 =	stileid.u32;
	[bflag:$0x2] =	sbarrier.arrive $0xFFFF  }
0xcd: {  	p0 =	sne.s32 s0, $0x0;
	s0 =	rddreg [dreg:$0x2]  }
0xce: {  	s0 =	sadd.s32 @!p0 $0x100000, s0  }
0xcf: {  	[sflag:s0] =	ssyncadd.tile.s32 @!p0 $0x1;
	_ =	shalt  }
.Lfunc_end2:
_tile_overlayer_lowered:
.L_overlay_start_2:
0xd0: {  	(tag) =	ssettag $0x2  }
0xd1: {  	s0 =	rddreg [dreg:$0x0];
	s2 =	stileid.u32  }
0xd2: {  	s1 =	rddreg [dreg:$0x1];
	p0 =	sne.s32 s2, $0x0  }
0xd3: {  	s3 =	rddreg [dreg:$0x2];
	[bflag:$0x3] =	sbarrier.arrive $0xFFFF;
	s2 =	simm.s32 @!p0 $0x1C03  }
0xd4: {  	[timem:s3], [sflag:s2] =	dma.local @!p0 [hbm:s0], s1  }
0xd5: {  	s0 =	simm.s32 @!p0 $0x3  }
0xd6: {  	_ =	swait.ge @!p0 [sflag:s0], s1  }
0xd7: {  	s1 =	ssub.s32 @!p0 $0x0, s1;
	[sflag:s0] =	ssyncset.done @!p0 $0x0  }
0xd8: {  	[sflag:s0] =	ssyncadd.s32 @!p0 s1  }
0xd9: {  	[bflag:$0x3] =	sbarrier.arrive $0xFFFF  }
0xda: {  	_ =	shalt  }

</sc_bundles>
